<compile_context>
chip_gen: v7x
topology: tpu7x:2x2x1
jax: 0.10.2.dev20260603
libtpu: 0.0.44.dev20260713+nightly
codegen_flags: <defaults>
</compile_context>

<pallas_src>
import functools

import jax
import jax.numpy as jnp
from jax import lax
from jax.experimental import pallas as pl
from jax.experimental.pallas import tpu as pltpu
from jax.experimental.pallas import tpu_sc as plsc

N = 10000
E = 320000
D = 128
HD = D // 2
N_PAD = 10240
NC, NS = 2, 16
NW = NC * NS
B = 80
E_PAD = 320000
EPT = E_PAD // NS
NB = EPT // B
NB2 = E_PAD // NW // B
NSLOT = 4
RPT = N_PAD // NS
R = 2048
GRID = N_PAD // R

f32 = jnp.float32



@functools.lru_cache(maxsize=None)
def _sc_kernels():
  mesh = plsc.VectorSubcoreMesh(core_axis_name="c", subcore_axis_name="s")

  @functools.partial(
      pl.kernel,
      out_type=jax.ShapeDtypeStruct((NW, N_PAD), f32),
      mesh=mesh,
      scratch_types=[
          pltpu.VMEM((NB2, B), jnp.int32),
          pltpu.VMEM((N_PAD,), f32),
      ],
      compiler_params=pltpu.CompilerParams(needs_layout_passes=False),
  )
  def deg_kernel(dst_hbm, out_hbm, dbuf, hist):
    cid = lax.axis_index("c")
    sid = lax.axis_index("s")
    gid = cid * NS + sid
    pltpu.sync_copy(dst_hbm.at[gid], dbuf)
    zv = jnp.zeros((16,), f32)

    def zbody(i, c):
      hist[pl.ds(pl.multiple_of(i * 16, 16), 16)] = zv
      return c

    lax.fori_loop(jnp.int32(0), jnp.int32(N_PAD // 16), zbody, jnp.int32(0))
    ones = jnp.ones((16,), f32)

    def ebody(j, c):
      def kbody(k, c2):
        idx = dbuf[j, pl.ds(pl.multiple_of(k * 16, 16), 16)]
        plsc.addupdate_scatter(hist, [idx], ones)
        return c2

      return lax.fori_loop(jnp.int32(0), jnp.int32(B // 16), kbody, c)

    lax.fori_loop(jnp.int32(0), jnp.int32(NB2), ebody, jnp.int32(0))
    pltpu.sync_copy(hist, out_hbm.at[gid])

  @functools.partial(
      pl.kernel,
      out_type=jax.ShapeDtypeStruct((NC, N_PAD, HD), f32),
      mesh=mesh,
      scratch_types=[
          pltpu.VMEM((NB, B), jnp.int32),
          pltpu.VMEM((NB, B), jnp.int32),
          [pltpu.VMEM((B, HD), f32)] * 2,
          pltpu.VMEM_SHARED((N_PAD, HD), f32),
          [pltpu.SemaphoreType.DMA] * 2,
      ],
      compiler_params=pltpu.CompilerParams(use_tc_tiling_on_sc=False),
  )
  def edge_kernel(hws_hbm, src_hbm, dst_hbm, out,
                  sbuf, dbuf, rows, acc_sh, gsem):
    cid = lax.axis_index("c")
    sid = lax.axis_index("s")
    row0 = sid * RPT

    zv = jnp.zeros((16,), f32)

    def zbody(i, c):
      r = i // (HD // 16)
      col = (i % (HD // 16)) * 16
      rows[0][r, pl.ds(pl.multiple_of(col, 16), 16)] = zv
      return c

    lax.fori_loop(jnp.int32(0), jnp.int32(B * HD // 16), zbody, jnp.int32(0))
    for k in range(RPT // B):
      pltpu.sync_copy(rows[0], acc_sh.at[pl.ds(row0 + k * B, B)])

    pltpu.sync_copy(src_hbm.at[sid], sbuf)
    pltpu.sync_copy(dst_hbm.at[sid], dbuf)
    plsc.subcore_barrier()

    table = hws_hbm.at[cid]

    def gather(j, k):
      j = jnp.int32(j)
      return pltpu.make_async_copy(table.at[sbuf.at[j]], rows[k], gsem[k])

    def scatter(j, k):
      j = jnp.int32(j)
      pltpu.sync_copy(rows[k], acc_sh.at[dbuf.at[j]], add=True)

    gather(0, 0).start()

    def pbody(i, c):
      ja = i * 2
      jb = ja + 1
      gather(jb, 1).start()
      gather(ja, 0).wait()
      scatter(ja, 0)
      gather(ja + 2, 0).start()
      gather(jb, 1).wait()
      scatter(jb, 1)
      return c

    lax.fori_loop(jnp.int32(0), jnp.int32((NB - 2) // 2), pbody, jnp.int32(0))
    gather(NB - 1, 1).start()
    gather(NB - 2, 0).wait()
    scatter(NB - 2, 0)
    gather(NB - 1, 1).wait()
    scatter(NB - 1, 1)

    plsc.subcore_barrier()
    pltpu.sync_copy(acc_sh.at[pl.ds(row0, RPT)], out.at[cid, pl.ds(row0, RPT)])

  return deg_kernel, edge_kernel



def _ln(t, g, b):
  m = jnp.mean(t, axis=-1, keepdims=True)
  c = t - m
  v = jnp.mean(c * c, axis=-1, keepdims=True)
  return c * lax.rsqrt(v + 1e-5) * g + b


def _elu(t):
  return jnp.where(t > 0, t, jnp.exp(jnp.minimum(t, 0.0)) - 1.0)


def _dot(a, b):
  return jnp.dot(a, b, preferred_element_type=f32,
                 precision=lax.Precision.HIGHEST)


def _split_store(out_ref, t):
  out_ref[0] = t[:, :HD]
  out_ref[1] = t[:, HD:]


def _unsplit(ref):
  return jnp.concatenate([ref[0], ref[1]], axis=-1)


def _enc_body(x_ref, win_ref, bin_ref, wg0_ref, hist_ref, hws_ref, dis_ref):
  h = jnp.maximum(_dot(x_ref[...], win_ref[...]) + bin_ref[...], 0.0)
  deg = jnp.sum(hist_ref[...], axis=1, keepdims=True) + 1.0
  dis = lax.rsqrt(deg)
  dis_ref[...] = dis
  _split_store(hws_ref, _dot(h, wg0_ref[...]) * dis)


def _mid_body(acc_ref, hws_ref, dis_ref, bg_ref, lng_ref, lnb_ref,
              wg1_ref, out_ref):
  dis = dis_ref[...]
  t = (_unsplit(acc_ref) + _unsplit(hws_ref)) * dis + bg_ref[...]
  h = _elu(_ln(t, lng_ref[...], lnb_ref[...]))
  _split_store(out_ref, _dot(h, wg1_ref[...]) * dis)


def _tail_body(acc_ref, hws_ref, dis_ref, bg_ref, lng_ref, lnb_ref,
               wout_ref, bout_ref, ln2g_ref, ln2b_ref, w1_ref, b1_ref,
               w2t_ref, b2_ref, w3t_ref, b3_ref, out_ref):
  t = (_unsplit(acc_ref) + _unsplit(hws_ref)) * dis_ref[...] + bg_ref[...]
  h = _elu(_ln(t, lng_ref[...], lnb_ref[...]))
  ne = _ln(jnp.maximum(_dot(h, wout_ref[...]) + bout_ref[...], 0.0),
           ln2g_ref[...], ln2b_ref[...])
  y = jnp.maximum(_dot(ne, w1_ref[...]) + b1_ref[...], 0.0)
  w2t = w2t_ref[...]
  cols = [jnp.sum(y * w2t[k:k + 1, :], axis=1, keepdims=True)
          for k in range(w2t.shape[0])]
  y = jnp.maximum(jnp.concatenate(cols, axis=1) + b2_ref[...], 0.0)
  out_ref[...] = jnp.sum(y * w3t_ref[...], axis=1, keepdims=True) + b3_ref[...]


def _row_spec(w):
  return pl.BlockSpec((R, w), lambda i: (i, jnp.int32(0)))


def _split_spec():
  return pl.BlockSpec((2, R, HD), lambda i: (jnp.int32(0), i, jnp.int32(0)))


def _full_spec(h, w):
  return pl.BlockSpec((h, w), lambda i: (jnp.int32(0), jnp.int32(0)))


_SPLIT_SHAPE = jax.ShapeDtypeStruct((2, N_PAD, HD), f32)


def _enc_call(x_pad, w_in, b_in, wg0, hist_t):
  return pl.pallas_call(
      _enc_body,
      grid=(GRID,),
      in_specs=[
          _row_spec(D), _full_spec(D, D), _full_spec(1, D), _full_spec(D, D),
          _row_spec(NW),
      ],
      out_specs=[_split_spec(), _row_spec(1)],
      out_shape=[_SPLIT_SHAPE, jax.ShapeDtypeStruct((N_PAD, 1), f32)],
  )(x_pad, w_in, b_in, wg0, hist_t)


def _mid_call(acc, hws, dis, bg, lng, lnb, wg1):
  return pl.pallas_call(
      _mid_body,
      grid=(GRID,),
      in_specs=[
          _split_spec(), _split_spec(), _row_spec(1),
          _full_spec(1, D), _full_spec(1, D), _full_spec(1, D),
          _full_spec(D, D),
      ],
      out_specs=_split_spec(),
      out_shape=_SPLIT_SHAPE,
  )(acc, hws, dis, bg, lng, lnb, wg1)


def _tail_call(acc, hws, dis, bg, lng, lnb, wout, bout, ln2g, ln2b,
               w1, b1, w2t, b2, w3t, b3):
  h1 = w1.shape[1]
  h2 = w2t.shape[0]
  return pl.pallas_call(
      _tail_body,
      grid=(GRID,),
      in_specs=[
          _split_spec(), _split_spec(), _row_spec(1),
          _full_spec(1, D), _full_spec(1, D), _full_spec(1, D),
          _full_spec(D, D), _full_spec(1, D),
          _full_spec(1, D), _full_spec(1, D),
          _full_spec(D, h1), _full_spec(1, h1),
          _full_spec(h2, h1), _full_spec(1, h2),
          _full_spec(1, h2), _full_spec(1, 1),
      ],
      out_specs=_row_spec(1),
      out_shape=jax.ShapeDtypeStruct((N_PAD, 1), f32),
  )(acc, hws, dis, bg, lng, lnb, wout, bout, ln2g, ln2b,
    w1, b1, w2t, b2, w3t, b3)



def kernel(x, edge_index, W_in, b_in, Wg0, bg0, ln0_g, ln0_b, Wg1, bg1,
           ln1_g, ln1_b, W_out, b_out, ln2_g, ln2_b, W1, b1, W2, b2, W3, b3):
  deg_kernel, edge_kernel = _sc_kernels()

  ei = edge_index.astype(jnp.int32)
  npad = E_PAD - E
  src_p = jnp.concatenate([ei[0], jnp.zeros((npad,), jnp.int32)])
  dst_p = jnp.concatenate([ei[1], jnp.full((npad,), N_PAD - 1, jnp.int32)])
  src3 = src_p.reshape(NS, NB, B)
  dst3 = dst_p.reshape(NS, NB, B)
  dst3d = dst_p.reshape(NW, NB2, B)
  x_pad = jnp.pad(x.astype(f32), ((0, N_PAD - N), (0, 0)))

  row = lambda a: a.astype(f32).reshape(1, -1)
  b_in_, bg0_, bg1_, b_out_ = row(b_in), row(bg0), row(bg1), row(b_out)
  ln0g_, ln0b_ = row(ln0_g), row(ln0_b)
  ln1g_, ln1b_ = row(ln1_g), row(ln1_b)
  ln2g_, ln2b_ = row(ln2_g), row(ln2_b)
  b1_, b2_, b3_ = row(b1), row(b2), row(b3)

  hist = deg_kernel(dst3d)
  hist_t = jnp.swapaxes(hist, 0, 1)

  hws0, dis = _enc_call(x_pad, W_in.astype(f32), b_in_, Wg0.astype(f32),
                        hist_t)
  acc0 = edge_kernel(hws0, src3, dst3)
  hws1 = _mid_call(acc0, hws0, dis, bg0_, ln0g_, ln0b_, Wg1.astype(f32))
  acc1 = edge_kernel(hws1, src3, dst3)
  out = _tail_call(acc1, hws1, dis, bg1_, ln1g_, ln1b_,
                   W_out.astype(f32), b_out_, ln2g_, ln2b_,
                   W1.astype(f32), b1_, W2.astype(f32).T, b2_,
                   W3.astype(f32).T, b3_)
  return out[:N, 0].astype(jnp.float64)

# --- scband reference (transcript-rebuilt; emitter-appended) ---
"""Pipeline reference for scband-gnn-44985487458615 (READ-ONLY COPY).

The authoritative reference and input builder live on the scoring server;
editing this copy changes nothing except your own understanding.
"""

import jax, jax.numpy as jnp
import numpy as np
jax.config.update("jax_enable_x64", True)

N, E, D = 10000, 320000, 128
H1, H2 = 32, 8

def _layer_norm(h, g, b, eps=1e-5):
    m = jnp.mean(h, axis=-1, keepdims=True)
    v = jnp.var(h, axis=-1, keepdims=True)
    return (h - m) / jnp.sqrt(v + eps) * g + b

def _gcn_conv(h, src, dst, W, b, n):
    deg = jnp.zeros((n,), h.dtype).at[dst].add(1.0)
    dis = jnp.where(deg > 0, 1.0 / jnp.sqrt(deg), 0.0)
    norm = dis[src] * dis[dst]
    hw = h @ W
    msg = hw[src] * norm[:, None]
    out = jnp.zeros_like(hw).at[dst].add(msg)
    return out + b

def setup_inputs(seed: int = 0):
    key = jax.random.key(seed)
    ks = jax.random.split(key, 16)
    inp = {}
    inp["x"] = jax.random.normal(ks[0], (N, D), dtype=jnp.float32)
    inp["edge_index"] = jax.random.randint(ks[1], (2, E), 0, N, dtype=jnp.int64)
    def lin(k, din, dout):
        return (jax.random.normal(k, (din, dout), dtype=jnp.float32) / np.sqrt(din), jnp.zeros((dout,), jnp.float32))
    inp["W_in"], inp["b_in"] = lin(ks[2], D, D)
    inp["Wg0"], inp["bg0"] = lin(ks[3], D, D)
    inp["ln0_g"] = jnp.ones((D,), jnp.float32); inp["ln0_b"] = jnp.zeros((D,), jnp.float32)
    inp["Wg1"], inp["bg1"] = lin(ks[4], D, D)
    inp["ln1_g"] = jnp.ones((D,), jnp.float32); inp["ln1_b"] = jnp.zeros((D,), jnp.float32)
    inp["W_out"], inp["b_out"] = lin(ks[5], D, D)
    inp["ln2_g"] = jnp.ones((D,), jnp.float32); inp["ln2_b"] = jnp.zeros((D,), jnp.float32)
    inp["W1"], inp["b1"] = lin(ks[6], D, H1)
    inp["W2"], inp["b2"] = lin(ks[7], H1, H2)
    inp["W3"], inp["b3"] = lin(ks[8], H2, 1)
    return inp

def reference(x, edge_index, W_in, b_in, Wg0, bg0, ln0_g, ln0_b, Wg1, bg1, ln1_g, ln1_b, W_out, b_out, ln2_g, ln2_b, W1, b1, W2, b2, W3, b3):
    n = x.shape[0]
    loop = jnp.arange(n, dtype=edge_index.dtype)
    src = jnp.concatenate([edge_index[0], loop])
    dst = jnp.concatenate([edge_index[1], loop])
    # Encoder: node_in_fc
    h = jax.nn.relu(x @ W_in + b_in)
    # GCN layers with LayerNorm + ELU (skip_conn=False)
    h = jax.nn.elu(_layer_norm(_gcn_conv(h, src, dst, Wg0, bg0, n), ln0_g, ln0_b))
    h = jax.nn.elu(_layer_norm(_gcn_conv(h, src, dst, Wg1, bg1, n), ln1_g, ln1_b))
    # node_out_fc + final LayerNorm (graph_emb_dim=0 -> no graph branch)
    node_emb = _layer_norm(jax.nn.relu(h @ W_out + b_out), ln2_g, ln2_b)
    # Decoder: nodewise MLP for node_regression, out_dim=1 -> squeeze
    out = jax.nn.relu(node_emb @ W1 + b1)
    out = jax.nn.relu(out @ W2 + b2)
    out = (out @ W3 + b3).squeeze(-1)
    return out

if __name__ == "__main__":
    import jax
    _d = setup_inputs()
    print(jax.jit(kernel)(*tuple(_d.values())))

</pallas_src>

<mosaic_0001>
#map = affine_map<(d0, d1) -> (0, 0, 0)>
#map1 = affine_map<(d0, d1) -> (0, 0)>
module attributes {stable_mosaic.version = 14 : i64} {
  func.func @deg_kernel(%arg0: i32, %arg1: i32, %arg2: memref<32x125x80xi32, #tpu.memory_space<hbm>>, %arg3: memref<32x10240xf32, #tpu.memory_space<hbm>>, %arg4: memref<125x80xi32, #tpu.memory_space<vmem>>, %arg5: memref<10240xf32, #tpu.memory_space<vmem>>) attributes {dimension_semantics = [#tpu.dimension_semantics<core_parallel>, #tpu.dimension_semantics<subcore_parallel>], iteration_bounds = array<i64: 2, 16>, scalar_prefetch = 0 : i64, scratch_operands = 2 : i64, tpu.core_type = #tpu.core_type<sc_vector_subcore>, window_params = [{transform_indices = #map}, {transform_indices = #map1}]} {
    %mul3A = arith.constant 16 : i32
    %mul3A_0 = arith.muli %arg0, %mul3A : i32
    %add3A = arith.addi %mul3A_0, %arg1 : i32
    "tpu.region"() ({
      %run_scoped3A = tpu.sem_alloc : memref<!tpu.dma_semaphore, #tpu.memory_space<semaphore_mem>>
      %dma_start3A = arith.constant 0 : i32
      %dma_start3A_25 = arith.constant 0 : i32
      %dma_start3A_26 = tpu.memref_slice %arg2[%add3A, %dma_start3A, %dma_start3A_25] : memref<32x125x80xi32, #tpu.memory_space<hbm>> -> memref<1x125x80xi32, #tpu.memory_space<hbm>>
      %dma_start3A_27 = tpu.memref_squeeze %dma_start3A_26 : memref<1x125x80xi32, #tpu.memory_space<hbm>> -> memref<125x80xi32, #tpu.memory_space<hbm>>
      %dma_start3A_28 = arith.constant 0 : i32
      %dma_start3A_29 = arith.constant 0 : i32
      %dma_start3A_30 = tpu.memref_slice %arg2[%add3A, %dma_start3A_28, %dma_start3A_29] : memref<32x125x80xi32, #tpu.memory_space<hbm>> -> memref<1x125x80xi32, #tpu.memory_space<hbm>>
      %dma_start3A_31 = tpu.memref_squeeze %dma_start3A_30 : memref<1x125x80xi32, #tpu.memory_space<hbm>> -> memref<125x80xi32, #tpu.memory_space<hbm>>
      tpu.enqueue_dma source(%dma_start3A_31 : memref<125x80xi32, #tpu.memory_space<hbm>>) target(%arg4 : memref<125x80xi32, #tpu.memory_space<vmem>>) target_semaphore(%run_scoped3A : memref<!tpu.dma_semaphore, #tpu.memory_space<semaphore_mem>>)
      %dma_wait3A = arith.constant 0 : i32
      %dma_wait3A_32 = arith.constant 0 : i32
      %dma_wait3A_33 = tpu.memref_slice %arg2[%add3A, %dma_wait3A, %dma_wait3A_32] : memref<32x125x80xi32, #tpu.memory_space<hbm>> -> memref<1x125x80xi32, #tpu.memory_space<hbm>>
      %dma_wait3A_34 = tpu.memref_squeeze %dma_wait3A_33 : memref<1x125x80xi32, #tpu.memory_space<hbm>> -> memref<125x80xi32, #tpu.memory_space<hbm>>
      %dma_wait3A_35 = arith.constant 0 : i32
      %dma_wait3A_36 = arith.constant 0 : i32
      %dma_wait3A_37 = tpu.memref_slice %arg2[%add3A, %dma_wait3A_35, %dma_wait3A_36] : memref<32x125x80xi32, #tpu.memory_space<hbm>> -> memref<1x125x80xi32, #tpu.memory_space<hbm>>
      %dma_wait3A_38 = tpu.memref_squeeze %dma_wait3A_37 : memref<1x125x80xi32, #tpu.memory_space<hbm>> -> memref<125x80xi32, #tpu.memory_space<hbm>>
      tpu.wait_dma2 semaphore(%run_scoped3A : memref<!tpu.dma_semaphore, #tpu.memory_space<semaphore_mem>>) src(%dma_wait3A_38 : memref<125x80xi32, #tpu.memory_space<hbm>>) dst(%arg4 : memref<125x80xi32, #tpu.memory_space<vmem>>)
      tpu.yield
    }) : () -> ()
    %broadcast_in_dim3A = arith.constant 0.000000e+00 : f32
    %broadcast_in_dim3A_1 = vector.broadcast %broadcast_in_dim3A : f32 to vector<16xf32>
    %while3A = arith.constant 0 : i32
    %while3A_2 = arith.constant 0 : i32
    %while3A_3 = arith.constant 640 : i32
    %while3A_4 = arith.subi %while3A_3, %while3A_2 : i32
    %while3A_5 = arith.addi %while3A_2, %while3A_4 : i32
    %while3A_6 = arith.constant 1 : i32
    %while3A_7 = arith.divsi %while3A_4, %while3A_6 : i32
    %while3A_8 = arith.muli %while3A_7, %while3A_6 : i32
    %while3A_9 = arith.addi %while3A_2, %while3A_8 : i32
    %while3A_10 = arith.constant 1 : i32
    scf.for %while3A_25 = %while3A_2 to %while3A_9 step %while3A_10  : i32 {
      %mul3A_26 = arith.constant 16 : i32
      %mul3A_27 = arith.muli %while3A_25, %mul3A_26 : i32
      %multiple_of3A = tpu.assume_multiple %mul3A_27, 16 : i32
      %swap3A = arith.index_cast %multiple_of3A : i32 to index
      %swap3A_28 = tpu.vector_load %arg5[%swap3A] {strides = array<i32>} : memref<10240xf32, #tpu.memory_space<vmem>>, vector<16xf32>,
      tpu.vector_store %arg5[%swap3A], %broadcast_in_dim3A_1 {strides = array<i32>} : memref<10240xf32, #tpu.memory_space<vmem>>, vector<16xf32>,
    }
    %while3A_11 = arith.constant 1 : i32
    scf.for %while3A_25 = %while3A_9 to %while3A_5 step %while3A_11  : i32 {
      %mul3A_26 = arith.constant 16 : i32
      %mul3A_27 = arith.muli %while3A_25, %mul3A_26 : i32
      %multiple_of3A = tpu.assume_multiple %mul3A_27, 16 : i32
      %swap3A = arith.index_cast %multiple_of3A : i32 to index
      %swap3A_28 = tpu.vector_load %arg5[%swap3A] {strides = array<i32>} : memref<10240xf32, #tpu.memory_space<vmem>>, vector<16xf32>,
      tpu.vector_store %arg5[%swap3A], %broadcast_in_dim3A_1 {strides = array<i32>} : memref<10240xf32, #tpu.memory_space<vmem>>, vector<16xf32>,
    }
    %broadcast_in_dim3A_12 = arith.constant 1.000000e+00 : f32
    %broadcast_in_dim3A_13 = vector.broadcast %broadcast_in_dim3A_12 : f32 to vector<16xf32>
    %while3A_14 = arith.constant 0 : i32
    %while3A_15 = arith.constant 0 : i32
    %while3A_16 = arith.constant 125 : i32
    %while3A_17 = arith.subi %while3A_16, %while3A_15 : i32
    %while3A_18 = arith.addi %while3A_15, %while3A_17 : i32
    %while3A_19 = arith.constant 1 : i32
    %while3A_20 = arith.divsi %while3A_17, %while3A_19 : i32
    %while3A_21 = arith.muli %while3A_20, %while3A_19 : i32
    %while3A_22 = arith.addi %while3A_15, %while3A_21 : i32
    %while3A_23 = arith.constant 1 : i32
    scf.for %while3A_25 = %while3A_15 to %while3A_22 step %while3A_23  : i32 {
      %while3A_26 = arith.constant 0 : i32
      %while3A_27 = arith.constant 5 : i32
      %while3A_28 = arith.subi %while3A_27, %while3A_26 : i32
      %while3A_29 = arith.addi %while3A_26, %while3A_28 : i32
      %while3A_30 = arith.constant 1 : i32
      %while3A_31 = arith.divsi %while3A_28, %while3A_30 : i32
      %while3A_32 = arith.muli %while3A_31, %while3A_30 : i32
      %while3A_33 = arith.addi %while3A_26, %while3A_32 : i32
      %while3A_34 = arith.constant 1 : i32
      scf.for %while3A_36 = %while3A_26 to %while3A_33 step %while3A_34  : i32 {
        %mul3A_37 = arith.constant 16 : i32
        %mul3A_38 = arith.muli %while3A_36, %mul3A_37 : i32
        %multiple_of3A = tpu.assume_multiple %mul3A_38, 16 : i32
        %get3A = arith.index_cast %while3A_25 : i32 to index
        %get3A_39 = arith.index_cast %multiple_of3A : i32 to index
        %get3A_40 = tpu.vector_load %arg4[%get3A, %get3A_39] {strides = array<i32>} : memref<125x80xi32, #tpu.memory_space<vmem>>, vector<16xi32>,
        tpu.vector_store_idx %arg5[%get3A_40], %broadcast_in_dim3A_13 {add = true} : memref<10240xf32, #tpu.memory_space<vmem>>[vector<16xi32>], vector<16xf32>,
      }
      %while3A_35 = arith.constant 1 : i32
      scf.for %while3A_36 = %while3A_33 to %while3A_29 step %while3A_35  : i32 {
        %mul3A_37 = arith.constant 16 : i32
        %mul3A_38 = arith.muli %while3A_36, %mul3A_37 : i32
        %multiple_of3A = tpu.assume_multiple %mul3A_38, 16 : i32
        %get3A = arith.index_cast %while3A_25 : i32 to index
        %get3A_39 = arith.index_cast %multiple_of3A : i32 to index
        %get3A_40 = tpu.vector_load %arg4[%get3A, %get3A_39] {strides = array<i32>} : memref<125x80xi32, #tpu.memory_space<vmem>>, vector<16xi32>,
        tpu.vector_store_idx %arg5[%get3A_40], %broadcast_in_dim3A_13 {add = true} : memref<10240xf32, #tpu.memory_space<vmem>>[vector<16xi32>], vector<16xf32>,
      }
    }
    %while3A_24 = arith.constant 1 : i32
    scf.for %while3A_25 = %while3A_22 to %while3A_18 step %while3A_24  : i32 {
      %while3A_26 = arith.constant 0 : i32
      %while3A_27 = arith.constant 5 : i32
      %while3A_28 = arith.subi %while3A_27, %while3A_26 : i32
      %while3A_29 = arith.addi %while3A_26, %while3A_28 : i32
      %while3A_30 = arith.constant 1 : i32
      %while3A_31 = arith.divsi %while3A_28, %while3A_30 : i32
      %while3A_32 = arith.muli %while3A_31, %while3A_30 : i32
      %while3A_33 = arith.addi %while3A_26, %while3A_32 : i32
      %while3A_34 = arith.constant 1 : i32
      scf.for %while3A_36 = %while3A_26 to %while3A_33 step %while3A_34  : i32 {
        %mul3A_37 = arith.constant 16 : i32
        %mul3A_38 = arith.muli %while3A_36, %mul3A_37 : i32
        %multiple_of3A = tpu.assume_multiple %mul3A_38, 16 : i32
        %get3A = arith.index_cast %while3A_25 : i32 to index
        %get3A_39 = arith.index_cast %multiple_of3A : i32 to index
        %get3A_40 = tpu.vector_load %arg4[%get3A, %get3A_39] {strides = array<i32>} : memref<125x80xi32, #tpu.memory_space<vmem>>, vector<16xi32>,
        tpu.vector_store_idx %arg5[%get3A_40], %broadcast_in_dim3A_13 {add = true} : memref<10240xf32, #tpu.memory_space<vmem>>[vector<16xi32>], vector<16xf32>,
      }
      %while3A_35 = arith.constant 1 : i32
      scf.for %while3A_36 = %while3A_33 to %while3A_29 step %while3A_35  : i32 {
        %mul3A_37 = arith.constant 16 : i32
        %mul3A_38 = arith.muli %while3A_36, %mul3A_37 : i32
        %multiple_of3A = tpu.assume_multiple %mul3A_38, 16 : i32
        %get3A = arith.index_cast %while3A_25 : i32 to index
        %get3A_39 = arith.index_cast %multiple_of3A : i32 to index
        %get3A_40 = tpu.vector_load %arg4[%get3A, %get3A_39] {strides = array<i32>} : memref<125x80xi32, #tpu.memory_space<vmem>>, vector<16xi32>,
        tpu.vector_store_idx %arg5[%get3A_40], %broadcast_in_dim3A_13 {add = true} : memref<10240xf32, #tpu.memory_space<vmem>>[vector<16xi32>], vector<16xf32>,
      }
    }
    "tpu.region"() ({
      %run_scoped3A = tpu.sem_alloc : memref<!tpu.dma_semaphore, #tpu.memory_space<semaphore_mem>>
      %dma_start3A = arith.constant 0 : i32
      %dma_start3A_25 = tpu.memref_slice %arg3[%add3A, %dma_start3A] : memref<32x10240xf32, #tpu.memory_space<hbm>> -> memref<1x10240xf32, #tpu.memory_space<hbm>>
      %dma_start3A_26 = tpu.memref_squeeze %dma_start3A_25 : memref<1x10240xf32, #tpu.memory_space<hbm>> -> memref<10240xf32, #tpu.memory_space<hbm>>
      %dma_start3A_27 = arith.constant 0 : i32
      %dma_start3A_28 = tpu.memref_slice %arg3[%add3A, %dma_start3A_27] : memref<32x10240xf32, #tpu.memory_space<hbm>> -> memref<1x10240xf32, #tpu.memory_space<hbm>>
      %dma_start3A_29 = tpu.memref_squeeze %dma_start3A_28 : memref<1x10240xf32, #tpu.memory_space<hbm>> -> memref<10240xf32, #tpu.memory_space<hbm>>
      tpu.enqueue_dma source(%arg5 : memref<10240xf32, #tpu.memory_space<vmem>>) target(%dma_start3A_29 : memref<10240xf32, #tpu.memory_space<hbm>>) target_semaphore(%run_scoped3A : memref<!tpu.dma_semaphore, #tpu.memory_space<semaphore_mem>>)
      %dma_wait3A = arith.constant 0 : i32
      %dma_wait3A_30 = tpu.memref_slice %arg3[%add3A, %dma_wait3A] : memref<32x10240xf32, #tpu.memory_space<hbm>> -> memref<1x10240xf32, #tpu.memory_space<hbm>>
      %dma_wait3A_31 = tpu.memref_squeeze %dma_wait3A_30 : memref<1x10240xf32, #tpu.memory_space<hbm>> -> memref<10240xf32, #tpu.memory_space<hbm>>
      %dma_wait3A_32 = arith.constant 0 : i32
      %dma_wait3A_33 = tpu.memref_slice %arg3[%add3A, %dma_wait3A_32] : memref<32x10240xf32, #tpu.memory_space<hbm>> -> memref<1x10240xf32, #tpu.memory_space<hbm>>
      %dma_wait3A_34 = tpu.memref_squeeze %dma_wait3A_33 : memref<1x10240xf32, #tpu.memory_space<hbm>> -> memref<10240xf32, #tpu.memory_space<hbm>>
      tpu.wait_dma2 semaphore(%run_scoped3A : memref<!tpu.dma_semaphore, #tpu.memory_space<semaphore_mem>>) src(%arg5 : memref<10240xf32, #tpu.memory_space<vmem>>) dst(%dma_wait3A_34 : memref<10240xf32, #tpu.memory_space<hbm>>)
      tpu.yield
    }) : () -> ()
    return
  }
}

#map = affine_map<(d0, d1) -> (0, 0, 0)>
module attributes {stable_mosaic.version = 14 : i64} {
  func.func @edge_kernel(%arg0: i32, %arg1: i32, %arg2: memref<2x10240x64xf32, #tpu.memory_space<hbm>>, %arg3: memref<16x250x80xi32, #tpu.memory_space<hbm>>, %arg4: memref<16x250x80xi32, #tpu.memory_space<hbm>>, %arg5: memref<2x10240x64xf32, #tpu.memory_space<hbm>>, %arg6: memref<250x80xi32, #tpu.memory_space<vmem>>, %arg7: memref<250x80xi32, #tpu.memory_space<vmem>>, %arg8: memref<80x64xf32, #tpu.memory_space<vmem>>, %arg9: memref<80x64xf32, #tpu.memory_space<vmem>>, %arg10: memref<10240x64xf32, #tpu.memory_space<vmem_shared>>, %arg11: memref<!tpu.dma_semaphore, #tpu.memory_space<semaphore_mem>>, %arg12: memref<!tpu.dma_semaphore, #tpu.memory_space<semaphore_mem>>) attributes {dimension_semantics = [#tpu.dimension_semantics<core_parallel>, #tpu.dimension_semantics<subcore_parallel>], iteration_bounds = array<i64: 2, 16>, scalar_prefetch = 0 : i64, scratch_operands = 7 : i64, tpu.core_type = #tpu.core_type<sc_vector_subcore>, window_params = [{transform_indices = #map}, {transform_indices = #map}, {transform_indices = #map}, {transform_indices = #map}]} {
    %mul3A = arith.constant 640 : i32
    %mul3A_0 = arith.muli %arg1, %mul3A : i32
    %broadcast_in_dim3A = arith.constant 0.000000e+00 : f32
    %broadcast_in_dim3A_1 = vector.broadcast %broadcast_in_dim3A : f32 to vector<16xf32>
    %while3A = arith.constant 0 : i32
    %while3A_2 = arith.constant 0 : i32
    %while3A_3 = arith.constant 320 : i32
    %while3A_4 = arith.subi %while3A_3, %while3A_2 : i32
    %while3A_5 = arith.addi %while3A_2, %while3A_4 : i32
    %while3A_6 = arith.constant 1 : i32
    %while3A_7 = arith.divsi %while3A_4, %while3A_6 : i32
    %while3A_8 = arith.muli %while3A_7, %while3A_6 : i32
    %while3A_9 = arith.addi %while3A_2, %while3A_8 : i32
    %while3A_10 = arith.constant 1 : i32
    scf.for %while3A_82 = %while3A_2 to %while3A_9 step %while3A_10  : i32 {
      %jit3A = arith.constant 4 : i64
      %convert_element_type3A = arith.trunci %jit3A : i64 to i32
      %div3A = arith.divsi %while3A_82, %convert_element_type3A : i32
      %sign3A = arith.constant 0 : i32
      %sign3A_83 = arith.cmpi sgt, %while3A_82, %sign3A : i32
      %sign3A_84 = arith.extui %sign3A_83 : i1 to i32
      %sign3A_85 = arith.constant 0 : i32
      %sign3A_86 = arith.cmpi slt, %while3A_82, %sign3A_85 : i32
      %sign3A_87 = arith.extui %sign3A_86 : i1 to i32
      %sign3A_88 = arith.subi %sign3A_84, %sign3A_87 : i32
      %sign3A_89 = arith.constant 0 : i32
      %sign3A_90 = arith.cmpi sgt, %convert_element_type3A, %sign3A_89 : i32
      %sign3A_91 = arith.extui %sign3A_90 : i1 to i32
      %sign3A_92 = arith.constant 0 : i32
      %sign3A_93 = arith.cmpi slt, %convert_element_type3A, %sign3A_92 : i32
      %sign3A_94 = arith.extui %sign3A_93 : i1 to i32
      %sign3A_95 = arith.subi %sign3A_91, %sign3A_94 : i32
      %ne3A = arith.cmpi ne, %sign3A_88, %sign3A_95 : i32
      %rem3A = arith.remsi %while3A_82, %convert_element_type3A : i32
      %ne3A_96 = arith.constant 0 : i32
      %ne3A_97 = arith.cmpi ne, %rem3A, %ne3A_96 : i32
      %and3A = arith.andi %ne3A, %ne3A_97 : i1
      %sub3A = arith.constant 1 : i32
      %sub3A_98 = arith.subi %div3A, %sub3A : i32
      %select_n3A = arith.select %and3A, %sub3A_98, %div3A : i32
      %jit3A_99 = arith.constant 4 : i64
      %convert_element_type3A_100 = arith.trunci %jit3A_99 : i64 to i32
      %eq3A = arith.constant 0 : i32
      %eq3A_101 = arith.cmpi eq, %convert_element_type3A_100, %eq3A : i32
      %jit3A_102 = arith.constant 1 : i32
      %select_n3A_103 = arith.select %eq3A_101, %jit3A_102, %convert_element_type3A_100 : i32
      %rem3A_104 = arith.remsi %while3A_82, %select_n3A_103 : i32
      %ne3A_105 = arith.constant 0 : i32
      %ne3A_106 = arith.cmpi ne, %rem3A_104, %ne3A_105 : i32
      %lt3A = arith.constant 0 : i32
      %lt3A_107 = arith.cmpi slt, %rem3A_104, %lt3A : i32
      %lt3A_108 = arith.constant 0 : i32
      %lt3A_109 = arith.cmpi slt, %select_n3A_103, %lt3A_108 : i32
      %ne3A_110 = arith.xori %lt3A_107, %lt3A_109 : i1
      %and3A_111 = arith.andi %ne3A_110, %ne3A_106 : i1
      %add3A_112 = arith.addi %rem3A_104, %select_n3A_103 : i32
      %select_n3A_113 = arith.select %and3A_111, %add3A_112, %rem3A_104 : i32
      %mul3A_114 = arith.constant 16 : i32
      %mul3A_115 = arith.muli %select_n3A_113, %mul3A_114 : i32
      %multiple_of3A = tpu.assume_multiple %mul3A_115, 16 : i32
      %swap3A = arith.index_cast %select_n3A : i32 to index
      %swap3A_116 = arith.index_cast %multiple_of3A : i32 to index
      %swap3A_117 = tpu.vector_load %arg8[%swap3A, %swap3A_116] {strides = array<i32>} : memref<80x64xf32, #tpu.memory_space<vmem>>, vector<1x16xf32>,
      %swap3A_118 = vector.shape_cast %swap3A_117 : vector<1x16xf32> to vector<16xf32>
      %swap3A_119 = vector.shape_cast %broadcast_in_dim3A_1 : vector<16xf32> to vector<1x16xf32>
      tpu.vector_store %arg8[%swap3A, %swap3A_116], %swap3A_119 {strides = array<i32>} : memref<80x64xf32, #tpu.memory_space<vmem>>, vector<1x16xf32>,
    }
    %while3A_11 = arith.constant 1 : i32
    scf.for %while3A_82 = %while3A_9 to %while3A_5 step %while3A_11  : i32 {
      %jit3A = arith.constant 4 : i64
      %convert_element_type3A = arith.trunci %jit3A : i64 to i32
      %div3A = arith.divsi %while3A_82, %convert_element_type3A : i32
      %sign3A = arith.constant 0 : i32
      %sign3A_83 = arith.cmpi sgt, %while3A_82, %sign3A : i32
      %sign3A_84 = arith.extui %sign3A_83 : i1 to i32
      %sign3A_85 = arith.constant 0 : i32
      %sign3A_86 = arith.cmpi slt, %while3A_82, %sign3A_85 : i32
      %sign3A_87 = arith.extui %sign3A_86 : i1 to i32
      %sign3A_88 = arith.subi %sign3A_84, %sign3A_87 : i32
      %sign3A_89 = arith.constant 0 : i32
      %sign3A_90 = arith.cmpi sgt, %convert_element_type3A, %sign3A_89 : i32
      %sign3A_91 = arith.extui %sign3A_90 : i1 to i32
      %sign3A_92 = arith.constant 0 : i32
      %sign3A_93 = arith.cmpi slt, %convert_element_type3A, %sign3A_92 : i32
      %sign3A_94 = arith.extui %sign3A_93 : i1 to i32
      %sign3A_95 = arith.subi %sign3A_91, %sign3A_94 : i32
      %ne3A = arith.cmpi ne, %sign3A_88, %sign3A_95 : i32
      %rem3A = arith.remsi %while3A_82, %convert_element_type3A : i32
      %ne3A_96 = arith.constant 0 : i32
      %ne3A_97 = arith.cmpi ne, %rem3A, %ne3A_96 : i32
      %and3A = arith.andi %ne3A, %ne3A_97 : i1
      %sub3A = arith.constant 1 : i32
      %sub3A_98 = arith.subi %div3A, %sub3A : i32
      %select_n3A = arith.select %and3A, %sub3A_98, %div3A : i32
      %jit3A_99 = arith.constant 4 : i64
      %convert_element_type3A_100 = arith.trunci %jit3A_99 : i64 to i32
      %eq3A = arith.constant 0 : i32
      %eq3A_101 = arith.cmpi eq, %convert_element_type3A_100, %eq3A : i32
      %jit3A_102 = arith.constant 1 : i32
      %select_n3A_103 = arith.select %eq3A_101, %jit3A_102, %convert_element_type3A_100 : i32
      %rem3A_104 = arith.remsi %while3A_82, %select_n3A_103 : i32
      %ne3A_105 = arith.constant 0 : i32
      %ne3A_106 = arith.cmpi ne, %rem3A_104, %ne3A_105 : i32
      %lt3A = arith.constant 0 : i32
      %lt3A_107 = arith.cmpi slt, %rem3A_104, %lt3A : i32
      %lt3A_108 = arith.constant 0 : i32
      %lt3A_109 = arith.cmpi slt, %select_n3A_103, %lt3A_108 : i32
      %ne3A_110 = arith.xori %lt3A_107, %lt3A_109 : i1
      %and3A_111 = arith.andi %ne3A_110, %ne3A_106 : i1
      %add3A_112 = arith.addi %rem3A_104, %select_n3A_103 : i32
      %select_n3A_113 = arith.select %and3A_111, %add3A_112, %rem3A_104 : i32
      %mul3A_114 = arith.constant 16 : i32
      %mul3A_115 = arith.muli %select_n3A_113, %mul3A_114 : i32
      %multiple_of3A = tpu.assume_multiple %mul3A_115, 16 : i32
      %swap3A = arith.index_cast %select_n3A : i32 to index
      %swap3A_116 = arith.index_cast %multiple_of3A : i32 to index
      %swap3A_117 = tpu.vector_load %arg8[%swap3A, %swap3A_116] {strides = array<i32>} : memref<80x64xf32, #tpu.memory_space<vmem>>, vector<1x16xf32>,
      %swap3A_118 = vector.shape_cast %swap3A_117 : vector<1x16xf32> to vector<16xf32>
      %swap3A_119 = vector.shape_cast %broadcast_in_dim3A_1 : vector<16xf32> to vector<1x16xf32>
      tpu.vector_store %arg8[%swap3A, %swap3A_116], %swap3A_119 {strides = array<i32>} : memref<80x64xf32, #tpu.memory_space<vmem>>, vector<1x16xf32>,
    }
    %add3A = arith.constant 0 : i32
    %add3A_12 = arith.addi %mul3A_0, %add3A : i32
    "tpu.region"() ({
      %run_scoped3A_82 = tpu.sem_alloc : memref<!tpu.dma_semaphore, #tpu.memory_space<semaphore_mem>>
      %dma_start3A_83 = arith.constant 0 : i32
      %dma_start3A_84 = tpu.memref_slice %arg10[%add3A_12, %dma_start3A_83] : memref<10240x64xf32, #tpu.memory_space<vmem_shared>> -> memref<80x64xf32, #tpu.memory_space<vmem_shared>>
      %dma_start3A_85 = arith.constant 0 : i32
      %dma_start3A_86 = tpu.memref_slice %arg10[%add3A_12, %dma_start3A_85] : memref<10240x64xf32, #tpu.memory_space<vmem_shared>> -> memref<80x64xf32, #tpu.memory_space<vmem_shared>>
      tpu.enqueue_dma source(%arg8 : memref<80x64xf32, #tpu.memory_space<vmem>>) target(%dma_start3A_86 : memref<80x64xf32, #tpu.memory_space<vmem_shared>>) target_semaphore(%run_scoped3A_82 : memref<!tpu.dma_semaphore, #tpu.memory_space<semaphore_mem>>)
      %dma_wait3A_87 = arith.constant 0 : i32
      %dma_wait3A_88 = tpu.memref_slice %arg10[%add3A_12, %dma_wait3A_87] : memref<10240x64xf32, #tpu.memory_space<vmem_shared>> -> memref<80x64xf32, #tpu.memory_space<vmem_shared>>
      %dma_wait3A_89 = arith.constant 0 : i32
      %dma_wait3A_90 = tpu.memref_slice %arg10[%add3A_12, %dma_wait3A_89] : memref<10240x64xf32, #tpu.memory_space<vmem_shared>> -> memref<80x64xf32, #tpu.memory_space<vmem_shared>>
      tpu.wait_dma2 semaphore(%run_scoped3A_82 : memref<!tpu.dma_semaphore, #tpu.memory_space<semaphore_mem>>) src(%arg8 : memref<80x64xf32, #tpu.memory_space<vmem>>) dst(%dma_wait3A_90 : memref<80x64xf32, #tpu.memory_space<vmem_shared>>)
      tpu.yield
    }) : () -> ()
    %add3A_13 = arith.constant 80 : i32
    %add3A_14 = arith.addi %mul3A_0, %add3A_13 : i32
    "tpu.region"() ({
      %run_scoped3A_82 = tpu.sem_alloc : memref<!tpu.dma_semaphore, #tpu.memory_space<semaphore_mem>>
      %dma_start3A_83 = arith.constant 0 : i32
      %dma_start3A_84 = tpu.memref_slice %arg10[%add3A_14, %dma_start3A_83] : memref<10240x64xf32, #tpu.memory_space<vmem_shared>> -> memref<80x64xf32, #tpu.memory_space<vmem_shared>>
      %dma_start3A_85 = arith.constant 0 : i32
      %dma_start3A_86 = tpu.memref_slice %arg10[%add3A_14, %dma_start3A_85] : memref<10240x64xf32, #tpu.memory_space<vmem_shared>> -> memref<80x64xf32, #tpu.memory_space<vmem_shared>>
      tpu.enqueue_dma source(%arg8 : memref<80x64xf32, #tpu.memory_space<vmem>>) target(%dma_start3A_86 : memref<80x64xf32, #tpu.memory_space<vmem_shared>>) target_semaphore(%run_scoped3A_82 : memref<!tpu.dma_semaphore, #tpu.memory_space<semaphore_mem>>)
      %dma_wait3A_87 = arith.constant 0 : i32
      %dma_wait3A_88 = tpu.memref_slice %arg10[%add3A_14, %dma_wait3A_87] : memref<10240x64xf32, #tpu.memory_space<vmem_shared>> -> memref<80x64xf32, #tpu.memory_space<vmem_shared>>
      %dma_wait3A_89 = arith.constant 0 : i32
      %dma_wait3A_90 = tpu.memref_slice %arg10[%add3A_14, %dma_wait3A_89] : memref<10240x64xf32, #tpu.memory_space<vmem_shared>> -> memref<80x64xf32, #tpu.memory_space<vmem_shared>>
      tpu.wait_dma2 semaphore(%run_scoped3A_82 : memref<!tpu.dma_semaphore, #tpu.memory_space<semaphore_mem>>) src(%arg8 : memref<80x64xf32, #tpu.memory_space<vmem>>) dst(%dma_wait3A_90 : memref<80x64xf32, #tpu.memory_space<vmem_shared>>)
      tpu.yield
    }) : () -> ()
    %add3A_15 = arith.constant 160 : i32
    %add3A_16 = arith.addi %mul3A_0, %add3A_15 : i32
    "tpu.region"() ({
      %run_scoped3A_82 = tpu.sem_alloc : memref<!tpu.dma_semaphore, #tpu.memory_space<semaphore_mem>>
      %dma_start3A_83 = arith.constant 0 : i32
      %dma_start3A_84 = tpu.memref_slice %arg10[%add3A_16, %dma_start3A_83] : memref<10240x64xf32, #tpu.memory_space<vmem_shared>> -> memref<80x64xf32, #tpu.memory_space<vmem_shared>>
      %dma_start3A_85 = arith.constant 0 : i32
      %dma_start3A_86 = tpu.memref_slice %arg10[%add3A_16, %dma_start3A_85] : memref<10240x64xf32, #tpu.memory_space<vmem_shared>> -> memref<80x64xf32, #tpu.memory_space<vmem_shared>>
      tpu.enqueue_dma source(%arg8 : memref<80x64xf32, #tpu.memory_space<vmem>>) target(%dma_start3A_86 : memref<80x64xf32, #tpu.memory_space<vmem_shared>>) target_semaphore(%run_scoped3A_82 : memref<!tpu.dma_semaphore, #tpu.memory_space<semaphore_mem>>)
      %dma_wait3A_87 = arith.constant 0 : i32
      %dma_wait3A_88 = tpu.memref_slice %arg10[%add3A_16, %dma_wait3A_87] : memref<10240x64xf32, #tpu.memory_space<vmem_shared>> -> memref<80x64xf32, #tpu.memory_space<vmem_shared>>
      %dma_wait3A_89 = arith.constant 0 : i32
      %dma_wait3A_90 = tpu.memref_slice %arg10[%add3A_16, %dma_wait3A_89] : memref<10240x64xf32, #tpu.memory_space<vmem_shared>> -> memref<80x64xf32, #tpu.memory_space<vmem_shared>>
      tpu.wait_dma2 semaphore(%run_scoped3A_82 : memref<!tpu.dma_semaphore, #tpu.memory_space<semaphore_mem>>) src(%arg8 : memref<80x64xf32, #tpu.memory_space<vmem>>) dst(%dma_wait3A_90 : memref<80x64xf32, #tpu.memory_space<vmem_shared>>)
      tpu.yield
    }) : () -> ()
    %add3A_17 = arith.constant 240 : i32
    %add3A_18 = arith.addi %mul3A_0, %add3A_17 : i32
    "tpu.region"() ({
      %run_scoped3A_82 = tpu.sem_alloc : memref<!tpu.dma_semaphore, #tpu.memory_space<semaphore_mem>>
      %dma_start3A_83 = arith.constant 0 : i32
      %dma_start3A_84 = tpu.memref_slice %arg10[%add3A_18, %dma_start3A_83] : memref<10240x64xf32, #tpu.memory_space<vmem_shared>> -> memref<80x64xf32, #tpu.memory_space<vmem_shared>>
      %dma_start3A_85 = arith.constant 0 : i32
      %dma_start3A_86 = tpu.memref_slice %arg10[%add3A_18, %dma_start3A_85] : memref<10240x64xf32, #tpu.memory_space<vmem_shared>> -> memref<80x64xf32, #tpu.memory_space<vmem_shared>>
      tpu.enqueue_dma source(%arg8 : memref<80x64xf32, #tpu.memory_space<vmem>>) target(%dma_start3A_86 : memref<80x64xf32, #tpu.memory_space<vmem_shared>>) target_semaphore(%run_scoped3A_82 : memref<!tpu.dma_semaphore, #tpu.memory_space<semaphore_mem>>)
      %dma_wait3A_87 = arith.constant 0 : i32
      %dma_wait3A_88 = tpu.memref_slice %arg10[%add3A_18, %dma_wait3A_87] : memref<10240x64xf32, #tpu.memory_space<vmem_shared>> -> memref<80x64xf32, #tpu.memory_space<vmem_shared>>
      %dma_wait3A_89 = arith.constant 0 : i32
      %dma_wait3A_90 = tpu.memref_slice %arg10[%add3A_18, %dma_wait3A_89] : memref<10240x64xf32, #tpu.memory_space<vmem_shared>> -> memref<80x64xf32, #tpu.memory_space<vmem_shared>>
      tpu.wait_dma2 semaphore(%run_scoped3A_82 : memref<!tpu.dma_semaphore, #tpu.memory_space<semaphore_mem>>) src(%arg8 : memref<80x64xf32, #tpu.memory_space<vmem>>) dst(%dma_wait3A_90 : memref<80x64xf32, #tpu.memory_space<vmem_shared>>)
      tpu.yield
    }) : () -> ()
    %add3A_19 = arith.constant 320 : i32
    %add3A_20 = arith.addi %mul3A_0, %add3A_19 : i32
    "tpu.region"() ({
      %run_scoped3A_82 = tpu.sem_alloc : memref<!tpu.dma_semaphore, #tpu.memory_space<semaphore_mem>>
      %dma_start3A_83 = arith.constant 0 : i32
      %dma_start3A_84 = tpu.memref_slice %arg10[%add3A_20, %dma_start3A_83] : memref<10240x64xf32, #tpu.memory_space<vmem_shared>> -> memref<80x64xf32, #tpu.memory_space<vmem_shared>>
      %dma_start3A_85 = arith.constant 0 : i32
      %dma_start3A_86 = tpu.memref_slice %arg10[%add3A_20, %dma_start3A_85] : memref<10240x64xf32, #tpu.memory_space<vmem_shared>> -> memref<80x64xf32, #tpu.memory_space<vmem_shared>>
      tpu.enqueue_dma source(%arg8 : memref<80x64xf32, #tpu.memory_space<vmem>>) target(%dma_start3A_86 : memref<80x64xf32, #tpu.memory_space<vmem_shared>>) target_semaphore(%run_scoped3A_82 : memref<!tpu.dma_semaphore, #tpu.memory_space<semaphore_mem>>)
      %dma_wait3A_87 = arith.constant 0 : i32
      %dma_wait3A_88 = tpu.memref_slice %arg10[%add3A_20, %dma_wait3A_87] : memref<10240x64xf32, #tpu.memory_space<vmem_shared>> -> memref<80x64xf32, #tpu.memory_space<vmem_shared>>
      %dma_wait3A_89 = arith.constant 0 : i32
      %dma_wait3A_90 = tpu.memref_slice %arg10[%add3A_20, %dma_wait3A_89] : memref<10240x64xf32, #tpu.memory_space<vmem_shared>> -> memref<80x64xf32, #tpu.memory_space<vmem_shared>>
      tpu.wait_dma2 semaphore(%run_scoped3A_82 : memref<!tpu.dma_semaphore, #tpu.memory_space<semaphore_mem>>) src(%arg8 : memref<80x64xf32, #tpu.memory_space<vmem>>) dst(%dma_wait3A_90 : memref<80x64xf32, #tpu.memory_space<vmem_shared>>)
      tpu.yield
    }) : () -> ()
    %add3A_21 = arith.constant 400 : i32
    %add3A_22 = arith.addi %mul3A_0, %add3A_21 : i32
    "tpu.region"() ({
      %run_scoped3A_82 = tpu.sem_alloc : memref<!tpu.dma_semaphore, #tpu.memory_space<semaphore_mem>>
      %dma_start3A_83 = arith.constant 0 : i32
      %dma_start3A_84 = tpu.memref_slice %arg10[%add3A_22, %dma_start3A_83] : memref<10240x64xf32, #tpu.memory_space<vmem_shared>> -> memref<80x64xf32, #tpu.memory_space<vmem_shared>>
      %dma_start3A_85 = arith.constant 0 : i32
      %dma_start3A_86 = tpu.memref_slice %arg10[%add3A_22, %dma_start3A_85] : memref<10240x64xf32, #tpu.memory_space<vmem_shared>> -> memref<80x64xf32, #tpu.memory_space<vmem_shared>>
      tpu.enqueue_dma source(%arg8 : memref<80x64xf32, #tpu.memory_space<vmem>>) target(%dma_start3A_86 : memref<80x64xf32, #tpu.memory_space<vmem_shared>>) target_semaphore(%run_scoped3A_82 : memref<!tpu.dma_semaphore, #tpu.memory_space<semaphore_mem>>)
      %dma_wait3A_87 = arith.constant 0 : i32
      %dma_wait3A_88 = tpu.memref_slice %arg10[%add3A_22, %dma_wait3A_87] : memref<10240x64xf32, #tpu.memory_space<vmem_shared>> -> memref<80x64xf32, #tpu.memory_space<vmem_shared>>
      %dma_wait3A_89 = arith.constant 0 : i32
      %dma_wait3A_90 = tpu.memref_slice %arg10[%add3A_22, %dma_wait3A_89] : memref<10240x64xf32, #tpu.memory_space<vmem_shared>> -> memref<80x64xf32, #tpu.memory_space<vmem_shared>>
      tpu.wait_dma2 semaphore(%run_scoped3A_82 : memref<!tpu.dma_semaphore, #tpu.memory_space<semaphore_mem>>) src(%arg8 : memref<80x64xf32, #tpu.memory_space<vmem>>) dst(%dma_wait3A_90 : memref<80x64xf32, #tpu.memory_space<vmem_shared>>)
      tpu.yield
    }) : () -> ()
    %add3A_23 = arith.constant 480 : i32
    %add3A_24 = arith.addi %mul3A_0, %add3A_23 : i32
    "tpu.region"() ({
      %run_scoped3A_82 = tpu.sem_alloc : memref<!tpu.dma_semaphore, #tpu.memory_space<semaphore_mem>>
      %dma_start3A_83 = arith.constant 0 : i32
      %dma_start3A_84 = tpu.memref_slice %arg10[%add3A_24, %dma_start3A_83] : memref<10240x64xf32, #tpu.memory_space<vmem_shared>> -> memref<80x64xf32, #tpu.memory_space<vmem_shared>>
      %dma_start3A_85 = arith.constant 0 : i32
      %dma_start3A_86 = tpu.memref_slice %arg10[%add3A_24, %dma_start3A_85] : memref<10240x64xf32, #tpu.memory_space<vmem_shared>> -> memref<80x64xf32, #tpu.memory_space<vmem_shared>>
      tpu.enqueue_dma source(%arg8 : memref<80x64xf32, #tpu.memory_space<vmem>>) target(%dma_start3A_86 : memref<80x64xf32, #tpu.memory_space<vmem_shared>>) target_semaphore(%run_scoped3A_82 : memref<!tpu.dma_semaphore, #tpu.memory_space<semaphore_mem>>)
      %dma_wait3A_87 = arith.constant 0 : i32
      %dma_wait3A_88 = tpu.memref_slice %arg10[%add3A_24, %dma_wait3A_87] : memref<10240x64xf32, #tpu.memory_space<vmem_shared>> -> memref<80x64xf32, #tpu.memory_space<vmem_shared>>
      %dma_wait3A_89 = arith.constant 0 : i32
      %dma_wait3A_90 = tpu.memref_slice %arg10[%add3A_24, %dma_wait3A_89] : memref<10240x64xf32, #tpu.memory_space<vmem_shared>> -> memref<80x64xf32, #tpu.memory_space<vmem_shared>>
      tpu.wait_dma2 semaphore(%run_scoped3A_82 : memref<!tpu.dma_semaphore, #tpu.memory_space<semaphore_mem>>) src(%arg8 : memref<80x64xf32, #tpu.memory_space<vmem>>) dst(%dma_wait3A_90 : memref<80x64xf32, #tpu.memory_space<vmem_shared>>)
      tpu.yield
    }) : () -> ()
    %add3A_25 = arith.constant 560 : i32
    %add3A_26 = arith.addi %mul3A_0, %add3A_25 : i32
    "tpu.region"() ({
      %run_scoped3A_82 = tpu.sem_alloc : memref<!tpu.dma_semaphore, #tpu.memory_space<semaphore_mem>>
      %dma_start3A_83 = arith.constant 0 : i32
      %dma_start3A_84 = tpu.memref_slice %arg10[%add3A_26, %dma_start3A_83] : memref<10240x64xf32, #tpu.memory_space<vmem_shared>> -> memref<80x64xf32, #tpu.memory_space<vmem_shared>>
      %dma_start3A_85 = arith.constant 0 : i32
      %dma_start3A_86 = tpu.memref_slice %arg10[%add3A_26, %dma_start3A_85] : memref<10240x64xf32, #tpu.memory_space<vmem_shared>> -> memref<80x64xf32, #tpu.memory_space<vmem_shared>>
      tpu.enqueue_dma source(%arg8 : memref<80x64xf32, #tpu.memory_space<vmem>>) target(%dma_start3A_86 : memref<80x64xf32, #tpu.memory_space<vmem_shared>>) target_semaphore(%run_scoped3A_82 : memref<!tpu.dma_semaphore, #tpu.memory_space<semaphore_mem>>)
      %dma_wait3A_87 = arith.constant 0 : i32
      %dma_wait3A_88 = tpu.memref_slice %arg10[%add3A_26, %dma_wait3A_87] : memref<10240x64xf32, #tpu.memory_space<vmem_shared>> -> memref<80x64xf32, #tpu.memory_space<vmem_shared>>
      %dma_wait3A_89 = arith.constant 0 : i32
      %dma_wait3A_90 = tpu.memref_slice %arg10[%add3A_26, %dma_wait3A_89] : memref<10240x64xf32, #tpu.memory_space<vmem_shared>> -> memref<80x64xf32, #tpu.memory_space<vmem_shared>>
      tpu.wait_dma2 semaphore(%run_scoped3A_82 : memref<!tpu.dma_semaphore, #tpu.memory_space<semaphore_mem>>) src(%arg8 : memref<80x64xf32, #tpu.memory_space<vmem>>) dst(%dma_wait3A_90 : memref<80x64xf32, #tpu.memory_space<vmem_shared>>)
      tpu.yield
    }) : () -> ()
    "tpu.region"() ({
      %run_scoped3A_82 = tpu.sem_alloc : memref<!tpu.dma_semaphore, #tpu.memory_space<semaphore_mem>>
      %dma_start3A_83 = arith.constant 0 : i32
      %dma_start3A_84 = arith.constant 0 : i32
      %dma_start3A_85 = tpu.memref_slice %arg3[%arg1, %dma_start3A_83, %dma_start3A_84] : memref<16x250x80xi32, #tpu.memory_space<hbm>> -> memref<1x250x80xi32, #tpu.memory_space<hbm>>
      %dma_start3A_86 = tpu.memref_squeeze %dma_start3A_85 : memref<1x250x80xi32, #tpu.memory_space<hbm>> -> memref<250x80xi32, #tpu.memory_space<hbm>>
      %dma_start3A_87 = arith.constant 0 : i32
      %dma_start3A_88 = arith.constant 0 : i32
      %dma_start3A_89 = tpu.memref_slice %arg3[%arg1, %dma_start3A_87, %dma_start3A_88] : memref<16x250x80xi32, #tpu.memory_space<hbm>> -> memref<1x250x80xi32, #tpu.memory_space<hbm>>
      %dma_start3A_90 = tpu.memref_squeeze %dma_start3A_89 : memref<1x250x80xi32, #tpu.memory_space<hbm>> -> memref<250x80xi32, #tpu.memory_space<hbm>>
      tpu.enqueue_dma source(%dma_start3A_90 : memref<250x80xi32, #tpu.memory_space<hbm>>) target(%arg6 : memref<250x80xi32, #tpu.memory_space<vmem>>) target_semaphore(%run_scoped3A_82 : memref<!tpu.dma_semaphore, #tpu.memory_space<semaphore_mem>>)
      %dma_wait3A_91 = arith.constant 0 : i32
      %dma_wait3A_92 = arith.constant 0 : i32
      %dma_wait3A_93 = tpu.memref_slice %arg3[%arg1, %dma_wait3A_91, %dma_wait3A_92] : memref<16x250x80xi32, #tpu.memory_space<hbm>> -> memref<1x250x80xi32, #tpu.memory_space<hbm>>
      %dma_wait3A_94 = tpu.memref_squeeze %dma_wait3A_93 : memref<1x250x80xi32, #tpu.memory_space<hbm>> -> memref<250x80xi32, #tpu.memory_space<hbm>>
      %dma_wait3A_95 = arith.constant 0 : i32
      %dma_wait3A_96 = arith.constant 0 : i32
      %dma_wait3A_97 = tpu.memref_slice %arg3[%arg1, %dma_wait3A_95, %dma_wait3A_96] : memref<16x250x80xi32, #tpu.memory_space<hbm>> -> memref<1x250x80xi32, #tpu.memory_space<hbm>>
      %dma_wait3A_98 = tpu.memref_squeeze %dma_wait3A_97 : memref<1x250x80xi32, #tpu.memory_space<hbm>> -> memref<250x80xi32, #tpu.memory_space<hbm>>
      tpu.wait_dma2 semaphore(%run_scoped3A_82 : memref<!tpu.dma_semaphore, #tpu.memory_space<semaphore_mem>>) src(%dma_wait3A_98 : memref<250x80xi32, #tpu.memory_space<hbm>>) dst(%arg6 : memref<250x80xi32, #tpu.memory_space<vmem>>)
      tpu.yield
    }) : () -> ()
    "tpu.region"() ({
      %run_scoped3A_82 = tpu.sem_alloc : memref<!tpu.dma_semaphore, #tpu.memory_space<semaphore_mem>>
      %dma_start3A_83 = arith.constant 0 : i32
      %dma_start3A_84 = arith.constant 0 : i32
      %dma_start3A_85 = tpu.memref_slice %arg4[%arg1, %dma_start3A_83, %dma_start3A_84] : memref<16x250x80xi32, #tpu.memory_space<hbm>> -> memref<1x250x80xi32, #tpu.memory_space<hbm>>
      %dma_start3A_86 = tpu.memref_squeeze %dma_start3A_85 : memref<1x250x80xi32, #tpu.memory_space<hbm>> -> memref<250x80xi32, #tpu.memory_space<hbm>>
      %dma_start3A_87 = arith.constant 0 : i32
      %dma_start3A_88 = arith.constant 0 : i32
      %dma_start3A_89 = tpu.memref_slice %arg4[%arg1, %dma_start3A_87, %dma_start3A_88] : memref<16x250x80xi32, #tpu.memory_space<hbm>> -> memref<1x250x80xi32, #tpu.memory_space<hbm>>
      %dma_start3A_90 = tpu.memref_squeeze %dma_start3A_89 : memref<1x250x80xi32, #tpu.memory_space<hbm>> -> memref<250x80xi32, #tpu.memory_space<hbm>>
      tpu.enqueue_dma source(%dma_start3A_90 : memref<250x80xi32, #tpu.memory_space<hbm>>) target(%arg7 : memref<250x80xi32, #tpu.memory_space<vmem>>) target_semaphore(%run_scoped3A_82 : memref<!tpu.dma_semaphore, #tpu.memory_space<semaphore_mem>>)
      %dma_wait3A_91 = arith.constant 0 : i32
      %dma_wait3A_92 = arith.constant 0 : i32
      %dma_wait3A_93 = tpu.memref_slice %arg4[%arg1, %dma_wait3A_91, %dma_wait3A_92] : memref<16x250x80xi32, #tpu.memory_space<hbm>> -> memref<1x250x80xi32, #tpu.memory_space<hbm>>
      %dma_wait3A_94 = tpu.memref_squeeze %dma_wait3A_93 : memref<1x250x80xi32, #tpu.memory_space<hbm>> -> memref<250x80xi32, #tpu.memory_space<hbm>>
      %dma_wait3A_95 = arith.constant 0 : i32
      %dma_wait3A_96 = arith.constant 0 : i32
      %dma_wait3A_97 = tpu.memref_slice %arg4[%arg1, %dma_wait3A_95, %dma_wait3A_96] : memref<16x250x80xi32, #tpu.memory_space<hbm>> -> memref<1x250x80xi32, #tpu.memory_space<hbm>>
      %dma_wait3A_98 = tpu.memref_squeeze %dma_wait3A_97 : memref<1x250x80xi32, #tpu.memory_space<hbm>> -> memref<250x80xi32, #tpu.memory_space<hbm>>
      tpu.wait_dma2 semaphore(%run_scoped3A_82 : memref<!tpu.dma_semaphore, #tpu.memory_space<semaphore_mem>>) src(%dma_wait3A_98 : memref<250x80xi32, #tpu.memory_space<hbm>>) dst(%arg7 : memref<250x80xi32, #tpu.memory_space<vmem>>)
      tpu.yield
    }) : () -> ()
    %barrier3A = arith.constant 0 : index
    tpu.barrier barrier_id(%barrier3A)
    %dma_start3A = arith.constant 0 : i32
    %dma_start3A_27 = arith.constant 0 : i32
    %dma_start3A_28 = tpu.memref_slice %arg6[%dma_start3A, %dma_start3A_27] : memref<250x80xi32, #tpu.memory_space<vmem>> -> memref<1x80xi32, #tpu.memory_space<vmem>>
    %dma_start3A_29 = tpu.memref_squeeze %dma_start3A_28 : memref<1x80xi32, #tpu.memory_space<vmem>> -> memref<80xi32, #tpu.memory_space<vmem>>
    %dma_start3A_30 = arith.constant 0 : i32
    %dma_start3A_31 = arith.constant 0 : i32
    %dma_start3A_32 = tpu.memref_slice %arg2[%arg0, %dma_start3A_30, %dma_start3A_31] : memref<2x10240x64xf32, #tpu.memory_space<hbm>> -> memref<1x10240x64xf32, #tpu.memory_space<hbm>>
    %dma_start3A_33 = tpu.memref_squeeze %dma_start3A_32 : memref<1x10240x64xf32, #tpu.memory_space<hbm>> -> memref<10240x64xf32, #tpu.memory_space<hbm>>
    %dma_start3A_34 = arith.constant 0 : i32
    %dma_start3A_35 = arith.constant 0 : i32
    %dma_start3A_36 = tpu.memref_slice %dma_start3A_33[%dma_start3A_34, %dma_start3A_35] : memref<10240x64xf32, #tpu.memory_space<hbm>> -> memref<10240x64xf32, #tpu.memory_space<hbm>>
    tpu.enqueue_indirect_dma source(%dma_start3A_36 : memref<10240x64xf32, #tpu.memory_space<hbm>>) target(%arg8 : memref<80x64xf32, #tpu.memory_space<vmem>>) offsets(%dma_start3A_29 : memref<80xi32, #tpu.memory_space<vmem>>) semaphore(%arg11 : memref<!tpu.dma_semaphore, #tpu.memory_space<semaphore_mem>>)
    %while3A_37 = arith.constant 0 : i32
    %while3A_38 = arith.constant 0 : i32
    %while3A_39 = arith.constant 124 : i32
    %while3A_40 = arith.subi %while3A_39, %while3A_38 : i32
    %while3A_41 = arith.addi %while3A_38, %while3A_40 : i32
    %while3A_42 = arith.constant 1 : i32
    %while3A_43 = arith.divsi %while3A_40, %while3A_42 : i32
    %while3A_44 = arith.muli %while3A_43, %while3A_42 : i32
    %while3A_45 = arith.addi %while3A_38, %while3A_44 : i32
    %while3A_46 = arith.constant 1 : i32
    scf.for %while3A_82 = %while3A_38 to %while3A_45 step %while3A_46  : i32 {
      %mul3A_83 = arith.constant 2 : i32
      %mul3A_84 = arith.muli %while3A_82, %mul3A_83 : i32
      %add3A_85 = arith.constant 1 : i32
      %add3A_86 = arith.addi %mul3A_84, %add3A_85 : i32
      %dma_start3A_87 = arith.constant 0 : i32
      %dma_start3A_88 = tpu.memref_slice %arg6[%add3A_86, %dma_start3A_87] : memref<250x80xi32, #tpu.memory_space<vmem>> -> memref<1x80xi32, #tpu.memory_space<vmem>>
      %dma_start3A_89 = tpu.memref_squeeze %dma_start3A_88 : memref<1x80xi32, #tpu.memory_space<vmem>> -> memref<80xi32, #tpu.memory_space<vmem>>
      %dma_start3A_90 = arith.constant 0 : i32
      %dma_start3A_91 = arith.constant 0 : i32
      %dma_start3A_92 = tpu.memref_slice %arg2[%arg0, %dma_start3A_90, %dma_start3A_91] : memref<2x10240x64xf32, #tpu.memory_space<hbm>> -> memref<1x10240x64xf32, #tpu.memory_space<hbm>>
      %dma_start3A_93 = tpu.memref_squeeze %dma_start3A_92 : memref<1x10240x64xf32, #tpu.memory_space<hbm>> -> memref<10240x64xf32, #tpu.memory_space<hbm>>
      %dma_start3A_94 = arith.constant 0 : i32
      %dma_start3A_95 = arith.constant 0 : i32
      %dma_start3A_96 = tpu.memref_slice %dma_start3A_93[%dma_start3A_94, %dma_start3A_95] : memref<10240x64xf32, #tpu.memory_space<hbm>> -> memref<10240x64xf32, #tpu.memory_space<hbm>>
      tpu.enqueue_indirect_dma source(%dma_start3A_96 : memref<10240x64xf32, #tpu.memory_space<hbm>>) target(%arg9 : memref<80x64xf32, #tpu.memory_space<vmem>>) offsets(%dma_start3A_89 : memref<80xi32, #tpu.memory_space<vmem>>) semaphore(%arg12 : memref<!tpu.dma_semaphore, #tpu.memory_space<semaphore_mem>>)
      %dma_wait3A_97 = arith.constant 0 : i32
      %dma_wait3A_98 = tpu.memref_slice %arg6[%mul3A_84, %dma_wait3A_97] : memref<250x80xi32, #tpu.memory_space<vmem>> -> memref<1x80xi32, #tpu.memory_space<vmem>>
      %dma_wait3A_99 = tpu.memref_squeeze %dma_wait3A_98 : memref<1x80xi32, #tpu.memory_space<vmem>> -> memref<80xi32, #tpu.memory_space<vmem>>
      %dma_wait3A_100 = arith.constant 0 : i32
      %dma_wait3A_101 = arith.constant 0 : i32
      %dma_wait3A_102 = tpu.memref_slice %arg2[%arg0, %dma_wait3A_100, %dma_wait3A_101] : memref<2x10240x64xf32, #tpu.memory_space<hbm>> -> memref<1x10240x64xf32, #tpu.memory_space<hbm>>
      %dma_wait3A_103 = tpu.memref_squeeze %dma_wait3A_102 : memref<1x10240x64xf32, #tpu.memory_space<hbm>> -> memref<10240x64xf32, #tpu.memory_space<hbm>>
      %dma_wait3A_104 = arith.constant 0 : i32
      %dma_wait3A_105 = arith.constant 0 : i32
      %dma_wait3A_106 = tpu.memref_slice %dma_wait3A_103[%dma_wait3A_104, %dma_wait3A_105] : memref<10240x64xf32, #tpu.memory_space<hbm>> -> memref<10240x64xf32, #tpu.memory_space<hbm>>
      tpu.wait_indirect_dma semaphore(%arg11 : memref<!tpu.dma_semaphore, #tpu.memory_space<semaphore_mem>>) src(%dma_wait3A_106 : memref<10240x64xf32, #tpu.memory_space<hbm>>) dst(%arg8 : memref<80x64xf32, #tpu.memory_space<vmem>>)
      "tpu.region"() ({
        %run_scoped3A_129 = tpu.sem_alloc : memref<!tpu.dma_semaphore, #tpu.memory_space<semaphore_mem>>
        %dma_start3A_130 = arith.constant 0 : i32
        %dma_start3A_131 = tpu.memref_slice %arg7[%mul3A_84, %dma_start3A_130] : memref<250x80xi32, #tpu.memory_space<vmem>> -> memref<1x80xi32, #tpu.memory_space<vmem>>
        %dma_start3A_132 = tpu.memref_squeeze %dma_start3A_131 : memref<1x80xi32, #tpu.memory_space<vmem>> -> memref<80xi32, #tpu.memory_space<vmem>>
        %dma_start3A_133 = arith.constant 0 : i32
        %dma_start3A_134 = arith.constant 0 : i32
        %dma_start3A_135 = tpu.memref_slice %arg10[%dma_start3A_133, %dma_start3A_134] : memref<10240x64xf32, #tpu.memory_space<vmem_shared>> -> memref<10240x64xf32, #tpu.memory_space<vmem_shared>>
        tpu.enqueue_indirect_dma source(%arg8 : memref<80x64xf32, #tpu.memory_space<vmem>>) target(%dma_start3A_135 : memref<10240x64xf32, #tpu.memory_space<vmem_shared>>) offsets(%dma_start3A_132 : memref<80xi32, #tpu.memory_space<vmem>>) semaphore(%run_scoped3A_129 : memref<!tpu.dma_semaphore, #tpu.memory_space<semaphore_mem>>) {add = true}
        %dma_wait3A_136 = arith.constant 0 : i32
        %dma_wait3A_137 = tpu.memref_slice %arg7[%mul3A_84, %dma_wait3A_136] : memref<250x80xi32, #tpu.memory_space<vmem>> -> memref<1x80xi32, #tpu.memory_space<vmem>>
        %dma_wait3A_138 = tpu.memref_squeeze %dma_wait3A_137 : memref<1x80xi32, #tpu.memory_space<vmem>> -> memref<80xi32, #tpu.memory_space<vmem>>
        %dma_wait3A_139 = arith.constant 0 : i32
        %dma_wait3A_140 = arith.constant 0 : i32
        %dma_wait3A_141 = tpu.memref_slice %arg10[%dma_wait3A_139, %dma_wait3A_140] : memref<10240x64xf32, #tpu.memory_space<vmem_shared>> -> memref<10240x64xf32, #tpu.memory_space<vmem_shared>>
        tpu.wait_indirect_dma semaphore(%run_scoped3A_129 : memref<!tpu.dma_semaphore, #tpu.memory_space<semaphore_mem>>) src(%arg8 : memref<80x64xf32, #tpu.memory_space<vmem>>) dst(%dma_wait3A_141 : memref<10240x64xf32, #tpu.memory_space<vmem_shared>>)
        tpu.yield
      }) : () -> ()
      %add3A_107 = arith.constant 2 : i32
      %add3A_108 = arith.addi %mul3A_84, %add3A_107 : i32
      %dma_start3A_109 = arith.constant 0 : i32
      %dma_start3A_110 = tpu.memref_slice %arg6[%add3A_108, %dma_start3A_109] : memref<250x80xi32, #tpu.memory_space<vmem>> -> memref<1x80xi32, #tpu.memory_space<vmem>>
      %dma_start3A_111 = tpu.memref_squeeze %dma_start3A_110 : memref<1x80xi32, #tpu.memory_space<vmem>> -> memref<80xi32, #tpu.memory_space<vmem>>
      %dma_start3A_112 = arith.constant 0 : i32
      %dma_start3A_113 = arith.constant 0 : i32
      %dma_start3A_114 = tpu.memref_slice %arg2[%arg0, %dma_start3A_112, %dma_start3A_113] : memref<2x10240x64xf32, #tpu.memory_space<hbm>> -> memref<1x10240x64xf32, #tpu.memory_space<hbm>>
      %dma_start3A_115 = tpu.memref_squeeze %dma_start3A_114 : memref<1x10240x64xf32, #tpu.memory_space<hbm>> -> memref<10240x64xf32, #tpu.memory_space<hbm>>
      %dma_start3A_116 = arith.constant 0 : i32
      %dma_start3A_117 = arith.constant 0 : i32
      %dma_start3A_118 = tpu.memref_slice %dma_start3A_115[%dma_start3A_116, %dma_start3A_117] : memref<10240x64xf32, #tpu.memory_space<hbm>> -> memref<10240x64xf32, #tpu.memory_space<hbm>>
      tpu.enqueue_indirect_dma source(%dma_start3A_118 : memref<10240x64xf32, #tpu.memory_space<hbm>>) target(%arg8 : memref<80x64xf32, #tpu.memory_space<vmem>>) offsets(%dma_start3A_111 : memref<80xi32, #tpu.memory_space<vmem>>) semaphore(%arg11 : memref<!tpu.dma_semaphore, #tpu.memory_space<semaphore_mem>>)
      %dma_wait3A_119 = arith.constant 0 : i32
      %dma_wait3A_120 = tpu.memref_slice %arg6[%add3A_86, %dma_wait3A_119] : memref<250x80xi32, #tpu.memory_space<vmem>> -> memref<1x80xi32, #tpu.memory_space<vmem>>
      %dma_wait3A_121 = tpu.memref_squeeze %dma_wait3A_120 : memref<1x80xi32, #tpu.memory_space<vmem>> -> memref<80xi32, #tpu.memory_space<vmem>>
      %dma_wait3A_122 = arith.constant 0 : i32
      %dma_wait3A_123 = arith.constant 0 : i32
      %dma_wait3A_124 = tpu.memref_slice %arg2[%arg0, %dma_wait3A_122, %dma_wait3A_123] : memref<2x10240x64xf32, #tpu.memory_space<hbm>> -> memref<1x10240x64xf32, #tpu.memory_space<hbm>>
      %dma_wait3A_125 = tpu.memref_squeeze %dma_wait3A_124 : memref<1x10240x64xf32, #tpu.memory_space<hbm>> -> memref<10240x64xf32, #tpu.memory_space<hbm>>
      %dma_wait3A_126 = arith.constant 0 : i32
      %dma_wait3A_127 = arith.constant 0 : i32
      %dma_wait3A_128 = tpu.memref_slice %dma_wait3A_125[%dma_wait3A_126, %dma_wait3A_127] : memref<10240x64xf32, #tpu.memory_space<hbm>> -> memref<10240x64xf32, #tpu.memory_space<hbm>>
      tpu.wait_indirect_dma semaphore(%arg12 : memref<!tpu.dma_semaphore, #tpu.memory_space<semaphore_mem>>) src(%dma_wait3A_128 : memref<10240x64xf32, #tpu.memory_space<hbm>>) dst(%arg9 : memref<80x64xf32, #tpu.memory_space<vmem>>)
      "tpu.region"() ({
        %run_scoped3A_129 = tpu.sem_alloc : memref<!tpu.dma_semaphore, #tpu.memory_space<semaphore_mem>>
        %dma_start3A_130 = arith.constant 0 : i32
        %dma_start3A_131 = tpu.memref_slice %arg7[%add3A_86, %dma_start3A_130] : memref<250x80xi32, #tpu.memory_space<vmem>> -> memref<1x80xi32, #tpu.memory_space<vmem>>
        %dma_start3A_132 = tpu.memref_squeeze %dma_start3A_131 : memref<1x80xi32, #tpu.memory_space<vmem>> -> memref<80xi32, #tpu.memory_space<vmem>>
        %dma_start3A_133 = arith.constant 0 : i32
        %dma_start3A_134 = arith.constant 0 : i32
        %dma_start3A_135 = tpu.memref_slice %arg10[%dma_start3A_133, %dma_start3A_134] : memref<10240x64xf32, #tpu.memory_space<vmem_shared>> -> memref<10240x64xf32, #tpu.memory_space<vmem_shared>>
        tpu.enqueue_indirect_dma source(%arg9 : memref<80x64xf32, #tpu.memory_space<vmem>>) target(%dma_start3A_135 : memref<10240x64xf32, #tpu.memory_space<vmem_shared>>) offsets(%dma_start3A_132 : memref<80xi32, #tpu.memory_space<vmem>>) semaphore(%run_scoped3A_129 : memref<!tpu.dma_semaphore, #tpu.memory_space<semaphore_mem>>) {add = true}
        %dma_wait3A_136 = arith.constant 0 : i32
        %dma_wait3A_137 = tpu.memref_slice %arg7[%add3A_86, %dma_wait3A_136] : memref<250x80xi32, #tpu.memory_space<vmem>> -> memref<1x80xi32, #tpu.memory_space<vmem>>
        %dma_wait3A_138 = tpu.memref_squeeze %dma_wait3A_137 : memref<1x80xi32, #tpu.memory_space<vmem>> -> memref<80xi32, #tpu.memory_space<vmem>>
        %dma_wait3A_139 = arith.constant 0 : i32
        %dma_wait3A_140 = arith.constant 0 : i32
        %dma_wait3A_141 = tpu.memref_slice %arg10[%dma_wait3A_139, %dma_wait3A_140] : memref<10240x64xf32, #tpu.memory_space<vmem_shared>> -> memref<10240x64xf32, #tpu.memory_space<vmem_shared>>
        tpu.wait_indirect_dma semaphore(%run_scoped3A_129 : memref<!tpu.dma_semaphore, #tpu.memory_space<semaphore_mem>>) src(%arg9 : memref<80x64xf32, #tpu.memory_space<vmem>>) dst(%dma_wait3A_141 : memref<10240x64xf32, #tpu.memory_space<vmem_shared>>)
        tpu.yield
      }) : () -> ()
    }
    %while3A_47 = arith.constant 1 : i32
    scf.for %while3A_82 = %while3A_45 to %while3A_41 step %while3A_47  : i32 {
      %mul3A_83 = arith.constant 2 : i32
      %mul3A_84 = arith.muli %while3A_82, %mul3A_83 : i32
      %add3A_85 = arith.constant 1 : i32
      %add3A_86 = arith.addi %mul3A_84, %add3A_85 : i32
      %dma_start3A_87 = arith.constant 0 : i32
      %dma_start3A_88 = tpu.memref_slice %arg6[%add3A_86, %dma_start3A_87] : memref<250x80xi32, #tpu.memory_space<vmem>> -> memref<1x80xi32, #tpu.memory_space<vmem>>
      %dma_start3A_89 = tpu.memref_squeeze %dma_start3A_88 : memref<1x80xi32, #tpu.memory_space<vmem>> -> memref<80xi32, #tpu.memory_space<vmem>>
      %dma_start3A_90 = arith.constant 0 : i32
      %dma_start3A_91 = arith.constant 0 : i32
      %dma_start3A_92 = tpu.memref_slice %arg2[%arg0, %dma_start3A_90, %dma_start3A_91] : memref<2x10240x64xf32, #tpu.memory_space<hbm>> -> memref<1x10240x64xf32, #tpu.memory_space<hbm>>
      %dma_start3A_93 = tpu.memref_squeeze %dma_start3A_92 : memref<1x10240x64xf32, #tpu.memory_space<hbm>> -> memref<10240x64xf32, #tpu.memory_space<hbm>>
      %dma_start3A_94 = arith.constant 0 : i32
      %dma_start3A_95 = arith.constant 0 : i32
      %dma_start3A_96 = tpu.memref_slice %dma_start3A_93[%dma_start3A_94, %dma_start3A_95] : memref<10240x64xf32, #tpu.memory_space<hbm>> -> memref<10240x64xf32, #tpu.memory_space<hbm>>
      tpu.enqueue_indirect_dma source(%dma_start3A_96 : memref<10240x64xf32, #tpu.memory_space<hbm>>) target(%arg9 : memref<80x64xf32, #tpu.memory_space<vmem>>) offsets(%dma_start3A_89 : memref<80xi32, #tpu.memory_space<vmem>>) semaphore(%arg12 : memref<!tpu.dma_semaphore, #tpu.memory_space<semaphore_mem>>)
      %dma_wait3A_97 = arith.constant 0 : i32
      %dma_wait3A_98 = tpu.memref_slice %arg6[%mul3A_84, %dma_wait3A_97] : memref<250x80xi32, #tpu.memory_space<vmem>> -> memref<1x80xi32, #tpu.memory_space<vmem>>
      %dma_wait3A_99 = tpu.memref_squeeze %dma_wait3A_98 : memref<1x80xi32, #tpu.memory_space<vmem>> -> memref<80xi32, #tpu.memory_space<vmem>>
      %dma_wait3A_100 = arith.constant 0 : i32
      %dma_wait3A_101 = arith.constant 0 : i32
      %dma_wait3A_102 = tpu.memref_slice %arg2[%arg0, %dma_wait3A_100, %dma_wait3A_101] : memref<2x10240x64xf32, #tpu.memory_space<hbm>> -> memref<1x10240x64xf32, #tpu.memory_space<hbm>>
      %dma_wait3A_103 = tpu.memref_squeeze %dma_wait3A_102 : memref<1x10240x64xf32, #tpu.memory_space<hbm>> -> memref<10240x64xf32, #tpu.memory_space<hbm>>
      %dma_wait3A_104 = arith.constant 0 : i32
      %dma_wait3A_105 = arith.constant 0 : i32
      %dma_wait3A_106 = tpu.memref_slice %dma_wait3A_103[%dma_wait3A_104, %dma_wait3A_105] : memref<10240x64xf32, #tpu.memory_space<hbm>> -> memref<10240x64xf32, #tpu.memory_space<hbm>>
      tpu.wait_indirect_dma semaphore(%arg11 : memref<!tpu.dma_semaphore, #tpu.memory_space<semaphore_mem>>) src(%dma_wait3A_106 : memref<10240x64xf32, #tpu.memory_space<hbm>>) dst(%arg8 : memref<80x64xf32, #tpu.memory_space<vmem>>)
      "tpu.region"() ({
        %run_scoped3A_129 = tpu.sem_alloc : memref<!tpu.dma_semaphore, #tpu.memory_space<semaphore_mem>>
        %dma_start3A_130 = arith.constant 0 : i32
        %dma_start3A_131 = tpu.memref_slice %arg7[%mul3A_84, %dma_start3A_130] : memref<250x80xi32, #tpu.memory_space<vmem>> -> memref<1x80xi32, #tpu.memory_space<vmem>>
        %dma_start3A_132 = tpu.memref_squeeze %dma_start3A_131 : memref<1x80xi32, #tpu.memory_space<vmem>> -> memref<80xi32, #tpu.memory_space<vmem>>
        %dma_start3A_133 = arith.constant 0 : i32
        %dma_start3A_134 = arith.constant 0 : i32
        %dma_start3A_135 = tpu.memref_slice %arg10[%dma_start3A_133, %dma_start3A_134] : memref<10240x64xf32, #tpu.memory_space<vmem_shared>> -> memref<10240x64xf32, #tpu.memory_space<vmem_shared>>
        tpu.enqueue_indirect_dma source(%arg8 : memref<80x64xf32, #tpu.memory_space<vmem>>) target(%dma_start3A_135 : memref<10240x64xf32, #tpu.memory_space<vmem_shared>>) offsets(%dma_start3A_132 : memref<80xi32, #tpu.memory_space<vmem>>) semaphore(%run_scoped3A_129 : memref<!tpu.dma_semaphore, #tpu.memory_space<semaphore_mem>>) {add = true}
        %dma_wait3A_136 = arith.constant 0 : i32
        %dma_wait3A_137 = tpu.memref_slice %arg7[%mul3A_84, %dma_wait3A_136] : memref<250x80xi32, #tpu.memory_space<vmem>> -> memref<1x80xi32, #tpu.memory_space<vmem>>
        %dma_wait3A_138 = tpu.memref_squeeze %dma_wait3A_137 : memref<1x80xi32, #tpu.memory_space<vmem>> -> memref<80xi32, #tpu.memory_space<vmem>>
        %dma_wait3A_139 = arith.constant 0 : i32
        %dma_wait3A_140 = arith.constant 0 : i32
        %dma_wait3A_141 = tpu.memref_slice %arg10[%dma_wait3A_139, %dma_wait3A_140] : memref<10240x64xf32, #tpu.memory_space<vmem_shared>> -> memref<10240x64xf32, #tpu.memory_space<vmem_shared>>
        tpu.wait_indirect_dma semaphore(%run_scoped3A_129 : memref<!tpu.dma_semaphore, #tpu.memory_space<semaphore_mem>>) src(%arg8 : memref<80x64xf32, #tpu.memory_space<vmem>>) dst(%dma_wait3A_141 : memref<10240x64xf32, #tpu.memory_space<vmem_shared>>)
        tpu.yield
      }) : () -> ()
      %add3A_107 = arith.constant 2 : i32
      %add3A_108 = arith.addi %mul3A_84, %add3A_107 : i32
      %dma_start3A_109 = arith.constant 0 : i32
      %dma_start3A_110 = tpu.memref_slice %arg6[%add3A_108, %dma_start3A_109] : memref<250x80xi32, #tpu.memory_space<vmem>> -> memref<1x80xi32, #tpu.memory_space<vmem>>
      %dma_start3A_111 = tpu.memref_squeeze %dma_start3A_110 : memref<1x80xi32, #tpu.memory_space<vmem>> -> memref<80xi32, #tpu.memory_space<vmem>>
      %dma_start3A_112 = arith.constant 0 : i32
      %dma_start3A_113 = arith.constant 0 : i32
      %dma_start3A_114 = tpu.memref_slice %arg2[%arg0, %dma_start3A_112, %dma_start3A_113] : memref<2x10240x64xf32, #tpu.memory_space<hbm>> -> memref<1x10240x64xf32, #tpu.memory_space<hbm>>
      %dma_start3A_115 = tpu.memref_squeeze %dma_start3A_114 : memref<1x10240x64xf32, #tpu.memory_space<hbm>> -> memref<10240x64xf32, #tpu.memory_space<hbm>>
      %dma_start3A_116 = arith.constant 0 : i32
      %dma_start3A_117 = arith.constant 0 : i32
      %dma_start3A_118 = tpu.memref_slice %dma_start3A_115[%dma_start3A_116, %dma_start3A_117] : memref<10240x64xf32, #tpu.memory_space<hbm>> -> memref<10240x64xf32, #tpu.memory_space<hbm>>
      tpu.enqueue_indirect_dma source(%dma_start3A_118 : memref<10240x64xf32, #tpu.memory_space<hbm>>) target(%arg8 : memref<80x64xf32, #tpu.memory_space<vmem>>) offsets(%dma_start3A_111 : memref<80xi32, #tpu.memory_space<vmem>>) semaphore(%arg11 : memref<!tpu.dma_semaphore, #tpu.memory_space<semaphore_mem>>)
      %dma_wait3A_119 = arith.constant 0 : i32
      %dma_wait3A_120 = tpu.memref_slice %arg6[%add3A_86, %dma_wait3A_119] : memref<250x80xi32, #tpu.memory_space<vmem>> -> memref<1x80xi32, #tpu.memory_space<vmem>>
      %dma_wait3A_121 = tpu.memref_squeeze %dma_wait3A_120 : memref<1x80xi32, #tpu.memory_space<vmem>> -> memref<80xi32, #tpu.memory_space<vmem>>
      %dma_wait3A_122 = arith.constant 0 : i32
      %dma_wait3A_123 = arith.constant 0 : i32
      %dma_wait3A_124 = tpu.memref_slice %arg2[%arg0, %dma_wait3A_122, %dma_wait3A_123] : memref<2x10240x64xf32, #tpu.memory_space<hbm>> -> memref<1x10240x64xf32, #tpu.memory_space<hbm>>
      %dma_wait3A_125 = tpu.memref_squeeze %dma_wait3A_124 : memref<1x10240x64xf32, #tpu.memory_space<hbm>> -> memref<10240x64xf32, #tpu.memory_space<hbm>>
      %dma_wait3A_126 = arith.constant 0 : i32
      %dma_wait3A_127 = arith.constant 0 : i32
      %dma_wait3A_128 = tpu.memref_slice %dma_wait3A_125[%dma_wait3A_126, %dma_wait3A_127] : memref<10240x64xf32, #tpu.memory_space<hbm>> -> memref<10240x64xf32, #tpu.memory_space<hbm>>
      tpu.wait_indirect_dma semaphore(%arg12 : memref<!tpu.dma_semaphore, #tpu.memory_space<semaphore_mem>>) src(%dma_wait3A_128 : memref<10240x64xf32, #tpu.memory_space<hbm>>) dst(%arg9 : memref<80x64xf32, #tpu.memory_space<vmem>>)
      "tpu.region"() ({
        %run_scoped3A_129 = tpu.sem_alloc : memref<!tpu.dma_semaphore, #tpu.memory_space<semaphore_mem>>
        %dma_start3A_130 = arith.constant 0 : i32
        %dma_start3A_131 = tpu.memref_slice %arg7[%add3A_86, %dma_start3A_130] : memref<250x80xi32, #tpu.memory_space<vmem>> -> memref<1x80xi32, #tpu.memory_space<vmem>>
        %dma_start3A_132 = tpu.memref_squeeze %dma_start3A_131 : memref<1x80xi32, #tpu.memory_space<vmem>> -> memref<80xi32, #tpu.memory_space<vmem>>
        %dma_start3A_133 = arith.constant 0 : i32
        %dma_start3A_134 = arith.constant 0 : i32
        %dma_start3A_135 = tpu.memref_slice %arg10[%dma_start3A_133, %dma_start3A_134] : memref<10240x64xf32, #tpu.memory_space<vmem_shared>> -> memref<10240x64xf32, #tpu.memory_space<vmem_shared>>
        tpu.enqueue_indirect_dma source(%arg9 : memref<80x64xf32, #tpu.memory_space<vmem>>) target(%dma_start3A_135 : memref<10240x64xf32, #tpu.memory_space<vmem_shared>>) offsets(%dma_start3A_132 : memref<80xi32, #tpu.memory_space<vmem>>) semaphore(%run_scoped3A_129 : memref<!tpu.dma_semaphore, #tpu.memory_space<semaphore_mem>>) {add = true}
        %dma_wait3A_136 = arith.constant 0 : i32
        %dma_wait3A_137 = tpu.memref_slice %arg7[%add3A_86, %dma_wait3A_136] : memref<250x80xi32, #tpu.memory_space<vmem>> -> memref<1x80xi32, #tpu.memory_space<vmem>>
        %dma_wait3A_138 = tpu.memref_squeeze %dma_wait3A_137 : memref<1x80xi32, #tpu.memory_space<vmem>> -> memref<80xi32, #tpu.memory_space<vmem>>
        %dma_wait3A_139 = arith.constant 0 : i32
        %dma_wait3A_140 = arith.constant 0 : i32
        %dma_wait3A_141 = tpu.memref_slice %arg10[%dma_wait3A_139, %dma_wait3A_140] : memref<10240x64xf32, #tpu.memory_space<vmem_shared>> -> memref<10240x64xf32, #tpu.memory_space<vmem_shared>>
        tpu.wait_indirect_dma semaphore(%run_scoped3A_129 : memref<!tpu.dma_semaphore, #tpu.memory_space<semaphore_mem>>) src(%arg9 : memref<80x64xf32, #tpu.memory_space<vmem>>) dst(%dma_wait3A_141 : memref<10240x64xf32, #tpu.memory_space<vmem_shared>>)
        tpu.yield
      }) : () -> ()
    }
    %dma_start3A_48 = arith.constant 249 : i32
    %dma_start3A_49 = arith.constant 0 : i32
    %dma_start3A_50 = tpu.memref_slice %arg6[%dma_start3A_48, %dma_start3A_49] : memref<250x80xi32, #tpu.memory_space<vmem>> -> memref<1x80xi32, #tpu.memory_space<vmem>>
    %dma_start3A_51 = tpu.memref_squeeze %dma_start3A_50 : memref<1x80xi32, #tpu.memory_space<vmem>> -> memref<80xi32, #tpu.memory_space<vmem>>
    %dma_start3A_52 = arith.constant 0 : i32
    %dma_start3A_53 = arith.constant 0 : i32
    %dma_start3A_54 = tpu.memref_slice %arg2[%arg0, %dma_start3A_52, %dma_start3A_53] : memref<2x10240x64xf32, #tpu.memory_space<hbm>> -> memref<1x10240x64xf32, #tpu.memory_space<hbm>>
    %dma_start3A_55 = tpu.memref_squeeze %dma_start3A_54 : memref<1x10240x64xf32, #tpu.memory_space<hbm>> -> memref<10240x64xf32, #tpu.memory_space<hbm>>
    %dma_start3A_56 = arith.constant 0 : i32
    %dma_start3A_57 = arith.constant 0 : i32
    %dma_start3A_58 = tpu.memref_slice %dma_start3A_55[%dma_start3A_56, %dma_start3A_57] : memref<10240x64xf32, #tpu.memory_space<hbm>> -> memref<10240x64xf32, #tpu.memory_space<hbm>>
    tpu.enqueue_indirect_dma source(%dma_start3A_58 : memref<10240x64xf32, #tpu.memory_space<hbm>>) target(%arg9 : memref<80x64xf32, #tpu.memory_space<vmem>>) offsets(%dma_start3A_51 : memref<80xi32, #tpu.memory_space<vmem>>) semaphore(%arg12 : memref<!tpu.dma_semaphore, #tpu.memory_space<semaphore_mem>>)
    %dma_wait3A = arith.constant 248 : i32
    %dma_wait3A_59 = arith.constant 0 : i32
    %dma_wait3A_60 = tpu.memref_slice %arg6[%dma_wait3A, %dma_wait3A_59] : memref<250x80xi32, #tpu.memory_space<vmem>> -> memref<1x80xi32, #tpu.memory_space<vmem>>
    %dma_wait3A_61 = tpu.memref_squeeze %dma_wait3A_60 : memref<1x80xi32, #tpu.memory_space<vmem>> -> memref<80xi32, #tpu.memory_space<vmem>>
    %dma_wait3A_62 = arith.constant 0 : i32
    %dma_wait3A_63 = arith.constant 0 : i32
    %dma_wait3A_64 = tpu.memref_slice %arg2[%arg0, %dma_wait3A_62, %dma_wait3A_63] : memref<2x10240x64xf32, #tpu.memory_space<hbm>> -> memref<1x10240x64xf32, #tpu.memory_space<hbm>>
    %dma_wait3A_65 = tpu.memref_squeeze %dma_wait3A_64 : memref<1x10240x64xf32, #tpu.memory_space<hbm>> -> memref<10240x64xf32, #tpu.memory_space<hbm>>
    %dma_wait3A_66 = arith.constant 0 : i32
    %dma_wait3A_67 = arith.constant 0 : i32
    %dma_wait3A_68 = tpu.memref_slice %dma_wait3A_65[%dma_wait3A_66, %dma_wait3A_67] : memref<10240x64xf32, #tpu.memory_space<hbm>> -> memref<10240x64xf32, #tpu.memory_space<hbm>>
    tpu.wait_indirect_dma semaphore(%arg11 : memref<!tpu.dma_semaphore, #tpu.memory_space<semaphore_mem>>) src(%dma_wait3A_68 : memref<10240x64xf32, #tpu.memory_space<hbm>>) dst(%arg8 : memref<80x64xf32, #tpu.memory_space<vmem>>)
    %run_scoped3A = arith.constant 248 : i32
    "tpu.region"() ({
      %run_scoped3A_82 = tpu.sem_alloc : memref<!tpu.dma_semaphore, #tpu.memory_space<semaphore_mem>>
      %dma_start3A_83 = arith.constant 0 : i32
      %dma_start3A_84 = tpu.memref_slice %arg7[%run_scoped3A, %dma_start3A_83] : memref<250x80xi32, #tpu.memory_space<vmem>> -> memref<1x80xi32, #tpu.memory_space<vmem>>
      %dma_start3A_85 = tpu.memref_squeeze %dma_start3A_84 : memref<1x80xi32, #tpu.memory_space<vmem>> -> memref<80xi32, #tpu.memory_space<vmem>>
      %dma_start3A_86 = arith.constant 0 : i32
      %dma_start3A_87 = arith.constant 0 : i32
      %dma_start3A_88 = tpu.memref_slice %arg10[%dma_start3A_86, %dma_start3A_87] : memref<10240x64xf32, #tpu.memory_space<vmem_shared>> -> memref<10240x64xf32, #tpu.memory_space<vmem_shared>>
      tpu.enqueue_indirect_dma source(%arg8 : memref<80x64xf32, #tpu.memory_space<vmem>>) target(%dma_start3A_88 : memref<10240x64xf32, #tpu.memory_space<vmem_shared>>) offsets(%dma_start3A_85 : memref<80xi32, #tpu.memory_space<vmem>>) semaphore(%run_scoped3A_82 : memref<!tpu.dma_semaphore, #tpu.memory_space<semaphore_mem>>) {add = true}
      %dma_wait3A_89 = arith.constant 0 : i32
      %dma_wait3A_90 = tpu.memref_slice %arg7[%run_scoped3A, %dma_wait3A_89] : memref<250x80xi32, #tpu.memory_space<vmem>> -> memref<1x80xi32, #tpu.memory_space<vmem>>
      %dma_wait3A_91 = tpu.memref_squeeze %dma_wait3A_90 : memref<1x80xi32, #tpu.memory_space<vmem>> -> memref<80xi32, #tpu.memory_space<vmem>>
      %dma_wait3A_92 = arith.constant 0 : i32
      %dma_wait3A_93 = arith.constant 0 : i32
      %dma_wait3A_94 = tpu.memref_slice %arg10[%dma_wait3A_92, %dma_wait3A_93] : memref<10240x64xf32, #tpu.memory_space<vmem_shared>> -> memref<10240x64xf32, #tpu.memory_space<vmem_shared>>
      tpu.wait_indirect_dma semaphore(%run_scoped3A_82 : memref<!tpu.dma_semaphore, #tpu.memory_space<semaphore_mem>>) src(%arg8 : memref<80x64xf32, #tpu.memory_space<vmem>>) dst(%dma_wait3A_94 : memref<10240x64xf32, #tpu.memory_space<vmem_shared>>)
      tpu.yield
    }) : () -> ()
    %dma_wait3A_69 = arith.constant 249 : i32
    %dma_wait3A_70 = arith.constant 0 : i32
    %dma_wait3A_71 = tpu.memref_slice %arg6[%dma_wait3A_69, %dma_wait3A_70] : memref<250x80xi32, #tpu.memory_space<vmem>> -> memref<1x80xi32, #tpu.memory_space<vmem>>
    %dma_wait3A_72 = tpu.memref_squeeze %dma_wait3A_71 : memref<1x80xi32, #tpu.memory_space<vmem>> -> memref<80xi32, #tpu.memory_space<vmem>>
    %dma_wait3A_73 = arith.constant 0 : i32
    %dma_wait3A_74 = arith.constant 0 : i32
    %dma_wait3A_75 = tpu.memref_slice %arg2[%arg0, %dma_wait3A_73, %dma_wait3A_74] : memref<2x10240x64xf32, #tpu.memory_space<hbm>> -> memref<1x10240x64xf32, #tpu.memory_space<hbm>>
    %dma_wait3A_76 = tpu.memref_squeeze %dma_wait3A_75 : memref<1x10240x64xf32, #tpu.memory_space<hbm>> -> memref<10240x64xf32, #tpu.memory_space<hbm>>
    %dma_wait3A_77 = arith.constant 0 : i32
    %dma_wait3A_78 = arith.constant 0 : i32
    %dma_wait3A_79 = tpu.memref_slice %dma_wait3A_76[%dma_wait3A_77, %dma_wait3A_78] : memref<10240x64xf32, #tpu.memory_space<hbm>> -> memref<10240x64xf32, #tpu.memory_space<hbm>>
    tpu.wait_indirect_dma semaphore(%arg12 : memref<!tpu.dma_semaphore, #tpu.memory_space<semaphore_mem>>) src(%dma_wait3A_79 : memref<10240x64xf32, #tpu.memory_space<hbm>>) dst(%arg9 : memref<80x64xf32, #tpu.memory_space<vmem>>)
    %run_scoped3A_80 = arith.constant 249 : i32
    "tpu.region"() ({
      %run_scoped3A_82 = tpu.sem_alloc : memref<!tpu.dma_semaphore, #tpu.memory_space<semaphore_mem>>
      %dma_start3A_83 = arith.constant 0 : i32
      %dma_start3A_84 = tpu.memref_slice %arg7[%run_scoped3A_80, %dma_start3A_83] : memref<250x80xi32, #tpu.memory_space<vmem>> -> memref<1x80xi32, #tpu.memory_space<vmem>>
      %dma_start3A_85 = tpu.memref_squeeze %dma_start3A_84 : memref<1x80xi32, #tpu.memory_space<vmem>> -> memref<80xi32, #tpu.memory_space<vmem>>
      %dma_start3A_86 = arith.constant 0 : i32
      %dma_start3A_87 = arith.constant 0 : i32
      %dma_start3A_88 = tpu.memref_slice %arg10[%dma_start3A_86, %dma_start3A_87] : memref<10240x64xf32, #tpu.memory_space<vmem_shared>> -> memref<10240x64xf32, #tpu.memory_space<vmem_shared>>
      tpu.enqueue_indirect_dma source(%arg9 : memref<80x64xf32, #tpu.memory_space<vmem>>) target(%dma_start3A_88 : memref<10240x64xf32, #tpu.memory_space<vmem_shared>>) offsets(%dma_start3A_85 : memref<80xi32, #tpu.memory_space<vmem>>) semaphore(%run_scoped3A_82 : memref<!tpu.dma_semaphore, #tpu.memory_space<semaphore_mem>>) {add = true}
      %dma_wait3A_89 = arith.constant 0 : i32
      %dma_wait3A_90 = tpu.memref_slice %arg7[%run_scoped3A_80, %dma_wait3A_89] : memref<250x80xi32, #tpu.memory_space<vmem>> -> memref<1x80xi32, #tpu.memory_space<vmem>>
      %dma_wait3A_91 = tpu.memref_squeeze %dma_wait3A_90 : memref<1x80xi32, #tpu.memory_space<vmem>> -> memref<80xi32, #tpu.memory_space<vmem>>
      %dma_wait3A_92 = arith.constant 0 : i32
      %dma_wait3A_93 = arith.constant 0 : i32
      %dma_wait3A_94 = tpu.memref_slice %arg10[%dma_wait3A_92, %dma_wait3A_93] : memref<10240x64xf32, #tpu.memory_space<vmem_shared>> -> memref<10240x64xf32, #tpu.memory_space<vmem_shared>>
      tpu.wait_indirect_dma semaphore(%run_scoped3A_82 : memref<!tpu.dma_semaphore, #tpu.memory_space<semaphore_mem>>) src(%arg9 : memref<80x64xf32, #tpu.memory_space<vmem>>) dst(%dma_wait3A_94 : memref<10240x64xf32, #tpu.memory_space<vmem_shared>>)
      tpu.yield
    }) : () -> ()
    %barrier3A_81 = arith.constant 0 : index
    tpu.barrier barrier_id(%barrier3A_81)
    "tpu.region"() ({
      %run_scoped3A_82 = tpu.sem_alloc : memref<!tpu.dma_semaphore, #tpu.memory_space<semaphore_mem>>
      %dma_start3A_83 = arith.constant 0 : i32
      %dma_start3A_84 = tpu.memref_slice %arg5[%arg0, %mul3A_0, %dma_start3A_83] : memref<2x10240x64xf32, #tpu.memory_space<hbm>> -> memref<1x640x64xf32, #tpu.memory_space<hbm>>
      %dma_start3A_85 = tpu.memref_squeeze %dma_start3A_84 : memref<1x640x64xf32, #tpu.memory_space<hbm>> -> memref<640x64xf32, #tpu.memory_space<hbm>>
      %dma_start3A_86 = arith.constant 0 : i32
      %dma_start3A_87 = tpu.memref_slice %arg10[%mul3A_0, %dma_start3A_86] : memref<10240x64xf32, #tpu.memory_space<vmem_shared>> -> memref<640x64xf32, #tpu.memory_space<vmem_shared>>
      tpu.enqueue_dma source(%dma_start3A_87 : memref<640x64xf32, #tpu.memory_space<vmem_shared>>) target(%dma_start3A_85 : memref<640x64xf32, #tpu.memory_space<hbm>>) target_semaphore(%run_scoped3A_82 : memref<!tpu.dma_semaphore, #tpu.memory_space<semaphore_mem>>)
      %dma_wait3A_88 = arith.constant 0 : i32
      %dma_wait3A_89 = tpu.memref_slice %arg5[%arg0, %mul3A_0, %dma_wait3A_88] : memref<2x10240x64xf32, #tpu.memory_space<hbm>> -> memref<1x640x64xf32, #tpu.memory_space<hbm>>
      %dma_wait3A_90 = tpu.memref_squeeze %dma_wait3A_89 : memref<1x640x64xf32, #tpu.memory_space<hbm>> -> memref<640x64xf32, #tpu.memory_space<hbm>>
      %dma_wait3A_91 = arith.constant 0 : i32
      %dma_wait3A_92 = tpu.memref_slice %arg10[%mul3A_0, %dma_wait3A_91] : memref<10240x64xf32, #tpu.memory_space<vmem_shared>> -> memref<640x64xf32, #tpu.memory_space<vmem_shared>>
      tpu.wait_dma2 semaphore(%run_scoped3A_82 : memref<!tpu.dma_semaphore, #tpu.memory_space<semaphore_mem>>) src(%dma_wait3A_92 : memref<640x64xf32, #tpu.memory_space<vmem_shared>>) dst(%dma_wait3A_90 : memref<640x64xf32, #tpu.memory_space<hbm>>)
      tpu.yield
    }) : () -> ()
    return
  }
}

#map = affine_map<(d0, d1) -> (0, 0, 0)>
module attributes {stable_mosaic.version = 14 : i64} {
  func.func @edge_kernel(%arg0: i32, %arg1: i32, %arg2: memref<2x10240x64xf32, #tpu.memory_space<hbm>>, %arg3: memref<16x250x80xi32, #tpu.memory_space<hbm>>, %arg4: memref<16x250x80xi32, #tpu.memory_space<hbm>>, %arg5: memref<2x10240x64xf32, #tpu.memory_space<hbm>>, %arg6: memref<250x80xi32, #tpu.memory_space<vmem>>, %arg7: memref<250x80xi32, #tpu.memory_space<vmem>>, %arg8: memref<80x64xf32, #tpu.memory_space<vmem>>, %arg9: memref<80x64xf32, #tpu.memory_space<vmem>>, %arg10: memref<10240x64xf32, #tpu.memory_space<vmem_shared>>, %arg11: memref<!tpu.dma_semaphore, #tpu.memory_space<semaphore_mem>>, %arg12: memref<!tpu.dma_semaphore, #tpu.memory_space<semaphore_mem>>) attributes {dimension_semantics = [#tpu.dimension_semantics<core_parallel>, #tpu.dimension_semantics<subcore_parallel>], iteration_bounds = array<i64: 2, 16>, scalar_prefetch = 0 : i64, scratch_operands = 7 : i64, tpu.core_type = #tpu.core_type<sc_vector_subcore>, window_params = [{transform_indices = #map}, {transform_indices = #map}, {transform_indices = #map}, {transform_indices = #map}]} {
    %mul3A = arith.constant 640 : i32
    %mul3A_0 = arith.muli %arg1, %mul3A : i32
    %broadcast_in_dim3A = arith.constant 0.000000e+00 : f32
    %broadcast_in_dim3A_1 = vector.broadcast %broadcast_in_dim3A : f32 to vector<16xf32>
    %while3A = arith.constant 0 : i32
    %while3A_2 = arith.constant 0 : i32
    %while3A_3 = arith.constant 320 : i32
    %while3A_4 = arith.subi %while3A_3, %while3A_2 : i32
    %while3A_5 = arith.addi %while3A_2, %while3A_4 : i32
    %while3A_6 = arith.constant 1 : i32
    %while3A_7 = arith.divsi %while3A_4, %while3A_6 : i32
    %while3A_8 = arith.muli %while3A_7, %while3A_6 : i32
    %while3A_9 = arith.addi %while3A_2, %while3A_8 : i32
    %while3A_10 = arith.constant 1 : i32
    scf.for %while3A_82 = %while3A_2 to %while3A_9 step %while3A_10  : i32 {
      %jit3A = arith.constant 4 : i64
      %convert_element_type3A = arith.trunci %jit3A : i64 to i32
      %div3A = arith.divsi %while3A_82, %convert_element_type3A : i32
      %sign3A = arith.constant 0 : i32
      %sign3A_83 = arith.cmpi sgt, %while3A_82, %sign3A : i32
      %sign3A_84 = arith.extui %sign3A_83 : i1 to i32
      %sign3A_85 = arith.constant 0 : i32
      %sign3A_86 = arith.cmpi slt, %while3A_82, %sign3A_85 : i32
      %sign3A_87 = arith.extui %sign3A_86 : i1 to i32
      %sign3A_88 = arith.subi %sign3A_84, %sign3A_87 : i32
      %sign3A_89 = arith.constant 0 : i32
      %sign3A_90 = arith.cmpi sgt, %convert_element_type3A, %sign3A_89 : i32
      %sign3A_91 = arith.extui %sign3A_90 : i1 to i32
      %sign3A_92 = arith.constant 0 : i32
      %sign3A_93 = arith.cmpi slt, %convert_element_type3A, %sign3A_92 : i32
      %sign3A_94 = arith.extui %sign3A_93 : i1 to i32
      %sign3A_95 = arith.subi %sign3A_91, %sign3A_94 : i32
      %ne3A = arith.cmpi ne, %sign3A_88, %sign3A_95 : i32
      %rem3A = arith.remsi %while3A_82, %convert_element_type3A : i32
      %ne3A_96 = arith.constant 0 : i32
      %ne3A_97 = arith.cmpi ne, %rem3A, %ne3A_96 : i32
      %and3A = arith.andi %ne3A, %ne3A_97 : i1
      %sub3A = arith.constant 1 : i32
      %sub3A_98 = arith.subi %div3A, %sub3A : i32
      %select_n3A = arith.select %and3A, %sub3A_98, %div3A : i32
      %jit3A_99 = arith.constant 4 : i64
      %convert_element_type3A_100 = arith.trunci %jit3A_99 : i64 to i32
      %eq3A = arith.constant 0 : i32
      %eq3A_101 = arith.cmpi eq, %convert_element_type3A_100, %eq3A : i32
      %jit3A_102 = arith.constant 1 : i32
      %select_n3A_103 = arith.select %eq3A_101, %jit3A_102, %convert_element_type3A_100 : i32
      %rem3A_104 = arith.remsi %while3A_82, %select_n3A_103 : i32
      %ne3A_105 = arith.constant 0 : i32
      %ne3A_106 = arith.cmpi ne, %rem3A_104, %ne3A_105 : i32
      %lt3A = arith.constant 0 : i32
      %lt3A_107 = arith.cmpi slt, %rem3A_104, %lt3A : i32
      %lt3A_108 = arith.constant 0 : i32
      %lt3A_109 = arith.cmpi slt, %select_n3A_103, %lt3A_108 : i32
      %ne3A_110 = arith.xori %lt3A_107, %lt3A_109 : i1
      %and3A_111 = arith.andi %ne3A_110, %ne3A_106 : i1
      %add3A_112 = arith.addi %rem3A_104, %select_n3A_103 : i32
      %select_n3A_113 = arith.select %and3A_111, %add3A_112, %rem3A_104 : i32
      %mul3A_114 = arith.constant 16 : i32
      %mul3A_115 = arith.muli %select_n3A_113, %mul3A_114 : i32
      %multiple_of3A = tpu.assume_multiple %mul3A_115, 16 : i32
      %swap3A = arith.index_cast %select_n3A : i32 to index
      %swap3A_116 = arith.index_cast %multiple_of3A : i32 to index
      %swap3A_117 = tpu.vector_load %arg8[%swap3A, %swap3A_116] {strides = array<i32>} : memref<80x64xf32, #tpu.memory_space<vmem>>, vector<1x16xf32>,
      %swap3A_118 = vector.shape_cast %swap3A_117 : vector<1x16xf32> to vector<16xf32>
      %swap3A_119 = vector.shape_cast %broadcast_in_dim3A_1 : vector<16xf32> to vector<1x16xf32>
      tpu.vector_store %arg8[%swap3A, %swap3A_116], %swap3A_119 {strides = array<i32>} : memref<80x64xf32, #tpu.memory_space<vmem>>, vector<1x16xf32>,
    }
    %while3A_11 = arith.constant 1 : i32
    scf.for %while3A_82 = %while3A_9 to %while3A_5 step %while3A_11  : i32 {
      %jit3A = arith.constant 4 : i64
      %convert_element_type3A = arith.trunci %jit3A : i64 to i32
      %div3A = arith.divsi %while3A_82, %convert_element_type3A : i32
      %sign3A = arith.constant 0 : i32
      %sign3A_83 = arith.cmpi sgt, %while3A_82, %sign3A : i32
      %sign3A_84 = arith.extui %sign3A_83 : i1 to i32
      %sign3A_85 = arith.constant 0 : i32
      %sign3A_86 = arith.cmpi slt, %while3A_82, %sign3A_85 : i32
      %sign3A_87 = arith.extui %sign3A_86 : i1 to i32
      %sign3A_88 = arith.subi %sign3A_84, %sign3A_87 : i32
      %sign3A_89 = arith.constant 0 : i32
      %sign3A_90 = arith.cmpi sgt, %convert_element_type3A, %sign3A_89 : i32
      %sign3A_91 = arith.extui %sign3A_90 : i1 to i32
      %sign3A_92 = arith.constant 0 : i32
      %sign3A_93 = arith.cmpi slt, %convert_element_type3A, %sign3A_92 : i32
      %sign3A_94 = arith.extui %sign3A_93 : i1 to i32
      %sign3A_95 = arith.subi %sign3A_91, %sign3A_94 : i32
      %ne3A = arith.cmpi ne, %sign3A_88, %sign3A_95 : i32
      %rem3A = arith.remsi %while3A_82, %convert_element_type3A : i32
      %ne3A_96 = arith.constant 0 : i32
      %ne3A_97 = arith.cmpi ne, %rem3A, %ne3A_96 : i32
      %and3A = arith.andi %ne3A, %ne3A_97 : i1
      %sub3A = arith.constant 1 : i32
      %sub3A_98 = arith.subi %div3A, %sub3A : i32
      %select_n3A = arith.select %and3A, %sub3A_98, %div3A : i32
      %jit3A_99 = arith.constant 4 : i64
      %convert_element_type3A_100 = arith.trunci %jit3A_99 : i64 to i32
      %eq3A = arith.constant 0 : i32
      %eq3A_101 = arith.cmpi eq, %convert_element_type3A_100, %eq3A : i32
      %jit3A_102 = arith.constant 1 : i32
      %select_n3A_103 = arith.select %eq3A_101, %jit3A_102, %convert_element_type3A_100 : i32
      %rem3A_104 = arith.remsi %while3A_82, %select_n3A_103 : i32
      %ne3A_105 = arith.constant 0 : i32
      %ne3A_106 = arith.cmpi ne, %rem3A_104, %ne3A_105 : i32
      %lt3A = arith.constant 0 : i32
      %lt3A_107 = arith.cmpi slt, %rem3A_104, %lt3A : i32
      %lt3A_108 = arith.constant 0 : i32
      %lt3A_109 = arith.cmpi slt, %select_n3A_103, %lt3A_108 : i32
      %ne3A_110 = arith.xori %lt3A_107, %lt3A_109 : i1
      %and3A_111 = arith.andi %ne3A_110, %ne3A_106 : i1
      %add3A_112 = arith.addi %rem3A_104, %select_n3A_103 : i32
      %select_n3A_113 = arith.select %and3A_111, %add3A_112, %rem3A_104 : i32
      %mul3A_114 = arith.constant 16 : i32
      %mul3A_115 = arith.muli %select_n3A_113, %mul3A_114 : i32
      %multiple_of3A = tpu.assume_multiple %mul3A_115, 16 : i32
      %swap3A = arith.index_cast %select_n3A : i32 to index
      %swap3A_116 = arith.index_cast %multiple_of3A : i32 to index
      %swap3A_117 = tpu.vector_load %arg8[%swap3A, %swap3A_116] {strides = array<i32>} : memref<80x64xf32, #tpu.memory_space<vmem>>, vector<1x16xf32>,
      %swap3A_118 = vector.shape_cast %swap3A_117 : vector<1x16xf32> to vector<16xf32>
      %swap3A_119 = vector.shape_cast %broadcast_in_dim3A_1 : vector<16xf32> to vector<1x16xf32>
      tpu.vector_store %arg8[%swap3A, %swap3A_116], %swap3A_119 {strides = array<i32>} : memref<80x64xf32, #tpu.memory_space<vmem>>, vector<1x16xf32>,
    }
    %add3A = arith.constant 0 : i32
    %add3A_12 = arith.addi %mul3A_0, %add3A : i32
    "tpu.region"() ({
      %run_scoped3A_82 = tpu.sem_alloc : memref<!tpu.dma_semaphore, #tpu.memory_space<semaphore_mem>>
      %dma_start3A_83 = arith.constant 0 : i32
      %dma_start3A_84 = tpu.memref_slice %arg10[%add3A_12, %dma_start3A_83] : memref<10240x64xf32, #tpu.memory_space<vmem_shared>> -> memref<80x64xf32, #tpu.memory_space<vmem_shared>>
      %dma_start3A_85 = arith.constant 0 : i32
      %dma_start3A_86 = tpu.memref_slice %arg10[%add3A_12, %dma_start3A_85] : memref<10240x64xf32, #tpu.memory_space<vmem_shared>> -> memref<80x64xf32, #tpu.memory_space<vmem_shared>>
      tpu.enqueue_dma source(%arg8 : memref<80x64xf32, #tpu.memory_space<vmem>>) target(%dma_start3A_86 : memref<80x64xf32, #tpu.memory_space<vmem_shared>>) target_semaphore(%run_scoped3A_82 : memref<!tpu.dma_semaphore, #tpu.memory_space<semaphore_mem>>)
      %dma_wait3A_87 = arith.constant 0 : i32
      %dma_wait3A_88 = tpu.memref_slice %arg10[%add3A_12, %dma_wait3A_87] : memref<10240x64xf32, #tpu.memory_space<vmem_shared>> -> memref<80x64xf32, #tpu.memory_space<vmem_shared>>
      %dma_wait3A_89 = arith.constant 0 : i32
      %dma_wait3A_90 = tpu.memref_slice %arg10[%add3A_12, %dma_wait3A_89] : memref<10240x64xf32, #tpu.memory_space<vmem_shared>> -> memref<80x64xf32, #tpu.memory_space<vmem_shared>>
      tpu.wait_dma2 semaphore(%run_scoped3A_82 : memref<!tpu.dma_semaphore, #tpu.memory_space<semaphore_mem>>) src(%arg8 : memref<80x64xf32, #tpu.memory_space<vmem>>) dst(%dma_wait3A_90 : memref<80x64xf32, #tpu.memory_space<vmem_shared>>)
      tpu.yield
    }) : () -> ()
    %add3A_13 = arith.constant 80 : i32
    %add3A_14 = arith.addi %mul3A_0, %add3A_13 : i32
    "tpu.region"() ({
      %run_scoped3A_82 = tpu.sem_alloc : memref<!tpu.dma_semaphore, #tpu.memory_space<semaphore_mem>>
      %dma_start3A_83 = arith.constant 0 : i32
      %dma_start3A_84 = tpu.memref_slice %arg10[%add3A_14, %dma_start3A_83] : memref<10240x64xf32, #tpu.memory_space<vmem_shared>> -> memref<80x64xf32, #tpu.memory_space<vmem_shared>>
      %dma_start3A_85 = arith.constant 0 : i32
      %dma_start3A_86 = tpu.memref_slice %arg10[%add3A_14, %dma_start3A_85] : memref<10240x64xf32, #tpu.memory_space<vmem_shared>> -> memref<80x64xf32, #tpu.memory_space<vmem_shared>>
      tpu.enqueue_dma source(%arg8 : memref<80x64xf32, #tpu.memory_space<vmem>>) target(%dma_start3A_86 : memref<80x64xf32, #tpu.memory_space<vmem_shared>>) target_semaphore(%run_scoped3A_82 : memref<!tpu.dma_semaphore, #tpu.memory_space<semaphore_mem>>)
      %dma_wait3A_87 = arith.constant 0 : i32
      %dma_wait3A_88 = tpu.memref_slice %arg10[%add3A_14, %dma_wait3A_87] : memref<10240x64xf32, #tpu.memory_space<vmem_shared>> -> memref<80x64xf32, #tpu.memory_space<vmem_shared>>
      %dma_wait3A_89 = arith.constant 0 : i32
      %dma_wait3A_90 = tpu.memref_slice %arg10[%add3A_14, %dma_wait3A_89] : memref<10240x64xf32, #tpu.memory_space<vmem_shared>> -> memref<80x64xf32, #tpu.memory_space<vmem_shared>>
      tpu.wait_dma2 semaphore(%run_scoped3A_82 : memref<!tpu.dma_semaphore, #tpu.memory_space<semaphore_mem>>) src(%arg8 : memref<80x64xf32, #tpu.memory_space<vmem>>) dst(%dma_wait3A_90 : memref<80x64xf32, #tpu.memory_space<vmem_shared>>)
      tpu.yield
    }) : () -> ()
    %add3A_15 = arith.constant 160 : i32
    %add3A_16 = arith.addi %mul3A_0, %add3A_15 : i32
    "tpu.region"() ({
      %run_scoped3A_82 = tpu.sem_alloc : memref<!tpu.dma_semaphore, #tpu.memory_space<semaphore_mem>>
      %dma_start3A_83 = arith.constant 0 : i32
      %dma_start3A_84 = tpu.memref_slice %arg10[%add3A_16, %dma_start3A_83] : memref<10240x64xf32, #tpu.memory_space<vmem_shared>> -> memref<80x64xf32, #tpu.memory_space<vmem_shared>>
      %dma_start3A_85 = arith.constant 0 : i32
      %dma_start3A_86 = tpu.memref_slice %arg10[%add3A_16, %dma_start3A_85] : memref<10240x64xf32, #tpu.memory_space<vmem_shared>> -> memref<80x64xf32, #tpu.memory_space<vmem_shared>>
      tpu.enqueue_dma source(%arg8 : memref<80x64xf32, #tpu.memory_space<vmem>>) target(%dma_start3A_86 : memref<80x64xf32, #tpu.memory_space<vmem_shared>>) target_semaphore(%run_scoped3A_82 : memref<!tpu.dma_semaphore, #tpu.memory_space<semaphore_mem>>)
      %dma_wait3A_87 = arith.constant 0 : i32
      %dma_wait3A_88 = tpu.memref_slice %arg10[%add3A_16, %dma_wait3A_87] : memref<10240x64xf32, #tpu.memory_space<vmem_shared>> -> memref<80x64xf32, #tpu.memory_space<vmem_shared>>
      %dma_wait3A_89 = arith.constant 0 : i32
      %dma_wait3A_90 = tpu.memref_slice %arg10[%add3A_16, %dma_wait3A_89] : memref<10240x64xf32, #tpu.memory_space<vmem_shared>> -> memref<80x64xf32, #tpu.memory_space<vmem_shared>>
      tpu.wait_dma2 semaphore(%run_scoped3A_82 : memref<!tpu.dma_semaphore, #tpu.memory_space<semaphore_mem>>) src(%arg8 : memref<80x64xf32, #tpu.memory_space<vmem>>) dst(%dma_wait3A_90 : memref<80x64xf32, #tpu.memory_space<vmem_shared>>)
      tpu.yield
    }) : () -> ()
    %add3A_17 = arith.constant 240 : i32
    %add3A_18 = arith.addi %mul3A_0, %add3A_17 : i32
    "tpu.region"() ({
      %run_scoped3A_82 = tpu.sem_alloc : memref<!tpu.dma_semaphore, #tpu.memory_space<semaphore_mem>>
      %dma_start3A_83 = arith.constant 0 : i32
      %dma_start3A_84 = tpu.memref_slice %arg10[%add3A_18, %dma_start3A_83] : memref<10240x64xf32, #tpu.memory_space<vmem_shared>> -> memref<80x64xf32, #tpu.memory_space<vmem_shared>>
      %dma_start3A_85 = arith.constant 0 : i32
      %dma_start3A_86 = tpu.memref_slice %arg10[%add3A_18, %dma_start3A_85] : memref<10240x64xf32, #tpu.memory_space<vmem_shared>> -> memref<80x64xf32, #tpu.memory_space<vmem_shared>>
      tpu.enqueue_dma source(%arg8 : memref<80x64xf32, #tpu.memory_space<vmem>>) target(%dma_start3A_86 : memref<80x64xf32, #tpu.memory_space<vmem_shared>>) target_semaphore(%run_scoped3A_82 : memref<!tpu.dma_semaphore, #tpu.memory_space<semaphore_mem>>)
      %dma_wait3A_87 = arith.constant 0 : i32
      %dma_wait3A_88 = tpu.memref_slice %arg10[%add3A_18, %dma_wait3A_87] : memref<10240x64xf32, #tpu.memory_space<vmem_shared>> -> memref<80x64xf32, #tpu.memory_space<vmem_shared>>
      %dma_wait3A_89 = arith.constant 0 : i32
      %dma_wait3A_90 = tpu.memref_slice %arg10[%add3A_18, %dma_wait3A_89] : memref<10240x64xf32, #tpu.memory_space<vmem_shared>> -> memref<80x64xf32, #tpu.memory_space<vmem_shared>>
      tpu.wait_dma2 semaphore(%run_scoped3A_82 : memref<!tpu.dma_semaphore, #tpu.memory_space<semaphore_mem>>) src(%arg8 : memref<80x64xf32, #tpu.memory_space<vmem>>) dst(%dma_wait3A_90 : memref<80x64xf32, #tpu.memory_space<vmem_shared>>)
      tpu.yield
    }) : () -> ()
    %add3A_19 = arith.constant 320 : i32
    %add3A_20 = arith.addi %mul3A_0, %add3A_19 : i32
    "tpu.region"() ({
      %run_scoped3A_82 = tpu.sem_alloc : memref<!tpu.dma_semaphore, #tpu.memory_space<semaphore_mem>>
      %dma_start3A_83 = arith.constant 0 : i32
      %dma_start3A_84 = tpu.memref_slice %arg10[%add3A_20, %dma_start3A_83] : memref<10240x64xf32, #tpu.memory_space<vmem_shared>> -> memref<80x64xf32, #tpu.memory_space<vmem_shared>>
      %dma_start3A_85 = arith.constant 0 : i32
      %dma_start3A_86 = tpu.memref_slice %arg10[%add3A_20, %dma_start3A_85] : memref<10240x64xf32, #tpu.memory_space<vmem_shared>> -> memref<80x64xf32, #tpu.memory_space<vmem_shared>>
      tpu.enqueue_dma source(%arg8 : memref<80x64xf32, #tpu.memory_space<vmem>>) target(%dma_start3A_86 : memref<80x64xf32, #tpu.memory_space<vmem_shared>>) target_semaphore(%run_scoped3A_82 : memref<!tpu.dma_semaphore, #tpu.memory_space<semaphore_mem>>)
      %dma_wait3A_87 = arith.constant 0 : i32
      %dma_wait3A_88 = tpu.memref_slice %arg10[%add3A_20, %dma_wait3A_87] : memref<10240x64xf32, #tpu.memory_space<vmem_shared>> -> memref<80x64xf32, #tpu.memory_space<vmem_shared>>
      %dma_wait3A_89 = arith.constant 0 : i32
      %dma_wait3A_90 = tpu.memref_slice %arg10[%add3A_20, %dma_wait3A_89] : memref<10240x64xf32, #tpu.memory_space<vmem_shared>> -> memref<80x64xf32, #tpu.memory_space<vmem_shared>>
      tpu.wait_dma2 semaphore(%run_scoped3A_82 : memref<!tpu.dma_semaphore, #tpu.memory_space<semaphore_mem>>) src(%arg8 : memref<80x64xf32, #tpu.memory_space<vmem>>) dst(%dma_wait3A_90 : memref<80x64xf32, #tpu.memory_space<vmem_shared>>)
      tpu.yield
    }) : () -> ()
    %add3A_21 = arith.constant 400 : i32
    %add3A_22 = arith.addi %mul3A_0, %add3A_21 : i32
    "tpu.region"() ({
      %run_scoped3A_82 = tpu.sem_alloc : memref<!tpu.dma_semaphore, #tpu.memory_space<semaphore_mem>>
      %dma_start3A_83 = arith.constant 0 : i32
      %dma_start3A_84 = tpu.memref_slice %arg10[%add3A_22, %dma_start3A_83] : memref<10240x64xf32, #tpu.memory_space<vmem_shared>> -> memref<80x64xf32, #tpu.memory_space<vmem_shared>>
      %dma_start3A_85 = arith.constant 0 : i32
      %dma_start3A_86 = tpu.memref_slice %arg10[%add3A_22, %dma_start3A_85] : memref<10240x64xf32, #tpu.memory_space<vmem_shared>> -> memref<80x64xf32, #tpu.memory_space<vmem_shared>>
      tpu.enqueue_dma source(%arg8 : memref<80x64xf32, #tpu.memory_space<vmem>>) target(%dma_start3A_86 : memref<80x64xf32, #tpu.memory_space<vmem_shared>>) target_semaphore(%run_scoped3A_82 : memref<!tpu.dma_semaphore, #tpu.memory_space<semaphore_mem>>)
      %dma_wait3A_87 = arith.constant 0 : i32
      %dma_wait3A_88 = tpu.memref_slice %arg10[%add3A_22, %dma_wait3A_87] : memref<10240x64xf32, #tpu.memory_space<vmem_shared>> -> memref<80x64xf32, #tpu.memory_space<vmem_shared>>
      %dma_wait3A_89 = arith.constant 0 : i32
      %dma_wait3A_90 = tpu.memref_slice %arg10[%add3A_22, %dma_wait3A_89] : memref<10240x64xf32, #tpu.memory_space<vmem_shared>> -> memref<80x64xf32, #tpu.memory_space<vmem_shared>>
      tpu.wait_dma2 semaphore(%run_scoped3A_82 : memref<!tpu.dma_semaphore, #tpu.memory_space<semaphore_mem>>) src(%arg8 : memref<80x64xf32, #tpu.memory_space<vmem>>) dst(%dma_wait3A_90 : memref<80x64xf32, #tpu.memory_space<vmem_shared>>)
      tpu.yield
    }) : () -> ()
    %add3A_23 = arith.constant 480 : i32
    %add3A_24 = arith.addi %mul3A_0, %add3A_23 : i32
    "tpu.region"() ({
      %run_scoped3A_82 = tpu.sem_alloc : memref<!tpu.dma_semaphore, #tpu.memory_space<semaphore_mem>>
      %dma_start3A_83 = arith.constant 0 : i32
      %dma_start3A_84 = tpu.memref_slice %arg10[%add3A_24, %dma_start3A_83] : memref<10240x64xf32, #tpu.memory_space<vmem_shared>> -> memref<80x64xf32, #tpu.memory_space<vmem_shared>>
      %dma_start3A_85 = arith.constant 0 : i32
      %dma_start3A_86 = tpu.memref_slice %arg10[%add3A_24, %dma_start3A_85] : memref<10240x64xf32, #tpu.memory_space<vmem_shared>> -> memref<80x64xf32, #tpu.memory_space<vmem_shared>>
      tpu.enqueue_dma source(%arg8 : memref<80x64xf32, #tpu.memory_space<vmem>>) target(%dma_start3A_86 : memref<80x64xf32, #tpu.memory_space<vmem_shared>>) target_semaphore(%run_scoped3A_82 : memref<!tpu.dma_semaphore, #tpu.memory_space<semaphore_mem>>)
      %dma_wait3A_87 = arith.constant 0 : i32
      %dma_wait3A_88 = tpu.memref_slice %arg10[%add3A_24, %dma_wait3A_87] : memref<10240x64xf32, #tpu.memory_space<vmem_shared>> -> memref<80x64xf32, #tpu.memory_space<vmem_shared>>
      %dma_wait3A_89 = arith.constant 0 : i32
      %dma_wait3A_90 = tpu.memref_slice %arg10[%add3A_24, %dma_wait3A_89] : memref<10240x64xf32, #tpu.memory_space<vmem_shared>> -> memref<80x64xf32, #tpu.memory_space<vmem_shared>>
      tpu.wait_dma2 semaphore(%run_scoped3A_82 : memref<!tpu.dma_semaphore, #tpu.memory_space<semaphore_mem>>) src(%arg8 : memref<80x64xf32, #tpu.memory_space<vmem>>) dst(%dma_wait3A_90 : memref<80x64xf32, #tpu.memory_space<vmem_shared>>)
      tpu.yield
    }) : () -> ()
    %add3A_25 = arith.constant 560 : i32
    %add3A_26 = arith.addi %mul3A_0, %add3A_25 : i32
    "tpu.region"() ({
      %run_scoped3A_82 = tpu.sem_alloc : memref<!tpu.dma_semaphore, #tpu.memory_space<semaphore_mem>>
      %dma_start3A_83 = arith.constant 0 : i32
      %dma_start3A_84 = tpu.memref_slice %arg10[%add3A_26, %dma_start3A_83] : memref<10240x64xf32, #tpu.memory_space<vmem_shared>> -> memref<80x64xf32, #tpu.memory_space<vmem_shared>>
      %dma_start3A_85 = arith.constant 0 : i32
      %dma_start3A_86 = tpu.memref_slice %arg10[%add3A_26, %dma_start3A_85] : memref<10240x64xf32, #tpu.memory_space<vmem_shared>> -> memref<80x64xf32, #tpu.memory_space<vmem_shared>>
      tpu.enqueue_dma source(%arg8 : memref<80x64xf32, #tpu.memory_space<vmem>>) target(%dma_start3A_86 : memref<80x64xf32, #tpu.memory_space<vmem_shared>>) target_semaphore(%run_scoped3A_82 : memref<!tpu.dma_semaphore, #tpu.memory_space<semaphore_mem>>)
      %dma_wait3A_87 = arith.constant 0 : i32
      %dma_wait3A_88 = tpu.memref_slice %arg10[%add3A_26, %dma_wait3A_87] : memref<10240x64xf32, #tpu.memory_space<vmem_shared>> -> memref<80x64xf32, #tpu.memory_space<vmem_shared>>
      %dma_wait3A_89 = arith.constant 0 : i32
      %dma_wait3A_90 = tpu.memref_slice %arg10[%add3A_26, %dma_wait3A_89] : memref<10240x64xf32, #tpu.memory_space<vmem_shared>> -> memref<80x64xf32, #tpu.memory_space<vmem_shared>>
      tpu.wait_dma2 semaphore(%run_scoped3A_82 : memref<!tpu.dma_semaphore, #tpu.memory_space<semaphore_mem>>) src(%arg8 : memref<80x64xf32, #tpu.memory_space<vmem>>) dst(%dma_wait3A_90 : memref<80x64xf32, #tpu.memory_space<vmem_shared>>)
      tpu.yield
    }) : () -> ()
    "tpu.region"() ({
      %run_scoped3A_82 = tpu.sem_alloc : memref<!tpu.dma_semaphore, #tpu.memory_space<semaphore_mem>>
      %dma_start3A_83 = arith.constant 0 : i32
      %dma_start3A_84 = arith.constant 0 : i32
      %dma_start3A_85 = tpu.memref_slice %arg3[%arg1, %dma_start3A_83, %dma_start3A_84] : memref<16x250x80xi32, #tpu.memory_space<hbm>> -> memref<1x250x80xi32, #tpu.memory_space<hbm>>
      %dma_start3A_86 = tpu.memref_squeeze %dma_start3A_85 : memref<1x250x80xi32, #tpu.memory_space<hbm>> -> memref<250x80xi32, #tpu.memory_space<hbm>>
      %dma_start3A_87 = arith.constant 0 : i32
      %dma_start3A_88 = arith.constant 0 : i32
      %dma_start3A_89 = tpu.memref_slice %arg3[%arg1, %dma_start3A_87, %dma_start3A_88] : memref<16x250x80xi32, #tpu.memory_space<hbm>> -> memref<1x250x80xi32, #tpu.memory_space<hbm>>
      %dma_start3A_90 = tpu.memref_squeeze %dma_start3A_89 : memref<1x250x80xi32, #tpu.memory_space<hbm>> -> memref<250x80xi32, #tpu.memory_space<hbm>>
      tpu.enqueue_dma source(%dma_start3A_90 : memref<250x80xi32, #tpu.memory_space<hbm>>) target(%arg6 : memref<250x80xi32, #tpu.memory_space<vmem>>) target_semaphore(%run_scoped3A_82 : memref<!tpu.dma_semaphore, #tpu.memory_space<semaphore_mem>>)
      %dma_wait3A_91 = arith.constant 0 : i32
      %dma_wait3A_92 = arith.constant 0 : i32
      %dma_wait3A_93 = tpu.memref_slice %arg3[%arg1, %dma_wait3A_91, %dma_wait3A_92] : memref<16x250x80xi32, #tpu.memory_space<hbm>> -> memref<1x250x80xi32, #tpu.memory_space<hbm>>
      %dma_wait3A_94 = tpu.memref_squeeze %dma_wait3A_93 : memref<1x250x80xi32, #tpu.memory_space<hbm>> -> memref<250x80xi32, #tpu.memory_space<hbm>>
      %dma_wait3A_95 = arith.constant 0 : i32
      %dma_wait3A_96 = arith.constant 0 : i32
      %dma_wait3A_97 = tpu.memref_slice %arg3[%arg1, %dma_wait3A_95, %dma_wait3A_96] : memref<16x250x80xi32, #tpu.memory_space<hbm>> -> memref<1x250x80xi32, #tpu.memory_space<hbm>>
      %dma_wait3A_98 = tpu.memref_squeeze %dma_wait3A_97 : memref<1x250x80xi32, #tpu.memory_space<hbm>> -> memref<250x80xi32, #tpu.memory_space<hbm>>
      tpu.wait_dma2 semaphore(%run_scoped3A_82 : memref<!tpu.dma_semaphore, #tpu.memory_space<semaphore_mem>>) src(%dma_wait3A_98 : memref<250x80xi32, #tpu.memory_space<hbm>>) dst(%arg6 : memref<250x80xi32, #tpu.memory_space<vmem>>)
      tpu.yield
    }) : () -> ()
    "tpu.region"() ({
      %run_scoped3A_82 = tpu.sem_alloc : memref<!tpu.dma_semaphore, #tpu.memory_space<semaphore_mem>>
      %dma_start3A_83 = arith.constant 0 : i32
      %dma_start3A_84 = arith.constant 0 : i32
      %dma_start3A_85 = tpu.memref_slice %arg4[%arg1, %dma_start3A_83, %dma_start3A_84] : memref<16x250x80xi32, #tpu.memory_space<hbm>> -> memref<1x250x80xi32, #tpu.memory_space<hbm>>
      %dma_start3A_86 = tpu.memref_squeeze %dma_start3A_85 : memref<1x250x80xi32, #tpu.memory_space<hbm>> -> memref<250x80xi32, #tpu.memory_space<hbm>>
      %dma_start3A_87 = arith.constant 0 : i32
      %dma_start3A_88 = arith.constant 0 : i32
      %dma_start3A_89 = tpu.memref_slice %arg4[%arg1, %dma_start3A_87, %dma_start3A_88] : memref<16x250x80xi32, #tpu.memory_space<hbm>> -> memref<1x250x80xi32, #tpu.memory_space<hbm>>
      %dma_start3A_90 = tpu.memref_squeeze %dma_start3A_89 : memref<1x250x80xi32, #tpu.memory_space<hbm>> -> memref<250x80xi32, #tpu.memory_space<hbm>>
      tpu.enqueue_dma source(%dma_start3A_90 : memref<250x80xi32, #tpu.memory_space<hbm>>) target(%arg7 : memref<250x80xi32, #tpu.memory_space<vmem>>) target_semaphore(%run_scoped3A_82 : memref<!tpu.dma_semaphore, #tpu.memory_space<semaphore_mem>>)
      %dma_wait3A_91 = arith.constant 0 : i32
      %dma_wait3A_92 = arith.constant 0 : i32
      %dma_wait3A_93 = tpu.memref_slice %arg4[%arg1, %dma_wait3A_91, %dma_wait3A_92] : memref<16x250x80xi32, #tpu.memory_space<hbm>> -> memref<1x250x80xi32, #tpu.memory_space<hbm>>
      %dma_wait3A_94 = tpu.memref_squeeze %dma_wait3A_93 : memref<1x250x80xi32, #tpu.memory_space<hbm>> -> memref<250x80xi32, #tpu.memory_space<hbm>>
      %dma_wait3A_95 = arith.constant 0 : i32
      %dma_wait3A_96 = arith.constant 0 : i32
      %dma_wait3A_97 = tpu.memref_slice %arg4[%arg1, %dma_wait3A_95, %dma_wait3A_96] : memref<16x250x80xi32, #tpu.memory_space<hbm>> -> memref<1x250x80xi32, #tpu.memory_space<hbm>>
      %dma_wait3A_98 = tpu.memref_squeeze %dma_wait3A_97 : memref<1x250x80xi32, #tpu.memory_space<hbm>> -> memref<250x80xi32, #tpu.memory_space<hbm>>
      tpu.wait_dma2 semaphore(%run_scoped3A_82 : memref<!tpu.dma_semaphore, #tpu.memory_space<semaphore_mem>>) src(%dma_wait3A_98 : memref<250x80xi32, #tpu.memory_space<hbm>>) dst(%arg7 : memref<250x80xi32, #tpu.memory_space<vmem>>)
      tpu.yield
    }) : () -> ()
    %barrier3A = arith.constant 0 : index
    tpu.barrier barrier_id(%barrier3A)
    %dma_start3A = arith.constant 0 : i32
    %dma_start3A_27 = arith.constant 0 : i32
    %dma_start3A_28 = tpu.memref_slice %arg6[%dma_start3A, %dma_start3A_27] : memref<250x80xi32, #tpu.memory_space<vmem>> -> memref<1x80xi32, #tpu.memory_space<vmem>>
    %dma_start3A_29 = tpu.memref_squeeze %dma_start3A_28 : memref<1x80xi32, #tpu.memory_space<vmem>> -> memref<80xi32, #tpu.memory_space<vmem>>
    %dma_start3A_30 = arith.constant 0 : i32
    %dma_start3A_31 = arith.constant 0 : i32
    %dma_start3A_32 = tpu.memref_slice %arg2[%arg0, %dma_start3A_30, %dma_start3A_31] : memref<2x10240x64xf32, #tpu.memory_space<hbm>> -> memref<1x10240x64xf32, #tpu.memory_space<hbm>>
    %dma_start3A_33 = tpu.memref_squeeze %dma_start3A_32 : memref<1x10240x64xf32, #tpu.memory_space<hbm>> -> memref<10240x64xf32, #tpu.memory_space<hbm>>
    %dma_start3A_34 = arith.constant 0 : i32
    %dma_start3A_35 = arith.constant 0 : i32
    %dma_start3A_36 = tpu.memref_slice %dma_start3A_33[%dma_start3A_34, %dma_start3A_35] : memref<10240x64xf32, #tpu.memory_space<hbm>> -> memref<10240x64xf32, #tpu.memory_space<hbm>>
    tpu.enqueue_indirect_dma source(%dma_start3A_36 : memref<10240x64xf32, #tpu.memory_space<hbm>>) target(%arg8 : memref<80x64xf32, #tpu.memory_space<vmem>>) offsets(%dma_start3A_29 : memref<80xi32, #tpu.memory_space<vmem>>) semaphore(%arg11 : memref<!tpu.dma_semaphore, #tpu.memory_space<semaphore_mem>>)
    %while3A_37 = arith.constant 0 : i32
    %while3A_38 = arith.constant 0 : i32
    %while3A_39 = arith.constant 124 : i32
    %while3A_40 = arith.subi %while3A_39, %while3A_38 : i32
    %while3A_41 = arith.addi %while3A_38, %while3A_40 : i32
    %while3A_42 = arith.constant 1 : i32
    %while3A_43 = arith.divsi %while3A_40, %while3A_42 : i32
    %while3A_44 = arith.muli %while3A_43, %while3A_42 : i32
    %while3A_45 = arith.addi %while3A_38, %while3A_44 : i32
    %while3A_46 = arith.constant 1 : i32
    scf.for %while3A_82 = %while3A_38 to %while3A_45 step %while3A_46  : i32 {
      %mul3A_83 = arith.constant 2 : i32
      %mul3A_84 = arith.muli %while3A_82, %mul3A_83 : i32
      %add3A_85 = arith.constant 1 : i32
      %add3A_86 = arith.addi %mul3A_84, %add3A_85 : i32
      %dma_start3A_87 = arith.constant 0 : i32
      %dma_start3A_88 = tpu.memref_slice %arg6[%add3A_86, %dma_start3A_87] : memref<250x80xi32, #tpu.memory_space<vmem>> -> memref<1x80xi32, #tpu.memory_space<vmem>>
      %dma_start3A_89 = tpu.memref_squeeze %dma_start3A_88 : memref<1x80xi32, #tpu.memory_space<vmem>> -> memref<80xi32, #tpu.memory_space<vmem>>
      %dma_start3A_90 = arith.constant 0 : i32
      %dma_start3A_91 = arith.constant 0 : i32
      %dma_start3A_92 = tpu.memref_slice %arg2[%arg0, %dma_start3A_90, %dma_start3A_91] : memref<2x10240x64xf32, #tpu.memory_space<hbm>> -> memref<1x10240x64xf32, #tpu.memory_space<hbm>>
      %dma_start3A_93 = tpu.memref_squeeze %dma_start3A_92 : memref<1x10240x64xf32, #tpu.memory_space<hbm>> -> memref<10240x64xf32, #tpu.memory_space<hbm>>
      %dma_start3A_94 = arith.constant 0 : i32
      %dma_start3A_95 = arith.constant 0 : i32
      %dma_start3A_96 = tpu.memref_slice %dma_start3A_93[%dma_start3A_94, %dma_start3A_95] : memref<10240x64xf32, #tpu.memory_space<hbm>> -> memref<10240x64xf32, #tpu.memory_space<hbm>>
      tpu.enqueue_indirect_dma source(%dma_start3A_96 : memref<10240x64xf32, #tpu.memory_space<hbm>>) target(%arg9 : memref<80x64xf32, #tpu.memory_space<vmem>>) offsets(%dma_start3A_89 : memref<80xi32, #tpu.memory_space<vmem>>) semaphore(%arg12 : memref<!tpu.dma_semaphore, #tpu.memory_space<semaphore_mem>>)
      %dma_wait3A_97 = arith.constant 0 : i32
      %dma_wait3A_98 = tpu.memref_slice %arg6[%mul3A_84, %dma_wait3A_97] : memref<250x80xi32, #tpu.memory_space<vmem>> -> memref<1x80xi32, #tpu.memory_space<vmem>>
      %dma_wait3A_99 = tpu.memref_squeeze %dma_wait3A_98 : memref<1x80xi32, #tpu.memory_space<vmem>> -> memref<80xi32, #tpu.memory_space<vmem>>
      %dma_wait3A_100 = arith.constant 0 : i32
      %dma_wait3A_101 = arith.constant 0 : i32
      %dma_wait3A_102 = tpu.memref_slice %arg2[%arg0, %dma_wait3A_100, %dma_wait3A_101] : memref<2x10240x64xf32, #tpu.memory_space<hbm>> -> memref<1x10240x64xf32, #tpu.memory_space<hbm>>
      %dma_wait3A_103 = tpu.memref_squeeze %dma_wait3A_102 : memref<1x10240x64xf32, #tpu.memory_space<hbm>> -> memref<10240x64xf32, #tpu.memory_space<hbm>>
      %dma_wait3A_104 = arith.constant 0 : i32
      %dma_wait3A_105 = arith.constant 0 : i32
      %dma_wait3A_106 = tpu.memref_slice %dma_wait3A_103[%dma_wait3A_104, %dma_wait3A_105] : memref<10240x64xf32, #tpu.memory_space<hbm>> -> memref<10240x64xf32, #tpu.memory_space<hbm>>
      tpu.wait_indirect_dma semaphore(%arg11 : memref<!tpu.dma_semaphore, #tpu.memory_space<semaphore_mem>>) src(%dma_wait3A_106 : memref<10240x64xf32, #tpu.memory_space<hbm>>) dst(%arg8 : memref<80x64xf32, #tpu.memory_space<vmem>>)
      "tpu.region"() ({
        %run_scoped3A_129 = tpu.sem_alloc : memref<!tpu.dma_semaphore, #tpu.memory_space<semaphore_mem>>
        %dma_start3A_130 = arith.constant 0 : i32
        %dma_start3A_131 = tpu.memref_slice %arg7[%mul3A_84, %dma_start3A_130] : memref<250x80xi32, #tpu.memory_space<vmem>> -> memref<1x80xi32, #tpu.memory_space<vmem>>
        %dma_start3A_132 = tpu.memref_squeeze %dma_start3A_131 : memref<1x80xi32, #tpu.memory_space<vmem>> -> memref<80xi32, #tpu.memory_space<vmem>>
        %dma_start3A_133 = arith.constant 0 : i32
        %dma_start3A_134 = arith.constant 0 : i32
        %dma_start3A_135 = tpu.memref_slice %arg10[%dma_start3A_133, %dma_start3A_134] : memref<10240x64xf32, #tpu.memory_space<vmem_shared>> -> memref<10240x64xf32, #tpu.memory_space<vmem_shared>>
        tpu.enqueue_indirect_dma source(%arg8 : memref<80x64xf32, #tpu.memory_space<vmem>>) target(%dma_start3A_135 : memref<10240x64xf32, #tpu.memory_space<vmem_shared>>) offsets(%dma_start3A_132 : memref<80xi32, #tpu.memory_space<vmem>>) semaphore(%run_scoped3A_129 : memref<!tpu.dma_semaphore, #tpu.memory_space<semaphore_mem>>) {add = true}
        %dma_wait3A_136 = arith.constant 0 : i32
        %dma_wait3A_137 = tpu.memref_slice %arg7[%mul3A_84, %dma_wait3A_136] : memref<250x80xi32, #tpu.memory_space<vmem>> -> memref<1x80xi32, #tpu.memory_space<vmem>>
        %dma_wait3A_138 = tpu.memref_squeeze %dma_wait3A_137 : memref<1x80xi32, #tpu.memory_space<vmem>> -> memref<80xi32, #tpu.memory_space<vmem>>
        %dma_wait3A_139 = arith.constant 0 : i32
        %dma_wait3A_140 = arith.constant 0 : i32
        %dma_wait3A_141 = tpu.memref_slice %arg10[%dma_wait3A_139, %dma_wait3A_140] : memref<10240x64xf32, #tpu.memory_space<vmem_shared>> -> memref<10240x64xf32, #tpu.memory_space<vmem_shared>>
        tpu.wait_indirect_dma semaphore(%run_scoped3A_129 : memref<!tpu.dma_semaphore, #tpu.memory_space<semaphore_mem>>) src(%arg8 : memref<80x64xf32, #tpu.memory_space<vmem>>) dst(%dma_wait3A_141 : memref<10240x64xf32, #tpu.memory_space<vmem_shared>>)
        tpu.yield
      }) : () -> ()
      %add3A_107 = arith.constant 2 : i32
      %add3A_108 = arith.addi %mul3A_84, %add3A_107 : i32
      %dma_start3A_109 = arith.constant 0 : i32
      %dma_start3A_110 = tpu.memref_slice %arg6[%add3A_108, %dma_start3A_109] : memref<250x80xi32, #tpu.memory_space<vmem>> -> memref<1x80xi32, #tpu.memory_space<vmem>>
      %dma_start3A_111 = tpu.memref_squeeze %dma_start3A_110 : memref<1x80xi32, #tpu.memory_space<vmem>> -> memref<80xi32, #tpu.memory_space<vmem>>
      %dma_start3A_112 = arith.constant 0 : i32
      %dma_start3A_113 = arith.constant 0 : i32
      %dma_start3A_114 = tpu.memref_slice %arg2[%arg0, %dma_start3A_112, %dma_start3A_113] : memref<2x10240x64xf32, #tpu.memory_space<hbm>> -> memref<1x10240x64xf32, #tpu.memory_space<hbm>>
      %dma_start3A_115 = tpu.memref_squeeze %dma_start3A_114 : memref<1x10240x64xf32, #tpu.memory_space<hbm>> -> memref<10240x64xf32, #tpu.memory_space<hbm>>
      %dma_start3A_116 = arith.constant 0 : i32
      %dma_start3A_117 = arith.constant 0 : i32
      %dma_start3A_118 = tpu.memref_slice %dma_start3A_115[%dma_start3A_116, %dma_start3A_117] : memref<10240x64xf32, #tpu.memory_space<hbm>> -> memref<10240x64xf32, #tpu.memory_space<hbm>>
      tpu.enqueue_indirect_dma source(%dma_start3A_118 : memref<10240x64xf32, #tpu.memory_space<hbm>>) target(%arg8 : memref<80x64xf32, #tpu.memory_space<vmem>>) offsets(%dma_start3A_111 : memref<80xi32, #tpu.memory_space<vmem>>) semaphore(%arg11 : memref<!tpu.dma_semaphore, #tpu.memory_space<semaphore_mem>>)
      %dma_wait3A_119 = arith.constant 0 : i32
      %dma_wait3A_120 = tpu.memref_slice %arg6[%add3A_86, %dma_wait3A_119] : memref<250x80xi32, #tpu.memory_space<vmem>> -> memref<1x80xi32, #tpu.memory_space<vmem>>
      %dma_wait3A_121 = tpu.memref_squeeze %dma_wait3A_120 : memref<1x80xi32, #tpu.memory_space<vmem>> -> memref<80xi32, #tpu.memory_space<vmem>>
      %dma_wait3A_122 = arith.constant 0 : i32
      %dma_wait3A_123 = arith.constant 0 : i32
      %dma_wait3A_124 = tpu.memref_slice %arg2[%arg0, %dma_wait3A_122, %dma_wait3A_123] : memref<2x10240x64xf32, #tpu.memory_space<hbm>> -> memref<1x10240x64xf32, #tpu.memory_space<hbm>>
      %dma_wait3A_125 = tpu.memref_squeeze %dma_wait3A_124 : memref<1x10240x64xf32, #tpu.memory_space<hbm>> -> memref<10240x64xf32, #tpu.memory_space<hbm>>
      %dma_wait3A_126 = arith.constant 0 : i32
      %dma_wait3A_127 = arith.constant 0 : i32
      %dma_wait3A_128 = tpu.memref_slice %dma_wait3A_125[%dma_wait3A_126, %dma_wait3A_127] : memref<10240x64xf32, #tpu.memory_space<hbm>> -> memref<10240x64xf32, #tpu.memory_space<hbm>>
      tpu.wait_indirect_dma semaphore(%arg12 : memref<!tpu.dma_semaphore, #tpu.memory_space<semaphore_mem>>) src(%dma_wait3A_128 : memref<10240x64xf32, #tpu.memory_space<hbm>>) dst(%arg9 : memref<80x64xf32, #tpu.memory_space<vmem>>)
      "tpu.region"() ({
        %run_scoped3A_129 = tpu.sem_alloc : memref<!tpu.dma_semaphore, #tpu.memory_space<semaphore_mem>>
        %dma_start3A_130 = arith.constant 0 : i32
        %dma_start3A_131 = tpu.memref_slice %arg7[%add3A_86, %dma_start3A_130] : memref<250x80xi32, #tpu.memory_space<vmem>> -> memref<1x80xi32, #tpu.memory_space<vmem>>
        %dma_start3A_132 = tpu.memref_squeeze %dma_start3A_131 : memref<1x80xi32, #tpu.memory_space<vmem>> -> memref<80xi32, #tpu.memory_space<vmem>>
        %dma_start3A_133 = arith.constant 0 : i32
        %dma_start3A_134 = arith.constant 0 : i32
        %dma_start3A_135 = tpu.memref_slice %arg10[%dma_start3A_133, %dma_start3A_134] : memref<10240x64xf32, #tpu.memory_space<vmem_shared>> -> memref<10240x64xf32, #tpu.memory_space<vmem_shared>>
        tpu.enqueue_indirect_dma source(%arg9 : memref<80x64xf32, #tpu.memory_space<vmem>>) target(%dma_start3A_135 : memref<10240x64xf32, #tpu.memory_space<vmem_shared>>) offsets(%dma_start3A_132 : memref<80xi32, #tpu.memory_space<vmem>>) semaphore(%run_scoped3A_129 : memref<!tpu.dma_semaphore, #tpu.memory_space<semaphore_mem>>) {add = true}
        %dma_wait3A_136 = arith.constant 0 : i32
        %dma_wait3A_137 = tpu.memref_slice %arg7[%add3A_86, %dma_wait3A_136] : memref<250x80xi32, #tpu.memory_space<vmem>> -> memref<1x80xi32, #tpu.memory_space<vmem>>
        %dma_wait3A_138 = tpu.memref_squeeze %dma_wait3A_137 : memref<1x80xi32, #tpu.memory_space<vmem>> -> memref<80xi32, #tpu.memory_space<vmem>>
        %dma_wait3A_139 = arith.constant 0 : i32
        %dma_wait3A_140 = arith.constant 0 : i32
        %dma_wait3A_141 = tpu.memref_slice %arg10[%dma_wait3A_139, %dma_wait3A_140] : memref<10240x64xf32, #tpu.memory_space<vmem_shared>> -> memref<10240x64xf32, #tpu.memory_space<vmem_shared>>
        tpu.wait_indirect_dma semaphore(%run_scoped3A_129 : memref<!tpu.dma_semaphore, #tpu.memory_space<semaphore_mem>>) src(%arg9 : memref<80x64xf32, #tpu.memory_space<vmem>>) dst(%dma_wait3A_141 : memref<10240x64xf32, #tpu.memory_space<vmem_shared>>)
        tpu.yield
      }) : () -> ()
    }
    %while3A_47 = arith.constant 1 : i32
    scf.for %while3A_82 = %while3A_45 to %while3A_41 step %while3A_47  : i32 {
      %mul3A_83 = arith.constant 2 : i32
      %mul3A_84 = arith.muli %while3A_82, %mul3A_83 : i32
      %add3A_85 = arith.constant 1 : i32
      %add3A_86 = arith.addi %mul3A_84, %add3A_85 : i32
      %dma_start3A_87 = arith.constant 0 : i32
      %dma_start3A_88 = tpu.memref_slice %arg6[%add3A_86, %dma_start3A_87] : memref<250x80xi32, #tpu.memory_space<vmem>> -> memref<1x80xi32, #tpu.memory_space<vmem>>
      %dma_start3A_89 = tpu.memref_squeeze %dma_start3A_88 : memref<1x80xi32, #tpu.memory_space<vmem>> -> memref<80xi32, #tpu.memory_space<vmem>>
      %dma_start3A_90 = arith.constant 0 : i32
      %dma_start3A_91 = arith.constant 0 : i32
      %dma_start3A_92 = tpu.memref_slice %arg2[%arg0, %dma_start3A_90, %dma_start3A_91] : memref<2x10240x64xf32, #tpu.memory_space<hbm>> -> memref<1x10240x64xf32, #tpu.memory_space<hbm>>
      %dma_start3A_93 = tpu.memref_squeeze %dma_start3A_92 : memref<1x10240x64xf32, #tpu.memory_space<hbm>> -> memref<10240x64xf32, #tpu.memory_space<hbm>>
      %dma_start3A_94 = arith.constant 0 : i32
      %dma_start3A_95 = arith.constant 0 : i32
      %dma_start3A_96 = tpu.memref_slice %dma_start3A_93[%dma_start3A_94, %dma_start3A_95] : memref<10240x64xf32, #tpu.memory_space<hbm>> -> memref<10240x64xf32, #tpu.memory_space<hbm>>
      tpu.enqueue_indirect_dma source(%dma_start3A_96 : memref<10240x64xf32, #tpu.memory_space<hbm>>) target(%arg9 : memref<80x64xf32, #tpu.memory_space<vmem>>) offsets(%dma_start3A_89 : memref<80xi32, #tpu.memory_space<vmem>>) semaphore(%arg12 : memref<!tpu.dma_semaphore, #tpu.memory_space<semaphore_mem>>)
      %dma_wait3A_97 = arith.constant 0 : i32
      %dma_wait3A_98 = tpu.memref_slice %arg6[%mul3A_84, %dma_wait3A_97] : memref<250x80xi32, #tpu.memory_space<vmem>> -> memref<1x80xi32, #tpu.memory_space<vmem>>
      %dma_wait3A_99 = tpu.memref_squeeze %dma_wait3A_98 : memref<1x80xi32, #tpu.memory_space<vmem>> -> memref<80xi32, #tpu.memory_space<vmem>>
      %dma_wait3A_100 = arith.constant 0 : i32
      %dma_wait3A_101 = arith.constant 0 : i32
      %dma_wait3A_102 = tpu.memref_slice %arg2[%arg0, %dma_wait3A_100, %dma_wait3A_101] : memref<2x10240x64xf32, #tpu.memory_space<hbm>> -> memref<1x10240x64xf32, #tpu.memory_space<hbm>>
      %dma_wait3A_103 = tpu.memref_squeeze %dma_wait3A_102 : memref<1x10240x64xf32, #tpu.memory_space<hbm>> -> memref<10240x64xf32, #tpu.memory_space<hbm>>
      %dma_wait3A_104 = arith.constant 0 : i32
      %dma_wait3A_105 = arith.constant 0 : i32
      %dma_wait3A_106 = tpu.memref_slice %dma_wait3A_103[%dma_wait3A_104, %dma_wait3A_105] : memref<10240x64xf32, #tpu.memory_space<hbm>> -> memref<10240x64xf32, #tpu.memory_space<hbm>>
      tpu.wait_indirect_dma semaphore(%arg11 : memref<!tpu.dma_semaphore, #tpu.memory_space<semaphore_mem>>) src(%dma_wait3A_106 : memref<10240x64xf32, #tpu.memory_space<hbm>>) dst(%arg8 : memref<80x64xf32, #tpu.memory_space<vmem>>)
      "tpu.region"() ({
        %run_scoped3A_129 = tpu.sem_alloc : memref<!tpu.dma_semaphore, #tpu.memory_space<semaphore_mem>>
        %dma_start3A_130 = arith.constant 0 : i32
        %dma_start3A_131 = tpu.memref_slice %arg7[%mul3A_84, %dma_start3A_130] : memref<250x80xi32, #tpu.memory_space<vmem>> -> memref<1x80xi32, #tpu.memory_space<vmem>>
        %dma_start3A_132 = tpu.memref_squeeze %dma_start3A_131 : memref<1x80xi32, #tpu.memory_space<vmem>> -> memref<80xi32, #tpu.memory_space<vmem>>
        %dma_start3A_133 = arith.constant 0 : i32
        %dma_start3A_134 = arith.constant 0 : i32
        %dma_start3A_135 = tpu.memref_slice %arg10[%dma_start3A_133, %dma_start3A_134] : memref<10240x64xf32, #tpu.memory_space<vmem_shared>> -> memref<10240x64xf32, #tpu.memory_space<vmem_shared>>
        tpu.enqueue_indirect_dma source(%arg8 : memref<80x64xf32, #tpu.memory_space<vmem>>) target(%dma_start3A_135 : memref<10240x64xf32, #tpu.memory_space<vmem_shared>>) offsets(%dma_start3A_132 : memref<80xi32, #tpu.memory_space<vmem>>) semaphore(%run_scoped3A_129 : memref<!tpu.dma_semaphore, #tpu.memory_space<semaphore_mem>>) {add = true}
        %dma_wait3A_136 = arith.constant 0 : i32
        %dma_wait3A_137 = tpu.memref_slice %arg7[%mul3A_84, %dma_wait3A_136] : memref<250x80xi32, #tpu.memory_space<vmem>> -> memref<1x80xi32, #tpu.memory_space<vmem>>
        %dma_wait3A_138 = tpu.memref_squeeze %dma_wait3A_137 : memref<1x80xi32, #tpu.memory_space<vmem>> -> memref<80xi32, #tpu.memory_space<vmem>>
        %dma_wait3A_139 = arith.constant 0 : i32
        %dma_wait3A_140 = arith.constant 0 : i32
        %dma_wait3A_141 = tpu.memref_slice %arg10[%dma_wait3A_139, %dma_wait3A_140] : memref<10240x64xf32, #tpu.memory_space<vmem_shared>> -> memref<10240x64xf32, #tpu.memory_space<vmem_shared>>
        tpu.wait_indirect_dma semaphore(%run_scoped3A_129 : memref<!tpu.dma_semaphore, #tpu.memory_space<semaphore_mem>>) src(%arg8 : memref<80x64xf32, #tpu.memory_space<vmem>>) dst(%dma_wait3A_141 : memref<10240x64xf32, #tpu.memory_space<vmem_shared>>)
        tpu.yield
      }) : () -> ()
      %add3A_107 = arith.constant 2 : i32
      %add3A_108 = arith.addi %mul3A_84, %add3A_107 : i32
      %dma_start3A_109 = arith.constant 0 : i32
      %dma_start3A_110 = tpu.memref_slice %arg6[%add3A_108, %dma_start3A_109] : memref<250x80xi32, #tpu.memory_space<vmem>> -> memref<1x80xi32, #tpu.memory_space<vmem>>
      %dma_start3A_111 = tpu.memref_squeeze %dma_start3A_110 : memref<1x80xi32, #tpu.memory_space<vmem>> -> memref<80xi32, #tpu.memory_space<vmem>>
      %dma_start3A_112 = arith.constant 0 : i32
      %dma_start3A_113 = arith.constant 0 : i32
      %dma_start3A_114 = tpu.memref_slice %arg2[%arg0, %dma_start3A_112, %dma_start3A_113] : memref<2x10240x64xf32, #tpu.memory_space<hbm>> -> memref<1x10240x64xf32, #tpu.memory_space<hbm>>
      %dma_start3A_115 = tpu.memref_squeeze %dma_start3A_114 : memref<1x10240x64xf32, #tpu.memory_space<hbm>> -> memref<10240x64xf32, #tpu.memory_space<hbm>>
      %dma_start3A_116 = arith.constant 0 : i32
      %dma_start3A_117 = arith.constant 0 : i32
      %dma_start3A_118 = tpu.memref_slice %dma_start3A_115[%dma_start3A_116, %dma_start3A_117] : memref<10240x64xf32, #tpu.memory_space<hbm>> -> memref<10240x64xf32, #tpu.memory_space<hbm>>
      tpu.enqueue_indirect_dma source(%dma_start3A_118 : memref<10240x64xf32, #tpu.memory_space<hbm>>) target(%arg8 : memref<80x64xf32, #tpu.memory_space<vmem>>) offsets(%dma_start3A_111 : memref<80xi32, #tpu.memory_space<vmem>>) semaphore(%arg11 : memref<!tpu.dma_semaphore, #tpu.memory_space<semaphore_mem>>)
      %dma_wait3A_119 = arith.constant 0 : i32
      %dma_wait3A_120 = tpu.memref_slice %arg6[%add3A_86, %dma_wait3A_119] : memref<250x80xi32, #tpu.memory_space<vmem>> -> memref<1x80xi32, #tpu.memory_space<vmem>>
      %dma_wait3A_121 = tpu.memref_squeeze %dma_wait3A_120 : memref<1x80xi32, #tpu.memory_space<vmem>> -> memref<80xi32, #tpu.memory_space<vmem>>
      %dma_wait3A_122 = arith.constant 0 : i32
      %dma_wait3A_123 = arith.constant 0 : i32
      %dma_wait3A_124 = tpu.memref_slice %arg2[%arg0, %dma_wait3A_122, %dma_wait3A_123] : memref<2x10240x64xf32, #tpu.memory_space<hbm>> -> memref<1x10240x64xf32, #tpu.memory_space<hbm>>
      %dma_wait3A_125 = tpu.memref_squeeze %dma_wait3A_124 : memref<1x10240x64xf32, #tpu.memory_space<hbm>> -> memref<10240x64xf32, #tpu.memory_space<hbm>>
      %dma_wait3A_126 = arith.constant 0 : i32
      %dma_wait3A_127 = arith.constant 0 : i32
      %dma_wait3A_128 = tpu.memref_slice %dma_wait3A_125[%dma_wait3A_126, %dma_wait3A_127] : memref<10240x64xf32, #tpu.memory_space<hbm>> -> memref<10240x64xf32, #tpu.memory_space<hbm>>
      tpu.wait_indirect_dma semaphore(%arg12 : memref<!tpu.dma_semaphore, #tpu.memory_space<semaphore_mem>>) src(%dma_wait3A_128 : memref<10240x64xf32, #tpu.memory_space<hbm>>) dst(%arg9 : memref<80x64xf32, #tpu.memory_space<vmem>>)
      "tpu.region"() ({
        %run_scoped3A_129 = tpu.sem_alloc : memref<!tpu.dma_semaphore, #tpu.memory_space<semaphore_mem>>
        %dma_start3A_130 = arith.constant 0 : i32
        %dma_start3A_131 = tpu.memref_slice %arg7[%add3A_86, %dma_start3A_130] : memref<250x80xi32, #tpu.memory_space<vmem>> -> memref<1x80xi32, #tpu.memory_space<vmem>>
        %dma_start3A_132 = tpu.memref_squeeze %dma_start3A_131 : memref<1x80xi32, #tpu.memory_space<vmem>> -> memref<80xi32, #tpu.memory_space<vmem>>
        %dma_start3A_133 = arith.constant 0 : i32
        %dma_start3A_134 = arith.constant 0 : i32
        %dma_start3A_135 = tpu.memref_slice %arg10[%dma_start3A_133, %dma_start3A_134] : memref<10240x64xf32, #tpu.memory_space<vmem_shared>> -> memref<10240x64xf32, #tpu.memory_space<vmem_shared>>
        tpu.enqueue_indirect_dma source(%arg9 : memref<80x64xf32, #tpu.memory_space<vmem>>) target(%dma_start3A_135 : memref<10240x64xf32, #tpu.memory_space<vmem_shared>>) offsets(%dma_start3A_132 : memref<80xi32, #tpu.memory_space<vmem>>) semaphore(%run_scoped3A_129 : memref<!tpu.dma_semaphore, #tpu.memory_space<semaphore_mem>>) {add = true}
        %dma_wait3A_136 = arith.constant 0 : i32
        %dma_wait3A_137 = tpu.memref_slice %arg7[%add3A_86, %dma_wait3A_136] : memref<250x80xi32, #tpu.memory_space<vmem>> -> memref<1x80xi32, #tpu.memory_space<vmem>>
        %dma_wait3A_138 = tpu.memref_squeeze %dma_wait3A_137 : memref<1x80xi32, #tpu.memory_space<vmem>> -> memref<80xi32, #tpu.memory_space<vmem>>
        %dma_wait3A_139 = arith.constant 0 : i32
        %dma_wait3A_140 = arith.constant 0 : i32
        %dma_wait3A_141 = tpu.memref_slice %arg10[%dma_wait3A_139, %dma_wait3A_140] : memref<10240x64xf32, #tpu.memory_space<vmem_shared>> -> memref<10240x64xf32, #tpu.memory_space<vmem_shared>>
        tpu.wait_indirect_dma semaphore(%run_scoped3A_129 : memref<!tpu.dma_semaphore, #tpu.memory_space<semaphore_mem>>) src(%arg9 : memref<80x64xf32, #tpu.memory_space<vmem>>) dst(%dma_wait3A_141 : memref<10240x64xf32, #tpu.memory_space<vmem_shared>>)
        tpu.yield
      }) : () -> ()
    }
    %dma_start3A_48 = arith.constant 249 : i32
    %dma_start3A_49 = arith.constant 0 : i32
    %dma_start3A_50 = tpu.memref_slice %arg6[%dma_start3A_48, %dma_start3A_49] : memref<250x80xi32, #tpu.memory_space<vmem>> -> memref<1x80xi32, #tpu.memory_space<vmem>>
    %dma_start3A_51 = tpu.memref_squeeze %dma_start3A_50 : memref<1x80xi32, #tpu.memory_space<vmem>> -> memref<80xi32, #tpu.memory_space<vmem>>
    %dma_start3A_52 = arith.constant 0 : i32
    %dma_start3A_53 = arith.constant 0 : i32
    %dma_start3A_54 = tpu.memref_slice %arg2[%arg0, %dma_start3A_52, %dma_start3A_53] : memref<2x10240x64xf32, #tpu.memory_space<hbm>> -> memref<1x10240x64xf32, #tpu.memory_space<hbm>>
    %dma_start3A_55 = tpu.memref_squeeze %dma_start3A_54 : memref<1x10240x64xf32, #tpu.memory_space<hbm>> -> memref<10240x64xf32, #tpu.memory_space<hbm>>
    %dma_start3A_56 = arith.constant 0 : i32
    %dma_start3A_57 = arith.constant 0 : i32
    %dma_start3A_58 = tpu.memref_slice %dma_start3A_55[%dma_start3A_56, %dma_start3A_57] : memref<10240x64xf32, #tpu.memory_space<hbm>> -> memref<10240x64xf32, #tpu.memory_space<hbm>>
    tpu.enqueue_indirect_dma source(%dma_start3A_58 : memref<10240x64xf32, #tpu.memory_space<hbm>>) target(%arg9 : memref<80x64xf32, #tpu.memory_space<vmem>>) offsets(%dma_start3A_51 : memref<80xi32, #tpu.memory_space<vmem>>) semaphore(%arg12 : memref<!tpu.dma_semaphore, #tpu.memory_space<semaphore_mem>>)
    %dma_wait3A = arith.constant 248 : i32
    %dma_wait3A_59 = arith.constant 0 : i32
    %dma_wait3A_60 = tpu.memref_slice %arg6[%dma_wait3A, %dma_wait3A_59] : memref<250x80xi32, #tpu.memory_space<vmem>> -> memref<1x80xi32, #tpu.memory_space<vmem>>
    %dma_wait3A_61 = tpu.memref_squeeze %dma_wait3A_60 : memref<1x80xi32, #tpu.memory_space<vmem>> -> memref<80xi32, #tpu.memory_space<vmem>>
    %dma_wait3A_62 = arith.constant 0 : i32
    %dma_wait3A_63 = arith.constant 0 : i32
    %dma_wait3A_64 = tpu.memref_slice %arg2[%arg0, %dma_wait3A_62, %dma_wait3A_63] : memref<2x10240x64xf32, #tpu.memory_space<hbm>> -> memref<1x10240x64xf32, #tpu.memory_space<hbm>>
    %dma_wait3A_65 = tpu.memref_squeeze %dma_wait3A_64 : memref<1x10240x64xf32, #tpu.memory_space<hbm>> -> memref<10240x64xf32, #tpu.memory_space<hbm>>
    %dma_wait3A_66 = arith.constant 0 : i32
    %dma_wait3A_67 = arith.constant 0 : i32
    %dma_wait3A_68 = tpu.memref_slice %dma_wait3A_65[%dma_wait3A_66, %dma_wait3A_67] : memref<10240x64xf32, #tpu.memory_space<hbm>> -> memref<10240x64xf32, #tpu.memory_space<hbm>>
    tpu.wait_indirect_dma semaphore(%arg11 : memref<!tpu.dma_semaphore, #tpu.memory_space<semaphore_mem>>) src(%dma_wait3A_68 : memref<10240x64xf32, #tpu.memory_space<hbm>>) dst(%arg8 : memref<80x64xf32, #tpu.memory_space<vmem>>)
    %run_scoped3A = arith.constant 248 : i32
    "tpu.region"() ({
      %run_scoped3A_82 = tpu.sem_alloc : memref<!tpu.dma_semaphore, #tpu.memory_space<semaphore_mem>>
      %dma_start3A_83 = arith.constant 0 : i32
      %dma_start3A_84 = tpu.memref_slice %arg7[%run_scoped3A, %dma_start3A_83] : memref<250x80xi32, #tpu.memory_space<vmem>> -> memref<1x80xi32, #tpu.memory_space<vmem>>
      %dma_start3A_85 = tpu.memref_squeeze %dma_start3A_84 : memref<1x80xi32, #tpu.memory_space<vmem>> -> memref<80xi32, #tpu.memory_space<vmem>>
      %dma_start3A_86 = arith.constant 0 : i32
      %dma_start3A_87 = arith.constant 0 : i32
      %dma_start3A_88 = tpu.memref_slice %arg10[%dma_start3A_86, %dma_start3A_87] : memref<10240x64xf32, #tpu.memory_space<vmem_shared>> -> memref<10240x64xf32, #tpu.memory_space<vmem_shared>>
      tpu.enqueue_indirect_dma source(%arg8 : memref<80x64xf32, #tpu.memory_space<vmem>>) target(%dma_start3A_88 : memref<10240x64xf32, #tpu.memory_space<vmem_shared>>) offsets(%dma_start3A_85 : memref<80xi32, #tpu.memory_space<vmem>>) semaphore(%run_scoped3A_82 : memref<!tpu.dma_semaphore, #tpu.memory_space<semaphore_mem>>) {add = true}
      %dma_wait3A_89 = arith.constant 0 : i32
      %dma_wait3A_90 = tpu.memref_slice %arg7[%run_scoped3A, %dma_wait3A_89] : memref<250x80xi32, #tpu.memory_space<vmem>> -> memref<1x80xi32, #tpu.memory_space<vmem>>
      %dma_wait3A_91 = tpu.memref_squeeze %dma_wait3A_90 : memref<1x80xi32, #tpu.memory_space<vmem>> -> memref<80xi32, #tpu.memory_space<vmem>>
      %dma_wait3A_92 = arith.constant 0 : i32
      %dma_wait3A_93 = arith.constant 0 : i32
      %dma_wait3A_94 = tpu.memref_slice %arg10[%dma_wait3A_92, %dma_wait3A_93] : memref<10240x64xf32, #tpu.memory_space<vmem_shared>> -> memref<10240x64xf32, #tpu.memory_space<vmem_shared>>
      tpu.wait_indirect_dma semaphore(%run_scoped3A_82 : memref<!tpu.dma_semaphore, #tpu.memory_space<semaphore_mem>>) src(%arg8 : memref<80x64xf32, #tpu.memory_space<vmem>>) dst(%dma_wait3A_94 : memref<10240x64xf32, #tpu.memory_space<vmem_shared>>)
      tpu.yield
    }) : () -> ()
    %dma_wait3A_69 = arith.constant 249 : i32
    %dma_wait3A_70 = arith.constant 0 : i32
    %dma_wait3A_71 = tpu.memref_slice %arg6[%dma_wait3A_69, %dma_wait3A_70] : memref<250x80xi32, #tpu.memory_space<vmem>> -> memref<1x80xi32, #tpu.memory_space<vmem>>
    %dma_wait3A_72 = tpu.memref_squeeze %dma_wait3A_71 : memref<1x80xi32, #tpu.memory_space<vmem>> -> memref<80xi32, #tpu.memory_space<vmem>>
    %dma_wait3A_73 = arith.constant 0 : i32
    %dma_wait3A_74 = arith.constant 0 : i32
    %dma_wait3A_75 = tpu.memref_slice %arg2[%arg0, %dma_wait3A_73, %dma_wait3A_74] : memref<2x10240x64xf32, #tpu.memory_space<hbm>> -> memref<1x10240x64xf32, #tpu.memory_space<hbm>>
    %dma_wait3A_76 = tpu.memref_squeeze %dma_wait3A_75 : memref<1x10240x64xf32, #tpu.memory_space<hbm>> -> memref<10240x64xf32, #tpu.memory_space<hbm>>
    %dma_wait3A_77 = arith.constant 0 : i32
    %dma_wait3A_78 = arith.constant 0 : i32
    %dma_wait3A_79 = tpu.memref_slice %dma_wait3A_76[%dma_wait3A_77, %dma_wait3A_78] : memref<10240x64xf32, #tpu.memory_space<hbm>> -> memref<10240x64xf32, #tpu.memory_space<hbm>>
    tpu.wait_indirect_dma semaphore(%arg12 : memref<!tpu.dma_semaphore, #tpu.memory_space<semaphore_mem>>) src(%dma_wait3A_79 : memref<10240x64xf32, #tpu.memory_space<hbm>>) dst(%arg9 : memref<80x64xf32, #tpu.memory_space<vmem>>)
    %run_scoped3A_80 = arith.constant 249 : i32
    "tpu.region"() ({
      %run_scoped3A_82 = tpu.sem_alloc : memref<!tpu.dma_semaphore, #tpu.memory_space<semaphore_mem>>
      %dma_start3A_83 = arith.constant 0 : i32
      %dma_start3A_84 = tpu.memref_slice %arg7[%run_scoped3A_80, %dma_start3A_83] : memref<250x80xi32, #tpu.memory_space<vmem>> -> memref<1x80xi32, #tpu.memory_space<vmem>>
      %dma_start3A_85 = tpu.memref_squeeze %dma_start3A_84 : memref<1x80xi32, #tpu.memory_space<vmem>> -> memref<80xi32, #tpu.memory_space<vmem>>
      %dma_start3A_86 = arith.constant 0 : i32
      %dma_start3A_87 = arith.constant 0 : i32
      %dma_start3A_88 = tpu.memref_slice %arg10[%dma_start3A_86, %dma_start3A_87] : memref<10240x64xf32, #tpu.memory_space<vmem_shared>> -> memref<10240x64xf32, #tpu.memory_space<vmem_shared>>
      tpu.enqueue_indirect_dma source(%arg9 : memref<80x64xf32, #tpu.memory_space<vmem>>) target(%dma_start3A_88 : memref<10240x64xf32, #tpu.memory_space<vmem_shared>>) offsets(%dma_start3A_85 : memref<80xi32, #tpu.memory_space<vmem>>) semaphore(%run_scoped3A_82 : memref<!tpu.dma_semaphore, #tpu.memory_space<semaphore_mem>>) {add = true}
      %dma_wait3A_89 = arith.constant 0 : i32
      %dma_wait3A_90 = tpu.memref_slice %arg7[%run_scoped3A_80, %dma_wait3A_89] : memref<250x80xi32, #tpu.memory_space<vmem>> -> memref<1x80xi32, #tpu.memory_space<vmem>>
      %dma_wait3A_91 = tpu.memref_squeeze %dma_wait3A_90 : memref<1x80xi32, #tpu.memory_space<vmem>> -> memref<80xi32, #tpu.memory_space<vmem>>
      %dma_wait3A_92 = arith.constant 0 : i32
      %dma_wait3A_93 = arith.constant 0 : i32
      %dma_wait3A_94 = tpu.memref_slice %arg10[%dma_wait3A_92, %dma_wait3A_93] : memref<10240x64xf32, #tpu.memory_space<vmem_shared>> -> memref<10240x64xf32, #tpu.memory_space<vmem_shared>>
      tpu.wait_indirect_dma semaphore(%run_scoped3A_82 : memref<!tpu.dma_semaphore, #tpu.memory_space<semaphore_mem>>) src(%arg9 : memref<80x64xf32, #tpu.memory_space<vmem>>) dst(%dma_wait3A_94 : memref<10240x64xf32, #tpu.memory_space<vmem_shared>>)
      tpu.yield
    }) : () -> ()
    %barrier3A_81 = arith.constant 0 : index
    tpu.barrier barrier_id(%barrier3A_81)
    "tpu.region"() ({
      %run_scoped3A_82 = tpu.sem_alloc : memref<!tpu.dma_semaphore, #tpu.memory_space<semaphore_mem>>
      %dma_start3A_83 = arith.constant 0 : i32
      %dma_start3A_84 = tpu.memref_slice %arg5[%arg0, %mul3A_0, %dma_start3A_83] : memref<2x10240x64xf32, #tpu.memory_space<hbm>> -> memref<1x640x64xf32, #tpu.memory_space<hbm>>
      %dma_start3A_85 = tpu.memref_squeeze %dma_start3A_84 : memref<1x640x64xf32, #tpu.memory_space<hbm>> -> memref<640x64xf32, #tpu.memory_space<hbm>>
      %dma_start3A_86 = arith.constant 0 : i32
      %dma_start3A_87 = tpu.memref_slice %arg10[%mul3A_0, %dma_start3A_86] : memref<10240x64xf32, #tpu.memory_space<vmem_shared>> -> memref<640x64xf32, #tpu.memory_space<vmem_shared>>
      tpu.enqueue_dma source(%dma_start3A_87 : memref<640x64xf32, #tpu.memory_space<vmem_shared>>) target(%dma_start3A_85 : memref<640x64xf32, #tpu.memory_space<hbm>>) target_semaphore(%run_scoped3A_82 : memref<!tpu.dma_semaphore, #tpu.memory_space<semaphore_mem>>)
      %dma_wait3A_88 = arith.constant 0 : i32
      %dma_wait3A_89 = tpu.memref_slice %arg5[%arg0, %mul3A_0, %dma_wait3A_88] : memref<2x10240x64xf32, #tpu.memory_space<hbm>> -> memref<1x640x64xf32, #tpu.memory_space<hbm>>
      %dma_wait3A_90 = tpu.memref_squeeze %dma_wait3A_89 : memref<1x640x64xf32, #tpu.memory_space<hbm>> -> memref<640x64xf32, #tpu.memory_space<hbm>>
      %dma_wait3A_91 = arith.constant 0 : i32
      %dma_wait3A_92 = tpu.memref_slice %arg10[%mul3A_0, %dma_wait3A_91] : memref<10240x64xf32, #tpu.memory_space<vmem_shared>> -> memref<640x64xf32, #tpu.memory_space<vmem_shared>>
      tpu.wait_dma2 semaphore(%run_scoped3A_82 : memref<!tpu.dma_semaphore, #tpu.memory_space<semaphore_mem>>) src(%dma_wait3A_92 : memref<640x64xf32, #tpu.memory_space<vmem_shared>>) dst(%dma_wait3A_90 : memref<640x64xf32, #tpu.memory_space<hbm>>)
      tpu.yield
    }) : () -> ()
    return
  }
}

module attributes {stable_mosaic.version = 14 : i64} {
  func.func @_enc_body(%arg0: i32, %arg1: memref<2048x128xf32, #tpu.memory_space<vmem>>, %arg2: memref<128x128xf32, #tpu.memory_space<vmem>>, %arg3: memref<1x128xf32, #tpu.memory_space<vmem>>, %arg4: memref<128x128xf32, #tpu.memory_space<vmem>>, %arg5: memref<2048x32xf32, #tpu.memory_space<vmem>>, %arg6: memref<2x2048x64xf32, #tpu.memory_space<vmem>>, %arg7: memref<2048x1xf32, #tpu.memory_space<vmem>>) attributes {dimension_semantics = [#tpu.dimension_semantics<arbitrary>], iteration_bounds = array<i64: 5>, scalar_prefetch = 0 : i64, scratch_operands = 0 : i64, tpu.core_type = #tpu.core_type<tc>, window_params = [{transform_indices = @transform_0, window_bounds = array<i64: 2048, 128>}, {pipeline_mode = #tpu.pipeline_mode<synchronous>, transform_indices = @transform_1, window_bounds = array<i64: 128, 128>}, {pipeline_mode = #tpu.pipeline_mode<synchronous>, transform_indices = @transform_2, window_bounds = array<i64: 1, 128>}, {pipeline_mode = #tpu.pipeline_mode<synchronous>, transform_indices = @transform_3, window_bounds = array<i64: 128, 128>}, {transform_indices = @transform_4, window_bounds = array<i64: 2048, 32>}, {transform_indices = @transform_5, window_bounds = array<i64: 2, 2048, 64>}, {transform_indices = @transform_6, window_bounds = array<i64: 2048, 1>}]} {
    %get3A = arith.constant 0 : index
    %get3A_0 = arith.constant 0 : index
    %get3A_1 = vector.load %arg1[%get3A, %get3A_0] : memref<2048x128xf32, #tpu.memory_space<vmem>>, vector<2048x128xf32>
    %get3A_2 = arith.constant 0 : index
    %get3A_3 = arith.constant 0 : index
    %get3A_4 = vector.load %arg2[%get3A_2, %get3A_3] : memref<128x128xf32, #tpu.memory_space<vmem>>, vector<128x128xf32>
    %dot_general3A = arith.constant dense<0.000000e+00> : vector<2048x128xf32>
    %dot_general3A_5 = tpu.matmul %get3A_1, %get3A_4, %dot_general3A {dimension_numbers = #tpu.dot_dimension_numbers<[1], [0], [0], [1], [0, 0, 1, 1], [], []>, precision = #tpu.contract_precision<fp32>, transpose_lhs_hint = false} : vector<2048x128xf32>, vector<128x128xf32>, vector<2048x128xf32> -> vector<2048x128xf32>
    %get3A_6 = arith.constant 0 : index
    %get3A_7 = arith.constant 0 : index
    %get3A_8 = vector.load %arg3[%get3A_6, %get3A_7] : memref<1x128xf32, #tpu.memory_space<vmem>>, vector<1x128xf32>
    %add3A = vector.broadcast %get3A_8 : vector<1x128xf32> to vector<2048x128xf32>
    %add3A_9 = arith.addf %dot_general3A_5, %add3A : vector<2048x128xf32>
    %max3A = arith.constant 0.000000e+00 : f32
    %max3A_10 = vector.broadcast %max3A : f32 to vector<2048x128xf32>
    %max3A_11 = arith.maximumf %add3A_9, %max3A_10 : vector<2048x128xf32>
    %get3A_12 = arith.constant 0 : index
    %get3A_13 = arith.constant 0 : index
    %get3A_14 = vector.load %arg5[%get3A_12, %get3A_13] : memref<2048x32xf32, #tpu.memory_space<vmem>>, vector<2048x32xf32>
    %reduce_sum3A = arith.constant dense<0.000000e+00> : vector<2048xf32>
    %reduce_sum3A_15 = vector.multi_reduction <add>, %get3A_14, %reduce_sum3A [1] : vector<2048x32xf32> to vector<2048xf32>
    %broadcast_in_dim3A = vector.shape_cast %reduce_sum3A_15 : vector<2048xf32> to vector<2048x1xf32>
    %add3A_16 = arith.constant 1.000000e+00 : f32
    %add3A_17 = vector.broadcast %add3A_16 : f32 to vector<2048x1xf32>
    %add3A_18 = arith.addf %broadcast_in_dim3A, %add3A_17 : vector<2048x1xf32>
    %rsqrt3A = math.rsqrt %add3A_18 : vector<2048x1xf32>
    %swap3A = arith.constant 0 : index
    %swap3A_19 = arith.constant 0 : index
    %swap3A_20 = vector.load %arg7[%swap3A, %swap3A_19] : memref<2048x1xf32, #tpu.memory_space<vmem>>, vector<2048x1xf32>
    tpu.vector_store %arg7[%swap3A, %swap3A_19], %rsqrt3A {strides = array<i32>} : memref<2048x1xf32, #tpu.memory_space<vmem>>, vector<2048x1xf32>,
    %get3A_21 = arith.constant 0 : index
    %get3A_22 = arith.constant 0 : index
    %get3A_23 = vector.load %arg4[%get3A_21, %get3A_22] : memref<128x128xf32, #tpu.memory_space<vmem>>, vector<128x128xf32>
    %dot_general3A_24 = arith.constant dense<0.000000e+00> : vector<2048x128xf32>
    %dot_general3A_25 = tpu.matmul %max3A_11, %get3A_23, %dot_general3A_24 {dimension_numbers = #tpu.dot_dimension_numbers<[1], [0], [0], [1], [0, 0, 1, 1], [], []>, precision = #tpu.contract_precision<fp32>, transpose_lhs_hint = false} : vector<2048x128xf32>, vector<128x128xf32>, vector<2048x128xf32> -> vector<2048x128xf32>
    %mul3A = vector.broadcast %rsqrt3A : vector<2048x1xf32> to vector<2048x128xf32>
    %mul3A_26 = arith.mulf %dot_general3A_25, %mul3A : vector<2048x128xf32>
    %slice3A = vector.extract_strided_slice %mul3A_26 {offsets = [0, 0], sizes = [2048, 64], strides = [1, 1]} : vector<2048x128xf32> to vector<2048x64xf32>
    %swap3A_27 = arith.constant 0 : index
    %swap3A_28 = arith.constant 0 : index
    %swap3A_29 = arith.constant 0 : index
    %swap3A_30 = vector.load %arg6[%swap3A_27, %swap3A_28, %swap3A_29] : memref<2x2048x64xf32, #tpu.memory_space<vmem>>, vector<1x2048x64xf32>
    %swap3A_31 = vector.shape_cast %swap3A_30 : vector<1x2048x64xf32> to vector<2048x64xf32>
    %swap3A_32 = vector.shape_cast %slice3A : vector<2048x64xf32> to vector<1x2048x64xf32>
    tpu.vector_store %arg6[%swap3A_27, %swap3A_28, %swap3A_29], %swap3A_32 {strides = array<i32>} : memref<2x2048x64xf32, #tpu.memory_space<vmem>>, vector<1x2048x64xf32>,
    %slice3A_33 = vector.extract_strided_slice %mul3A_26 {offsets = [0, 64], sizes = [2048, 64], strides = [1, 1]} : vector<2048x128xf32> to vector<2048x64xf32>
    %swap3A_34 = arith.constant 1 : index
    %swap3A_35 = arith.constant 0 : index
    %swap3A_36 = arith.constant 0 : index
    %swap3A_37 = vector.load %arg6[%swap3A_34, %swap3A_35, %swap3A_36] : memref<2x2048x64xf32, #tpu.memory_space<vmem>>, vector<1x2048x64xf32>
    %swap3A_38 = vector.shape_cast %swap3A_37 : vector<1x2048x64xf32> to vector<2048x64xf32>
    %swap3A_39 = vector.shape_cast %slice3A_33 : vector<2048x64xf32> to vector<1x2048x64xf32>
    tpu.vector_store %arg6[%swap3A_34, %swap3A_35, %swap3A_36], %swap3A_39 {strides = array<i32>} : memref<2x2048x64xf32, #tpu.memory_space<vmem>>, vector<1x2048x64xf32>,
    return
  }
  func.func @transform_0(%arg0: i32) -> (i32, i32) {
    %c0_i32 = arith.constant 0 : i32
    %c0_i32_0 = arith.constant 0 : i32
    return %arg0, %c0_i32 : i32, i32
  }
  func.func @transform_1(%arg0: i32) -> (i32, i32) {
    %c0_i32 = arith.constant 0 : i32
    %c0_i32_0 = arith.constant 0 : i32
    %c0_i32_1 = arith.constant 0 : i32
    return %c0_i32, %c0_i32_0 : i32, i32
  }
  func.func @transform_2(%arg0: i32) -> (i32, i32) {
    %c0_i32 = arith.constant 0 : i32
    %c0_i32_0 = arith.constant 0 : i32
    %c0_i32_1 = arith.constant 0 : i32
    return %c0_i32, %c0_i32_0 : i32, i32
  }
  func.func @transform_3(%arg0: i32) -> (i32, i32) {
    %c0_i32 = arith.constant 0 : i32
    %c0_i32_0 = arith.constant 0 : i32
    %c0_i32_1 = arith.constant 0 : i32
    return %c0_i32, %c0_i32_0 : i32, i32
  }
  func.func @transform_4(%arg0: i32) -> (i32, i32) {
    %c0_i32 = arith.constant 0 : i32
    %c0_i32_0 = arith.constant 0 : i32
    return %arg0, %c0_i32 : i32, i32
  }
  func.func @transform_5(%arg0: i32) -> (i32, i32, i32) {
    %c0_i32 = arith.constant 0 : i32
    %c0_i32_0 = arith.constant 0 : i32
    %c0_i32_1 = arith.constant 0 : i32
    return %c0_i32, %arg0, %c0_i32_0 : i32, i32, i32
  }
  func.func @transform_6(%arg0: i32) -> (i32, i32) {
    %c0_i32 = arith.constant 0 : i32
    %c0_i32_0 = arith.constant 0 : i32
    return %arg0, %c0_i32 : i32, i32
  }
}

module attributes {stable_mosaic.version = 14 : i64} {
  func.func @_mid_body(%arg0: i32, %arg1: memref<2x2048x64xf32, #tpu.memory_space<vmem>>, %arg2: memref<2x2048x64xf32, #tpu.memory_space<vmem>>, %arg3: memref<2048x1xf32, #tpu.memory_space<vmem>>, %arg4: memref<1x128xf32, #tpu.memory_space<vmem>>, %arg5: memref<1x128xf32, #tpu.memory_space<vmem>>, %arg6: memref<1x128xf32, #tpu.memory_space<vmem>>, %arg7: memref<128x128xf32, #tpu.memory_space<vmem>>, %arg8: memref<2x2048x64xf32, #tpu.memory_space<vmem>>) attributes {dimension_semantics = [#tpu.dimension_semantics<arbitrary>], iteration_bounds = array<i64: 5>, scalar_prefetch = 0 : i64, scratch_operands = 0 : i64, tpu.core_type = #tpu.core_type<tc>, window_params = [{transform_indices = @transform_0, window_bounds = array<i64: 2, 2048, 64>}, {transform_indices = @transform_1, window_bounds = array<i64: 2, 2048, 64>}, {transform_indices = @transform_2, window_bounds = array<i64: 2048, 1>}, {pipeline_mode = #tpu.pipeline_mode<synchronous>, transform_indices = @transform_3, window_bounds = array<i64: 1, 128>}, {pipeline_mode = #tpu.pipeline_mode<synchronous>, transform_indices = @transform_4, window_bounds = array<i64: 1, 128>}, {pipeline_mode = #tpu.pipeline_mode<synchronous>, transform_indices = @transform_5, window_bounds = array<i64: 1, 128>}, {pipeline_mode = #tpu.pipeline_mode<synchronous>, transform_indices = @transform_6, window_bounds = array<i64: 128, 128>}, {transform_indices = @transform_7, window_bounds = array<i64: 2, 2048, 64>}]} {
    %get3A = arith.constant 0 : index
    %get3A_0 = arith.constant 0 : index
    %get3A_1 = vector.load %arg3[%get3A, %get3A_0] : memref<2048x1xf32, #tpu.memory_space<vmem>>, vector<2048x1xf32>
    %get3A_2 = arith.constant 0 : index
    %get3A_3 = arith.constant 0 : index
    %get3A_4 = arith.constant 0 : index
    %get3A_5 = vector.load %arg1[%get3A_2, %get3A_3, %get3A_4] : memref<2x2048x64xf32, #tpu.memory_space<vmem>>, vector<1x2048x64xf32>
    %get3A_6 = vector.shape_cast %get3A_5 : vector<1x2048x64xf32> to vector<2048x64xf32>
    %get3A_7 = arith.constant 1 : index
    %get3A_8 = arith.constant 0 : index
    %get3A_9 = arith.constant 0 : index
    %get3A_10 = vector.load %arg1[%get3A_7, %get3A_8, %get3A_9] : memref<2x2048x64xf32, #tpu.memory_space<vmem>>, vector<1x2048x64xf32>
    %get3A_11 = vector.shape_cast %get3A_10 : vector<1x2048x64xf32> to vector<2048x64xf32>
    %concatenate3A = tpu.concatenate %get3A_6, %get3A_11 in 1 : vector<2048x64xf32>, vector<2048x64xf32> -> vector<2048x128xf32>
    %get3A_12 = arith.constant 0 : index
    %get3A_13 = arith.constant 0 : index
    %get3A_14 = arith.constant 0 : index
    %get3A_15 = vector.load %arg2[%get3A_12, %get3A_13, %get3A_14] : memref<2x2048x64xf32, #tpu.memory_space<vmem>>, vector<1x2048x64xf32>
    %get3A_16 = vector.shape_cast %get3A_15 : vector<1x2048x64xf32> to vector<2048x64xf32>
    %get3A_17 = arith.constant 1 : index
    %get3A_18 = arith.constant 0 : index
    %get3A_19 = arith.constant 0 : index
    %get3A_20 = vector.load %arg2[%get3A_17, %get3A_18, %get3A_19] : memref<2x2048x64xf32, #tpu.memory_space<vmem>>, vector<1x2048x64xf32>
    %get3A_21 = vector.shape_cast %get3A_20 : vector<1x2048x64xf32> to vector<2048x64xf32>
    %concatenate3A_22 = tpu.concatenate %get3A_16, %get3A_21 in 1 : vector<2048x64xf32>, vector<2048x64xf32> -> vector<2048x128xf32>
    %add3A = arith.addf %concatenate3A, %concatenate3A_22 : vector<2048x128xf32>
    %mul3A = vector.broadcast %get3A_1 : vector<2048x1xf32> to vector<2048x128xf32>
    %mul3A_23 = arith.mulf %add3A, %mul3A : vector<2048x128xf32>
    %get3A_24 = arith.constant 0 : index
    %get3A_25 = arith.constant 0 : index
    %get3A_26 = vector.load %arg4[%get3A_24, %get3A_25] : memref<1x128xf32, #tpu.memory_space<vmem>>, vector<1x128xf32>
    %add3A_27 = vector.broadcast %get3A_26 : vector<1x128xf32> to vector<2048x128xf32>
    %add3A_28 = arith.addf %mul3A_23, %add3A_27 : vector<2048x128xf32>
    %get3A_29 = arith.constant 0 : index
    %get3A_30 = arith.constant 0 : index
    %get3A_31 = vector.load %arg5[%get3A_29, %get3A_30] : memref<1x128xf32, #tpu.memory_space<vmem>>, vector<1x128xf32>
    %get3A_32 = arith.constant 0 : index
    %get3A_33 = arith.constant 0 : index
    %get3A_34 = vector.load %arg6[%get3A_32, %get3A_33] : memref<1x128xf32, #tpu.memory_space<vmem>>, vector<1x128xf32>
    %reduce_sum3A = arith.constant dense<0.000000e+00> : vector<2048xf32>
    %reduce_sum3A_35 = vector.multi_reduction <add>, %add3A_28, %reduce_sum3A [1] : vector<2048x128xf32> to vector<2048xf32>
    %broadcast_in_dim3A = vector.shape_cast %reduce_sum3A_35 : vector<2048xf32> to vector<2048x1xf32>
    %div3A = arith.constant 1.280000e+02 : f32
    %div3A_36 = vector.broadcast %div3A : f32 to vector<2048x1xf32>
    %div3A_37 = arith.divf %broadcast_in_dim3A, %div3A_36 : vector<2048x1xf32>
    %sub3A = vector.broadcast %div3A_37 : vector<2048x1xf32> to vector<2048x128xf32>
    %sub3A_38 = arith.subf %add3A_28, %sub3A : vector<2048x128xf32>
    %mul3A_39 = arith.mulf %sub3A_38, %sub3A_38 : vector<2048x128xf32>
    %reduce_sum3A_40 = arith.constant dense<0.000000e+00> : vector<2048xf32>
    %reduce_sum3A_41 = vector.multi_reduction <add>, %mul3A_39, %reduce_sum3A_40 [1] : vector<2048x128xf32> to vector<2048xf32>
    %broadcast_in_dim3A_42 = vector.shape_cast %reduce_sum3A_41 : vector<2048xf32> to vector<2048x1xf32>
    %div3A_43 = arith.constant 1.280000e+02 : f32
    %div3A_44 = vector.broadcast %div3A_43 : f32 to vector<2048x1xf32>
    %div3A_45 = arith.divf %broadcast_in_dim3A_42, %div3A_44 : vector<2048x1xf32>
    %add3A_46 = arith.constant 9.99999974E-6 : f32
    %add3A_47 = vector.broadcast %add3A_46 : f32 to vector<2048x1xf32>
    %add3A_48 = arith.addf %div3A_45, %add3A_47 : vector<2048x1xf32>
    %rsqrt3A = math.rsqrt %add3A_48 : vector<2048x1xf32>
    %mul3A_49 = vector.broadcast %rsqrt3A : vector<2048x1xf32> to vector<2048x128xf32>
    %mul3A_50 = arith.mulf %sub3A_38, %mul3A_49 : vector<2048x128xf32>
    %mul3A_51 = vector.broadcast %get3A_31 : vector<1x128xf32> to vector<2048x128xf32>
    %mul3A_52 = arith.mulf %mul3A_50, %mul3A_51 : vector<2048x128xf32>
    %add3A_53 = vector.broadcast %get3A_34 : vector<1x128xf32> to vector<2048x128xf32>
    %add3A_54 = arith.addf %mul3A_52, %add3A_53 : vector<2048x128xf32>
    %gt3A = arith.constant 0.000000e+00 : f32
    %gt3A_55 = vector.broadcast %gt3A : f32 to vector<2048x128xf32>
    %gt3A_56 = arith.cmpf ogt, %add3A_54, %gt3A_55 : vector<2048x128xf32>
    %min3A = arith.constant 0.000000e+00 : f32
    %min3A_57 = vector.broadcast %min3A : f32 to vector<2048x128xf32>
    %min3A_58 = arith.minimumf %add3A_54, %min3A_57 : vector<2048x128xf32>
    %exp3A = math.exp %min3A_58 : vector<2048x128xf32>
    %sub3A_59 = arith.constant 1.000000e+00 : f32
    %sub3A_60 = vector.broadcast %sub3A_59 : f32 to vector<2048x128xf32>
    %sub3A_61 = arith.subf %exp3A, %sub3A_60 : vector<2048x128xf32>
    %select_n3A = arith.select %gt3A_56, %add3A_54, %sub3A_61 : vector<2048x128xi1>, vector<2048x128xf32>
    %get3A_62 = arith.constant 0 : index
    %get3A_63 = arith.constant 0 : index
    %get3A_64 = vector.load %arg7[%get3A_62, %get3A_63] : memref<128x128xf32, #tpu.memory_space<vmem>>, vector<128x128xf32>
    %dot_general3A = arith.constant dense<0.000000e+00> : vector<2048x128xf32>
    %dot_general3A_65 = tpu.matmul %select_n3A, %get3A_64, %dot_general3A {dimension_numbers = #tpu.dot_dimension_numbers<[1], [0], [0], [1], [0, 0, 1, 1], [], []>, precision = #tpu.contract_precision<fp32>, transpose_lhs_hint = false} : vector<2048x128xf32>, vector<128x128xf32>, vector<2048x128xf32> -> vector<2048x128xf32>
    %mul3A_66 = vector.broadcast %get3A_1 : vector<2048x1xf32> to vector<2048x128xf32>
    %mul3A_67 = arith.mulf %dot_general3A_65, %mul3A_66 : vector<2048x128xf32>
    %slice3A = vector.extract_strided_slice %mul3A_67 {offsets = [0, 0], sizes = [2048, 64], strides = [1, 1]} : vector<2048x128xf32> to vector<2048x64xf32>
    %swap3A = arith.constant 0 : index
    %swap3A_68 = arith.constant 0 : index
    %swap3A_69 = arith.constant 0 : index
    %swap3A_70 = vector.load %arg8[%swap3A, %swap3A_68, %swap3A_69] : memref<2x2048x64xf32, #tpu.memory_space<vmem>>, vector<1x2048x64xf32>
    %swap3A_71 = vector.shape_cast %swap3A_70 : vector<1x2048x64xf32> to vector<2048x64xf32>
    %swap3A_72 = vector.shape_cast %slice3A : vector<2048x64xf32> to vector<1x2048x64xf32>
    tpu.vector_store %arg8[%swap3A, %swap3A_68, %swap3A_69], %swap3A_72 {strides = array<i32>} : memref<2x2048x64xf32, #tpu.memory_space<vmem>>, vector<1x2048x64xf32>,
    %slice3A_73 = vector.extract_strided_slice %mul3A_67 {offsets = [0, 64], sizes = [2048, 64], strides = [1, 1]} : vector<2048x128xf32> to vector<2048x64xf32>
    %swap3A_74 = arith.constant 1 : index
    %swap3A_75 = arith.constant 0 : index
    %swap3A_76 = arith.constant 0 : index
    %swap3A_77 = vector.load %arg8[%swap3A_74, %swap3A_75, %swap3A_76] : memref<2x2048x64xf32, #tpu.memory_space<vmem>>, vector<1x2048x64xf32>
    %swap3A_78 = vector.shape_cast %swap3A_77 : vector<1x2048x64xf32> to vector<2048x64xf32>
    %swap3A_79 = vector.shape_cast %slice3A_73 : vector<2048x64xf32> to vector<1x2048x64xf32>
    tpu.vector_store %arg8[%swap3A_74, %swap3A_75, %swap3A_76], %swap3A_79 {strides = array<i32>} : memref<2x2048x64xf32, #tpu.memory_space<vmem>>, vector<1x2048x64xf32>,
    return
  }
  func.func @transform_0(%arg0: i32) -> (i32, i32, i32) {
    %c0_i32 = arith.constant 0 : i32
    %c0_i32_0 = arith.constant 0 : i32
    %c0_i32_1 = arith.constant 0 : i32
    return %c0_i32, %arg0, %c0_i32_0 : i32, i32, i32
  }
  func.func @transform_1(%arg0: i32) -> (i32, i32, i32) {
    %c0_i32 = arith.constant 0 : i32
    %c0_i32_0 = arith.constant 0 : i32
    %c0_i32_1 = arith.constant 0 : i32
    return %c0_i32, %arg0, %c0_i32_0 : i32, i32, i32
  }
  func.func @transform_2(%arg0: i32) -> (i32, i32) {
    %c0_i32 = arith.constant 0 : i32
    %c0_i32_0 = arith.constant 0 : i32
    return %arg0, %c0_i32 : i32, i32
  }
  func.func @transform_3(%arg0: i32) -> (i32, i32) {
    %c0_i32 = arith.constant 0 : i32
    %c0_i32_0 = arith.constant 0 : i32
    %c0_i32_1 = arith.constant 0 : i32
    return %c0_i32, %c0_i32_0 : i32, i32
  }
  func.func @transform_4(%arg0: i32) -> (i32, i32) {
    %c0_i32 = arith.constant 0 : i32
    %c0_i32_0 = arith.constant 0 : i32
    %c0_i32_1 = arith.constant 0 : i32
    return %c0_i32, %c0_i32_0 : i32, i32
  }
  func.func @transform_5(%arg0: i32) -> (i32, i32) {
    %c0_i32 = arith.constant 0 : i32
    %c0_i32_0 = arith.constant 0 : i32
    %c0_i32_1 = arith.constant 0 : i32
    return %c0_i32, %c0_i32_0 : i32, i32
  }
  func.func @transform_6(%arg0: i32) -> (i32, i32) {
    %c0_i32 = arith.constant 0 : i32
    %c0_i32_0 = arith.constant 0 : i32
    %c0_i32_1 = arith.constant 0 : i32
    return %c0_i32, %c0_i32_0 : i32, i32
  }
  func.func @transform_7(%arg0: i32) -> (i32, i32, i32) {
    %c0_i32 = arith.constant 0 : i32
    %c0_i32_0 = arith.constant 0 : i32
    %c0_i32_1 = arith.constant 0 : i32
    return %c0_i32, %arg0, %c0_i32_0 : i32, i32, i32
  }
}

module attributes {stable_mosaic.version = 14 : i64} {
  func.func @_tail_body(%arg0: i32, %arg1: memref<2x2048x64xf32, #tpu.memory_space<vmem>>, %arg2: memref<2x2048x64xf32, #tpu.memory_space<vmem>>, %arg3: memref<2048x1xf32, #tpu.memory_space<vmem>>, %arg4: memref<1x128xf32, #tpu.memory_space<vmem>>, %arg5: memref<1x128xf32, #tpu.memory_space<vmem>>, %arg6: memref<1x128xf32, #tpu.memory_space<vmem>>, %arg7: memref<128x128xf32, #tpu.memory_space<vmem>>, %arg8: memref<1x128xf32, #tpu.memory_space<vmem>>, %arg9: memref<1x128xf32, #tpu.memory_space<vmem>>, %arg10: memref<1x128xf32, #tpu.memory_space<vmem>>, %arg11: memref<128x32xf32, #tpu.memory_space<vmem>>, %arg12: memref<1x32xf32, #tpu.memory_space<vmem>>, %arg13: memref<8x32xf32, #tpu.memory_space<vmem>>, %arg14: memref<1x8xf32, #tpu.memory_space<vmem>>, %arg15: memref<1x8xf32, #tpu.memory_space<vmem>>, %arg16: memref<1x1xf32, #tpu.memory_space<vmem>>, %arg17: memref<2048x1xf32, #tpu.memory_space<vmem>>) attributes {dimension_semantics = [#tpu.dimension_semantics<arbitrary>], iteration_bounds = array<i64: 5>, scalar_prefetch = 0 : i64, scratch_operands = 0 : i64, tpu.core_type = #tpu.core_type<tc>, window_params = [{transform_indices = @transform_0, window_bounds = array<i64: 2, 2048, 64>}, {transform_indices = @transform_1, window_bounds = array<i64: 2, 2048, 64>}, {transform_indices = @transform_2, window_bounds = array<i64: 2048, 1>}, {pipeline_mode = #tpu.pipeline_mode<synchronous>, transform_indices = @transform_3, window_bounds = array<i64: 1, 128>}, {pipeline_mode = #tpu.pipeline_mode<synchronous>, transform_indices = @transform_4, window_bounds = array<i64: 1, 128>}, {pipeline_mode = #tpu.pipeline_mode<synchronous>, transform_indices = @transform_5, window_bounds = array<i64: 1, 128>}, {pipeline_mode = #tpu.pipeline_mode<synchronous>, transform_indices = @transform_6, window_bounds = array<i64: 128, 128>}, {pipeline_mode = #tpu.pipeline_mode<synchronous>, transform_indices = @transform_7, window_bounds = array<i64: 1, 128>}, {pipeline_mode = #tpu.pipeline_mode<synchronous>, transform_indices = @transform_8, window_bounds = array<i64: 1, 128>}, {pipeline_mode = #tpu.pipeline_mode<synchronous>, transform_indices = @transform_9, window_bounds = array<i64: 1, 128>}, {pipeline_mode = #tpu.pipeline_mode<synchronous>, transform_indices = @transform_10, window_bounds = array<i64: 128, 32>}, {pipeline_mode = #tpu.pipeline_mode<synchronous>, transform_indices = @transform_11, window_bounds = array<i64: 1, 32>}, {pipeline_mode = #tpu.pipeline_mode<synchronous>, transform_indices = @transform_12, window_bounds = array<i64: 8, 32>}, {pipeline_mode = #tpu.pipeline_mode<synchronous>, transform_indices = @transform_13, window_bounds = array<i64: 1, 8>}, {pipeline_mode = #tpu.pipeline_mode<synchronous>, transform_indices = @transform_14, window_bounds = array<i64: 1, 8>}, {pipeline_mode = #tpu.pipeline_mode<synchronous>, transform_indices = @transform_15, window_bounds = array<i64: 1, 1>}, {transform_indices = @transform_16, window_bounds = array<i64: 2048, 1>}]} {
    %get3A = arith.constant 0 : index
    %get3A_0 = arith.constant 0 : index
    %get3A_1 = arith.constant 0 : index
    %get3A_2 = vector.load %arg1[%get3A, %get3A_0, %get3A_1] : memref<2x2048x64xf32, #tpu.memory_space<vmem>>, vector<1x2048x64xf32>
    %get3A_3 = vector.shape_cast %get3A_2 : vector<1x2048x64xf32> to vector<2048x64xf32>
    %get3A_4 = arith.constant 1 : index
    %get3A_5 = arith.constant 0 : index
    %get3A_6 = arith.constant 0 : index
    %get3A_7 = vector.load %arg1[%get3A_4, %get3A_5, %get3A_6] : memref<2x2048x64xf32, #tpu.memory_space<vmem>>, vector<1x2048x64xf32>
    %get3A_8 = vector.shape_cast %get3A_7 : vector<1x2048x64xf32> to vector<2048x64xf32>
    %concatenate3A = tpu.concatenate %get3A_3, %get3A_8 in 1 : vector<2048x64xf32>, vector<2048x64xf32> -> vector<2048x128xf32>
    %get3A_9 = arith.constant 0 : index
    %get3A_10 = arith.constant 0 : index
    %get3A_11 = arith.constant 0 : index
    %get3A_12 = vector.load %arg2[%get3A_9, %get3A_10, %get3A_11] : memref<2x2048x64xf32, #tpu.memory_space<vmem>>, vector<1x2048x64xf32>
    %get3A_13 = vector.shape_cast %get3A_12 : vector<1x2048x64xf32> to vector<2048x64xf32>
    %get3A_14 = arith.constant 1 : index
    %get3A_15 = arith.constant 0 : index
    %get3A_16 = arith.constant 0 : index
    %get3A_17 = vector.load %arg2[%get3A_14, %get3A_15, %get3A_16] : memref<2x2048x64xf32, #tpu.memory_space<vmem>>, vector<1x2048x64xf32>
    %get3A_18 = vector.shape_cast %get3A_17 : vector<1x2048x64xf32> to vector<2048x64xf32>
    %concatenate3A_19 = tpu.concatenate %get3A_13, %get3A_18 in 1 : vector<2048x64xf32>, vector<2048x64xf32> -> vector<2048x128xf32>
    %add3A = arith.addf %concatenate3A, %concatenate3A_19 : vector<2048x128xf32>
    %get3A_20 = arith.constant 0 : index
    %get3A_21 = arith.constant 0 : index
    %get3A_22 = vector.load %arg3[%get3A_20, %get3A_21] : memref<2048x1xf32, #tpu.memory_space<vmem>>, vector<2048x1xf32>
    %mul3A = vector.broadcast %get3A_22 : vector<2048x1xf32> to vector<2048x128xf32>
    %mul3A_23 = arith.mulf %add3A, %mul3A : vector<2048x128xf32>
    %get3A_24 = arith.constant 0 : index
    %get3A_25 = arith.constant 0 : index
    %get3A_26 = vector.load %arg4[%get3A_24, %get3A_25] : memref<1x128xf32, #tpu.memory_space<vmem>>, vector<1x128xf32>
    %add3A_27 = vector.broadcast %get3A_26 : vector<1x128xf32> to vector<2048x128xf32>
    %add3A_28 = arith.addf %mul3A_23, %add3A_27 : vector<2048x128xf32>
    %get3A_29 = arith.constant 0 : index
    %get3A_30 = arith.constant 0 : index
    %get3A_31 = vector.load %arg5[%get3A_29, %get3A_30] : memref<1x128xf32, #tpu.memory_space<vmem>>, vector<1x128xf32>
    %get3A_32 = arith.constant 0 : index
    %get3A_33 = arith.constant 0 : index
    %get3A_34 = vector.load %arg6[%get3A_32, %get3A_33] : memref<1x128xf32, #tpu.memory_space<vmem>>, vector<1x128xf32>
    %reduce_sum3A = arith.constant dense<0.000000e+00> : vector<2048xf32>
    %reduce_sum3A_35 = vector.multi_reduction <add>, %add3A_28, %reduce_sum3A [1] : vector<2048x128xf32> to vector<2048xf32>
    %broadcast_in_dim3A = vector.shape_cast %reduce_sum3A_35 : vector<2048xf32> to vector<2048x1xf32>
    %div3A = arith.constant 1.280000e+02 : f32
    %div3A_36 = vector.broadcast %div3A : f32 to vector<2048x1xf32>
    %div3A_37 = arith.divf %broadcast_in_dim3A, %div3A_36 : vector<2048x1xf32>
    %sub3A = vector.broadcast %div3A_37 : vector<2048x1xf32> to vector<2048x128xf32>
    %sub3A_38 = arith.subf %add3A_28, %sub3A : vector<2048x128xf32>
    %mul3A_39 = arith.mulf %sub3A_38, %sub3A_38 : vector<2048x128xf32>
    %reduce_sum3A_40 = arith.constant dense<0.000000e+00> : vector<2048xf32>
    %reduce_sum3A_41 = vector.multi_reduction <add>, %mul3A_39, %reduce_sum3A_40 [1] : vector<2048x128xf32> to vector<2048xf32>
    %broadcast_in_dim3A_42 = vector.shape_cast %reduce_sum3A_41 : vector<2048xf32> to vector<2048x1xf32>
    %div3A_43 = arith.constant 1.280000e+02 : f32
    %div3A_44 = vector.broadcast %div3A_43 : f32 to vector<2048x1xf32>
    %div3A_45 = arith.divf %broadcast_in_dim3A_42, %div3A_44 : vector<2048x1xf32>
    %add3A_46 = arith.constant 9.99999974E-6 : f32
    %add3A_47 = vector.broadcast %add3A_46 : f32 to vector<2048x1xf32>
    %add3A_48 = arith.addf %div3A_45, %add3A_47 : vector<2048x1xf32>
    %rsqrt3A = math.rsqrt %add3A_48 : vector<2048x1xf32>
    %mul3A_49 = vector.broadcast %rsqrt3A : vector<2048x1xf32> to vector<2048x128xf32>
    %mul3A_50 = arith.mulf %sub3A_38, %mul3A_49 : vector<2048x128xf32>
    %mul3A_51 = vector.broadcast %get3A_31 : vector<1x128xf32> to vector<2048x128xf32>
    %mul3A_52 = arith.mulf %mul3A_50, %mul3A_51 : vector<2048x128xf32>
    %add3A_53 = vector.broadcast %get3A_34 : vector<1x128xf32> to vector<2048x128xf32>
    %add3A_54 = arith.addf %mul3A_52, %add3A_53 : vector<2048x128xf32>
    %gt3A = arith.constant 0.000000e+00 : f32
    %gt3A_55 = vector.broadcast %gt3A : f32 to vector<2048x128xf32>
    %gt3A_56 = arith.cmpf ogt, %add3A_54, %gt3A_55 : vector<2048x128xf32>
    %min3A = arith.constant 0.000000e+00 : f32
    %min3A_57 = vector.broadcast %min3A : f32 to vector<2048x128xf32>
    %min3A_58 = arith.minimumf %add3A_54, %min3A_57 : vector<2048x128xf32>
    %exp3A = math.exp %min3A_58 : vector<2048x128xf32>
    %sub3A_59 = arith.constant 1.000000e+00 : f32
    %sub3A_60 = vector.broadcast %sub3A_59 : f32 to vector<2048x128xf32>
    %sub3A_61 = arith.subf %exp3A, %sub3A_60 : vector<2048x128xf32>
    %select_n3A = arith.select %gt3A_56, %add3A_54, %sub3A_61 : vector<2048x128xi1>, vector<2048x128xf32>
    %get3A_62 = arith.constant 0 : index
    %get3A_63 = arith.constant 0 : index
    %get3A_64 = vector.load %arg7[%get3A_62, %get3A_63] : memref<128x128xf32, #tpu.memory_space<vmem>>, vector<128x128xf32>
    %dot_general3A = arith.constant dense<0.000000e+00> : vector<2048x128xf32>
    %dot_general3A_65 = tpu.matmul %select_n3A, %get3A_64, %dot_general3A {dimension_numbers = #tpu.dot_dimension_numbers<[1], [0], [0], [1], [0, 0, 1, 1], [], []>, precision = #tpu.contract_precision<fp32>, transpose_lhs_hint = false} : vector<2048x128xf32>, vector<128x128xf32>, vector<2048x128xf32> -> vector<2048x128xf32>
    %get3A_66 = arith.constant 0 : index
    %get3A_67 = arith.constant 0 : index
    %get3A_68 = vector.load %arg8[%get3A_66, %get3A_67] : memref<1x128xf32, #tpu.memory_space<vmem>>, vector<1x128xf32>
    %add3A_69 = vector.broadcast %get3A_68 : vector<1x128xf32> to vector<2048x128xf32>
    %add3A_70 = arith.addf %dot_general3A_65, %add3A_69 : vector<2048x128xf32>
    %max3A = arith.constant 0.000000e+00 : f32
    %max3A_71 = vector.broadcast %max3A : f32 to vector<2048x128xf32>
    %max3A_72 = arith.maximumf %add3A_70, %max3A_71 : vector<2048x128xf32>
    %get3A_73 = arith.constant 0 : index
    %get3A_74 = arith.constant 0 : index
    %get3A_75 = vector.load %arg9[%get3A_73, %get3A_74] : memref<1x128xf32, #tpu.memory_space<vmem>>, vector<1x128xf32>
    %get3A_76 = arith.constant 0 : index
    %get3A_77 = arith.constant 0 : index
    %get3A_78 = vector.load %arg10[%get3A_76, %get3A_77] : memref<1x128xf32, #tpu.memory_space<vmem>>, vector<1x128xf32>
    %reduce_sum3A_79 = arith.constant dense<0.000000e+00> : vector<2048xf32>
    %reduce_sum3A_80 = vector.multi_reduction <add>, %max3A_72, %reduce_sum3A_79 [1] : vector<2048x128xf32> to vector<2048xf32>
    %broadcast_in_dim3A_81 = vector.shape_cast %reduce_sum3A_80 : vector<2048xf32> to vector<2048x1xf32>
    %div3A_82 = arith.constant 1.280000e+02 : f32
    %div3A_83 = vector.broadcast %div3A_82 : f32 to vector<2048x1xf32>
    %div3A_84 = arith.divf %broadcast_in_dim3A_81, %div3A_83 : vector<2048x1xf32>
    %sub3A_85 = vector.broadcast %div3A_84 : vector<2048x1xf32> to vector<2048x128xf32>
    %sub3A_86 = arith.subf %max3A_72, %sub3A_85 : vector<2048x128xf32>
    %mul3A_87 = arith.mulf %sub3A_86, %sub3A_86 : vector<2048x128xf32>
    %reduce_sum3A_88 = arith.constant dense<0.000000e+00> : vector<2048xf32>
    %reduce_sum3A_89 = vector.multi_reduction <add>, %mul3A_87, %reduce_sum3A_88 [1] : vector<2048x128xf32> to vector<2048xf32>
    %broadcast_in_dim3A_90 = vector.shape_cast %reduce_sum3A_89 : vector<2048xf32> to vector<2048x1xf32>
    %div3A_91 = arith.constant 1.280000e+02 : f32
    %div3A_92 = vector.broadcast %div3A_91 : f32 to vector<2048x1xf32>
    %div3A_93 = arith.divf %broadcast_in_dim3A_90, %div3A_92 : vector<2048x1xf32>
    %add3A_94 = arith.constant 9.99999974E-6 : f32
    %add3A_95 = vector.broadcast %add3A_94 : f32 to vector<2048x1xf32>
    %add3A_96 = arith.addf %div3A_93, %add3A_95 : vector<2048x1xf32>
    %rsqrt3A_97 = math.rsqrt %add3A_96 : vector<2048x1xf32>
    %mul3A_98 = vector.broadcast %rsqrt3A_97 : vector<2048x1xf32> to vector<2048x128xf32>
    %mul3A_99 = arith.mulf %sub3A_86, %mul3A_98 : vector<2048x128xf32>
    %mul3A_100 = vector.broadcast %get3A_75 : vector<1x128xf32> to vector<2048x128xf32>
    %mul3A_101 = arith.mulf %mul3A_99, %mul3A_100 : vector<2048x128xf32>
    %add3A_102 = vector.broadcast %get3A_78 : vector<1x128xf32> to vector<2048x128xf32>
    %add3A_103 = arith.addf %mul3A_101, %add3A_102 : vector<2048x128xf32>
    %get3A_104 = arith.constant 0 : index
    %get3A_105 = arith.constant 0 : index
    %get3A_106 = vector.load %arg11[%get3A_104, %get3A_105] : memref<128x32xf32, #tpu.memory_space<vmem>>, vector<128x32xf32>
    %dot_general3A_107 = arith.constant dense<0.000000e+00> : vector<2048x32xf32>
    %dot_general3A_108 = tpu.matmul %add3A_103, %get3A_106, %dot_general3A_107 {dimension_numbers = #tpu.dot_dimension_numbers<[1], [0], [0], [1], [0, 0, 1, 1], [], []>, precision = #tpu.contract_precision<fp32>, transpose_lhs_hint = false} : vector<2048x128xf32>, vector<128x32xf32>, vector<2048x32xf32> -> vector<2048x32xf32>
    %get3A_109 = arith.constant 0 : index
    %get3A_110 = arith.constant 0 : index
    %get3A_111 = vector.load %arg12[%get3A_109, %get3A_110] : memref<1x32xf32, #tpu.memory_space<vmem>>, vector<1x32xf32>
    %add3A_112 = vector.broadcast %get3A_111 : vector<1x32xf32> to vector<2048x32xf32>
    %add3A_113 = arith.addf %dot_general3A_108, %add3A_112 : vector<2048x32xf32>
    %max3A_114 = arith.constant 0.000000e+00 : f32
    %max3A_115 = vector.broadcast %max3A_114 : f32 to vector<2048x32xf32>
    %max3A_116 = arith.maximumf %add3A_113, %max3A_115 : vector<2048x32xf32>
    %get3A_117 = arith.constant 0 : index
    %get3A_118 = arith.constant 0 : index
    %get3A_119 = vector.load %arg13[%get3A_117, %get3A_118] : memref<8x32xf32, #tpu.memory_space<vmem>>, vector<8x32xf32>
    %slice3A = vector.extract_strided_slice %get3A_119 {offsets = [0, 0], sizes = [1, 32], strides = [1, 1]} : vector<8x32xf32> to vector<1x32xf32>
    %mul3A_120 = vector.broadcast %slice3A : vector<1x32xf32> to vector<2048x32xf32>
    %mul3A_121 = arith.mulf %max3A_116, %mul3A_120 : vector<2048x32xf32>
    %reduce_sum3A_122 = arith.constant dense<0.000000e+00> : vector<2048xf32>
    %reduce_sum3A_123 = vector.multi_reduction <add>, %mul3A_121, %reduce_sum3A_122 [1] : vector<2048x32xf32> to vector<2048xf32>
    %broadcast_in_dim3A_124 = vector.shape_cast %reduce_sum3A_123 : vector<2048xf32> to vector<2048x1xf32>
    %slice3A_125 = vector.extract_strided_slice %get3A_119 {offsets = [1, 0], sizes = [1, 32], strides = [1, 1]} : vector<8x32xf32> to vector<1x32xf32>
    %mul3A_126 = vector.broadcast %slice3A_125 : vector<1x32xf32> to vector<2048x32xf32>
    %mul3A_127 = arith.mulf %max3A_116, %mul3A_126 : vector<2048x32xf32>
    %reduce_sum3A_128 = arith.constant dense<0.000000e+00> : vector<2048xf32>
    %reduce_sum3A_129 = vector.multi_reduction <add>, %mul3A_127, %reduce_sum3A_128 [1] : vector<2048x32xf32> to vector<2048xf32>
    %broadcast_in_dim3A_130 = vector.shape_cast %reduce_sum3A_129 : vector<2048xf32> to vector<2048x1xf32>
    %slice3A_131 = vector.extract_strided_slice %get3A_119 {offsets = [2, 0], sizes = [1, 32], strides = [1, 1]} : vector<8x32xf32> to vector<1x32xf32>
    %mul3A_132 = vector.broadcast %slice3A_131 : vector<1x32xf32> to vector<2048x32xf32>
    %mul3A_133 = arith.mulf %max3A_116, %mul3A_132 : vector<2048x32xf32>
    %reduce_sum3A_134 = arith.constant dense<0.000000e+00> : vector<2048xf32>
    %reduce_sum3A_135 = vector.multi_reduction <add>, %mul3A_133, %reduce_sum3A_134 [1] : vector<2048x32xf32> to vector<2048xf32>
    %broadcast_in_dim3A_136 = vector.shape_cast %reduce_sum3A_135 : vector<2048xf32> to vector<2048x1xf32>
    %slice3A_137 = vector.extract_strided_slice %get3A_119 {offsets = [3, 0], sizes = [1, 32], strides = [1, 1]} : vector<8x32xf32> to vector<1x32xf32>
    %mul3A_138 = vector.broadcast %slice3A_137 : vector<1x32xf32> to vector<2048x32xf32>
    %mul3A_139 = arith.mulf %max3A_116, %mul3A_138 : vector<2048x32xf32>
    %reduce_sum3A_140 = arith.constant dense<0.000000e+00> : vector<2048xf32>
    %reduce_sum3A_141 = vector.multi_reduction <add>, %mul3A_139, %reduce_sum3A_140 [1] : vector<2048x32xf32> to vector<2048xf32>
    %broadcast_in_dim3A_142 = vector.shape_cast %reduce_sum3A_141 : vector<2048xf32> to vector<2048x1xf32>
    %slice3A_143 = vector.extract_strided_slice %get3A_119 {offsets = [4, 0], sizes = [1, 32], strides = [1, 1]} : vector<8x32xf32> to vector<1x32xf32>
    %mul3A_144 = vector.broadcast %slice3A_143 : vector<1x32xf32> to vector<2048x32xf32>
    %mul3A_145 = arith.mulf %max3A_116, %mul3A_144 : vector<2048x32xf32>
    %reduce_sum3A_146 = arith.constant dense<0.000000e+00> : vector<2048xf32>
    %reduce_sum3A_147 = vector.multi_reduction <add>, %mul3A_145, %reduce_sum3A_146 [1] : vector<2048x32xf32> to vector<2048xf32>
    %broadcast_in_dim3A_148 = vector.shape_cast %reduce_sum3A_147 : vector<2048xf32> to vector<2048x1xf32>
    %slice3A_149 = vector.extract_strided_slice %get3A_119 {offsets = [5, 0], sizes = [1, 32], strides = [1, 1]} : vector<8x32xf32> to vector<1x32xf32>
    %mul3A_150 = vector.broadcast %slice3A_149 : vector<1x32xf32> to vector<2048x32xf32>
    %mul3A_151 = arith.mulf %max3A_116, %mul3A_150 : vector<2048x32xf32>
    %reduce_sum3A_152 = arith.constant dense<0.000000e+00> : vector<2048xf32>
    %reduce_sum3A_153 = vector.multi_reduction <add>, %mul3A_151, %reduce_sum3A_152 [1] : vector<2048x32xf32> to vector<2048xf32>
    %broadcast_in_dim3A_154 = vector.shape_cast %reduce_sum3A_153 : vector<2048xf32> to vector<2048x1xf32>
    %slice3A_155 = vector.extract_strided_slice %get3A_119 {offsets = [6, 0], sizes = [1, 32], strides = [1, 1]} : vector<8x32xf32> to vector<1x32xf32>
    %mul3A_156 = vector.broadcast %slice3A_155 : vector<1x32xf32> to vector<2048x32xf32>
    %mul3A_157 = arith.mulf %max3A_116, %mul3A_156 : vector<2048x32xf32>
    %reduce_sum3A_158 = arith.constant dense<0.000000e+00> : vector<2048xf32>
    %reduce_sum3A_159 = vector.multi_reduction <add>, %mul3A_157, %reduce_sum3A_158 [1] : vector<2048x32xf32> to vector<2048xf32>
    %broadcast_in_dim3A_160 = vector.shape_cast %reduce_sum3A_159 : vector<2048xf32> to vector<2048x1xf32>
    %slice3A_161 = vector.extract_strided_slice %get3A_119 {offsets = [7, 0], sizes = [1, 32], strides = [1, 1]} : vector<8x32xf32> to vector<1x32xf32>
    %mul3A_162 = vector.broadcast %slice3A_161 : vector<1x32xf32> to vector<2048x32xf32>
    %mul3A_163 = arith.mulf %max3A_116, %mul3A_162 : vector<2048x32xf32>
    %reduce_sum3A_164 = arith.constant dense<0.000000e+00> : vector<2048xf32>
    %reduce_sum3A_165 = vector.multi_reduction <add>, %mul3A_163, %reduce_sum3A_164 [1] : vector<2048x32xf32> to vector<2048xf32>
    %broadcast_in_dim3A_166 = vector.shape_cast %reduce_sum3A_165 : vector<2048xf32> to vector<2048x1xf32>
    %concatenate3A_167 = tpu.concatenate %broadcast_in_dim3A_124, %broadcast_in_dim3A_130, %broadcast_in_dim3A_136, %broadcast_in_dim3A_142, %broadcast_in_dim3A_148, %broadcast_in_dim3A_154, %broadcast_in_dim3A_160, %broadcast_in_dim3A_166 in 1 : vector<2048x1xf32>, vector<2048x1xf32>, vector<2048x1xf32>, vector<2048x1xf32>, vector<2048x1xf32>, vector<2048x1xf32>, vector<2048x1xf32>, vector<2048x1xf32> -> vector<2048x8xf32>
    %get3A_168 = arith.constant 0 : index
    %get3A_169 = arith.constant 0 : index
    %get3A_170 = vector.load %arg14[%get3A_168, %get3A_169] : memref<1x8xf32, #tpu.memory_space<vmem>>, vector<1x8xf32>
    %add3A_171 = vector.broadcast %get3A_170 : vector<1x8xf32> to vector<2048x8xf32>
    %add3A_172 = arith.addf %concatenate3A_167, %add3A_171 : vector<2048x8xf32>
    %max3A_173 = arith.constant 0.000000e+00 : f32
    %max3A_174 = vector.broadcast %max3A_173 : f32 to vector<2048x8xf32>
    %max3A_175 = arith.maximumf %add3A_172, %max3A_174 : vector<2048x8xf32>
    %get3A_176 = arith.constant 0 : index
    %get3A_177 = arith.constant 0 : index
    %get3A_178 = vector.load %arg15[%get3A_176, %get3A_177] : memref<1x8xf32, #tpu.memory_space<vmem>>, vector<1x8xf32>
    %mul3A_179 = vector.broadcast %get3A_178 : vector<1x8xf32> to vector<2048x8xf32>
    %mul3A_180 = arith.mulf %max3A_175, %mul3A_179 : vector<2048x8xf32>
    %reduce_sum3A_181 = arith.constant dense<0.000000e+00> : vector<2048xf32>
    %reduce_sum3A_182 = vector.multi_reduction <add>, %mul3A_180, %reduce_sum3A_181 [1] : vector<2048x8xf32> to vector<2048xf32>
    %broadcast_in_dim3A_183 = vector.shape_cast %reduce_sum3A_182 : vector<2048xf32> to vector<2048x1xf32>
    %get3A_184 = arith.constant 0 : index
    %get3A_185 = arith.constant 0 : index
    %get3A_186 = vector.load %arg16[%get3A_184, %get3A_185] : memref<1x1xf32, #tpu.memory_space<vmem>>, vector<1x1xf32>
    %add3A_187 = vector.broadcast %get3A_186 : vector<1x1xf32> to vector<2048x1xf32>
    %add3A_188 = arith.addf %broadcast_in_dim3A_183, %add3A_187 : vector<2048x1xf32>
    %swap3A = arith.constant 0 : index
    %swap3A_189 = arith.constant 0 : index
    %swap3A_190 = vector.load %arg17[%swap3A, %swap3A_189] : memref<2048x1xf32, #tpu.memory_space<vmem>>, vector<2048x1xf32>
    tpu.vector_store %arg17[%swap3A, %swap3A_189], %add3A_188 {strides = array<i32>} : memref<2048x1xf32, #tpu.memory_space<vmem>>, vector<2048x1xf32>,
    return
  }
  func.func @transform_0(%arg0: i32) -> (i32, i32, i32) {
    %c0_i32 = arith.constant 0 : i32
    %c0_i32_0 = arith.constant 0 : i32
    %c0_i32_1 = arith.constant 0 : i32
    return %c0_i32, %arg0, %c0_i32_0 : i32, i32, i32
  }
  func.func @transform_1(%arg0: i32) -> (i32, i32, i32) {
    %c0_i32 = arith.constant 0 : i32
    %c0_i32_0 = arith.constant 0 : i32
    %c0_i32_1 = arith.constant 0 : i32
    return %c0_i32, %arg0, %c0_i32_0 : i32, i32, i32
  }
  func.func @transform_2(%arg0: i32) -> (i32, i32) {
    %c0_i32 = arith.constant 0 : i32
    %c0_i32_0 = arith.constant 0 : i32
    return %arg0, %c0_i32 : i32, i32
  }
  func.func @transform_3(%arg0: i32) -> (i32, i32) {
    %c0_i32 = arith.constant 0 : i32
    %c0_i32_0 = arith.constant 0 : i32
    %c0_i32_1 = arith.constant 0 : i32
    return %c0_i32, %c0_i32_0 : i32, i32
  }
  func.func @transform_4(%arg0: i32) -> (i32, i32) {
    %c0_i32 = arith.constant 0 : i32
    %c0_i32_0 = arith.constant 0 : i32
    %c0_i32_1 = arith.constant 0 : i32
    return %c0_i32, %c0_i32_0 : i32, i32
  }
  func.func @transform_5(%arg0: i32) -> (i32, i32) {
    %c0_i32 = arith.constant 0 : i32
    %c0_i32_0 = arith.constant 0 : i32
    %c0_i32_1 = arith.constant 0 : i32
    return %c0_i32, %c0_i32_0 : i32, i32
  }
  func.func @transform_6(%arg0: i32) -> (i32, i32) {
    %c0_i32 = arith.constant 0 : i32
    %c0_i32_0 = arith.constant 0 : i32
    %c0_i32_1 = arith.constant 0 : i32
    return %c0_i32, %c0_i32_0 : i32, i32
  }
  func.func @transform_7(%arg0: i32) -> (i32, i32) {
    %c0_i32 = arith.constant 0 : i32
    %c0_i32_0 = arith.constant 0 : i32
    %c0_i32_1 = arith.constant 0 : i32
    return %c0_i32, %c0_i32_0 : i32, i32
  }
  func.func @transform_8(%arg0: i32) -> (i32, i32) {
    %c0_i32 = arith.constant 0 : i32
    %c0_i32_0 = arith.constant 0 : i32
    %c0_i32_1 = arith.constant 0 : i32
    return %c0_i32, %c0_i32_0 : i32, i32
  }
  func.func @transform_9(%arg0: i32) -> (i32, i32) {
    %c0_i32 = arith.constant 0 : i32
    %c0_i32_0 = arith.constant 0 : i32
    %c0_i32_1 = arith.constant 0 : i32
    return %c0_i32, %c0_i32_0 : i32, i32
  }
  func.func @transform_10(%arg0: i32) -> (i32, i32) {
    %c0_i32 = arith.constant 0 : i32
    %c0_i32_0 = arith.constant 0 : i32
    %c0_i32_1 = arith.constant 0 : i32
    return %c0_i32, %c0_i32_0 : i32, i32
  }
  func.func @transform_11(%arg0: i32) -> (i32, i32) {
    %c0_i32 = arith.constant 0 : i32
    %c0_i32_0 = arith.constant 0 : i32
    %c0_i32_1 = arith.constant 0 : i32
    return %c0_i32, %c0_i32_0 : i32, i32
  }
  func.func @transform_12(%arg0: i32) -> (i32, i32) {
    %c0_i32 = arith.constant 0 : i32
    %c0_i32_0 = arith.constant 0 : i32
    %c0_i32_1 = arith.constant 0 : i32
    return %c0_i32, %c0_i32_0 : i32, i32
  }
  func.func @transform_13(%arg0: i32) -> (i32, i32) {
    %c0_i32 = arith.constant 0 : i32
    %c0_i32_0 = arith.constant 0 : i32
    %c0_i32_1 = arith.constant 0 : i32
    return %c0_i32, %c0_i32_0 : i32, i32
  }
  func.func @transform_14(%arg0: i32) -> (i32, i32) {
    %c0_i32 = arith.constant 0 : i32
    %c0_i32_0 = arith.constant 0 : i32
    %c0_i32_1 = arith.constant 0 : i32
    return %c0_i32, %c0_i32_0 : i32, i32
  }
  func.func @transform_15(%arg0: i32) -> (i32, i32) {
    %c0_i32 = arith.constant 0 : i32
    %c0_i32_0 = arith.constant 0 : i32
    %c0_i32_1 = arith.constant 0 : i32
    return %c0_i32, %c0_i32_0 : i32, i32
  }
  func.func @transform_16(%arg0: i32) -> (i32, i32) {
    %c0_i32 = arith.constant 0 : i32
    %c0_i32_0 = arith.constant 0 : i32
    return %arg0, %c0_i32 : i32, i32
  }
}

</mosaic_0001>

<sc_bundles>
// kernel: kernel.11.cloned.1.call-start
scs
__scs_entry_jumppad:
0x0: {  	(pc) =	sbr.rel $0x88, $3  }
0x1: {  	(tag) =	ssettag $0x0;
	lr =	simm.s32 $0x1  }
0x2: {  	[smem:$0x3F8B] =	sst lr;
	_ =	strace $0xD0000000  }
0x3: {  	_ = 	snop  }
0x4: {  	_ = 	snop  }
0x5: {  	_ = 	snop  }
0x6: {  	_ = 	snop  }
0x7: {  	_ = 	snop  }
__scs_overlays_trampoline_lowered:
0x8: {  	[smem:$0x3F9A] =	sst s0  }
0x9: {  	[smem:$0x3F9B] =	sst s1  }
0xa: {  	[smem:$0x3F9C] =	sst s2  }
0xb: {  	[smem:$0x3F9D] =	sst s3  }
0xc: {  	[smem:$0x3F9E] =	sst s4  }
0xd: {  	[smem:$0x3F9F] =	sst s5  }
0xe: {  	[smem:$0x3FA0] =	sst s6  }
0xf: {  	[smem:$0x3FA1] =	sst s7  }
0x10: {  	[smem:$0x3FA2] =	sst s8  }
0x11: {  	[smem:$0x3FA3] =	sst s9;
	s0 =	simm.s32 @!p0 $0x0  }
0x12: {  	s1 =	sld [smem:$0x3F89];
	s0 =	simm.s32 @p0 $0x1  }
0x13: {  	[smem:$0x3FA4] =	sst s0;
	s0 =	simm.s32 @!p1 $0x0  }
0x14: {  	s2 =	sld [smem:$0x3F88];
	s0 =	simm.s32 @p1 $0x1  }
0x15: {  	[smem:$0x3FA5] =	sst s0;
	s0 =	simm.s32 @!p2 $0x0  }
0x16: {  	s3 =	sld [smem:$0x3FDB];
	s0 =	simm.s32 @p2 $0x1  }
0x17: {  	s4 =	simm.s32 $0x1BF5;
	[smem:$0x3FA7] =	sst s0  }
0x18: {  	s0 =	sld [smem:$0x3F8A];
	_ =	swait.ge [sflag:s4], $0x0  }
0x19: {  	s7 =	sld [smem:$0x3F8B]  }
0x1a: {  	s8 =	sadd.s32 $0xFFFFE003, lr  }
0x1b: {  	s9 =	sadd.s32 $0xFFFFFEF7, lr;
	s5 =	simm.s32 $0xFFFFFFFF;
	p2 =	slt.u32 s8, $0xFFFFF086  }
0x1c: {  	p1 =	slt.u32 s9, $0xF7A;
	s5 =	simm.s32 @!p2 $0x0  }
0x1d: {  	s5 =	simm.s32 @p1 $0x1;
	p0 =	seq.s32 s7, s2  }
0x1e: {  	s7 =	smul.u32 @!p0 $0xF7A, s2;
	p2 =	seq.s32 @!p0 s5, $0x0  }
0x1f: {  	s9 =	smul.u32 $0xF7A, s1;
	s8 =	simm.s32 @!p0 $0x1BF5;
	p2 =	por !p2, p0  }
0x20: {  	[sflag:s8] =	ssyncset.s32 @!p0 $0xFFFFF086;
	s6 =	sadd.s32 @!p0 s3, s7;
	s7 =	simm.s32 @!p0 $0x108  }
0x21: {  	s3 =	sadd.s32 s3, s9;
	s6 =	sadd.s32 @!p0 $0x88, s6;
	s7 =	simm.s32 @p2 $0x1082  }
0x22: {  	[simem:s7], [sflag:s8] =	dma.local @!p0 [hbm:s6], $0xF7A  }
0x23: {  	s9 =	sor.u32 $0xD0000000, s2;
	s6 =	simm.s32 $0x108;
	_ =	swait.ge @!p0 [sflag:s8], $0x0  }
0x24: {  	s3 =	sadd.s32 $0x88, s3;
	s6 =	simm.s32 @!p1 $0x1082;
	[sflag:s4] =	ssyncset.s32 $0xFFFFF086  }
0x25: {  	[simem:s6], [sflag:s4] =	dma.local [hbm:s3], $0xF7A  }
0x26: {  	[smem:$0x3F8B] =	sst s1;
	(tag) =	ssettag s2;
	_ =	strace s9  }
0x27: {  	s1 =	sld [smem:$0x3F9B]  }
0x28: {  	s2 =	sld [smem:$0x3F9C]  }
0x29: {  	s4 =	sld [smem:$0x3F9E]  }
0x2a: {  	p0 =	seq.s32 s5, $0x0;
	s5 =	sld [smem:$0x3F9F]  }
0x2b: {  	s6 =	sld [smem:$0x3FA0]  }
0x2c: {  	s7 =	sld [smem:$0x3FA1]  }
0x2d: {  	s3 =	simm.s32 $0x108;
	s8 =	sld [smem:$0x3FA2]  }
0x2e: {  	s3 =	simm.s32 @!p0 $0x1082;
	s9 =	sld [smem:$0x3FA3]  }
0x2f: {  	lr =	sadd.s32 s0, s3;
	s0 =	sld [smem:$0x3F9A]  }
0x30: {  	s3 =	sld [smem:$0x3F9D]  }
0x31: {  	[smem:$0x3FA6] =	sst s10  }
0x32: {  	s10 =	sld [smem:$0x3FA4];
	_ =	sdelay $0x3  }
0x33: {  	p0 =	seq.s32 s10, $0x1;
	s10 =	sld [smem:$0x3FA6];
	_ =	sdelay $0x3  }
0x34: {  	[smem:$0x3FA6] =	sst s10  }
0x35: {  	s10 =	sld [smem:$0x3FA5];
	_ =	sdelay $0x3  }
0x36: {  	p1 =	seq.s32 s10, $0x1;
	s10 =	sld [smem:$0x3FA6];
	_ =	sdelay $0x3  }
0x37: {  	[smem:$0x3FA6] =	sst s10  }
0x38: {  	s10 =	sld [smem:$0x3FA7]  }
0x39: {  	_ = 	snop;
	(pc) =	sbr.ind lr, $3  }
0x3a: {  	_ = 	snop  }
0x3b: {  	_ = 	snop  }
0x3c: {  	p2 =	seq.s32 s10, $0x1;
	s10 =	sld [smem:$0x3FA6]  }
0x3d: {  	_ =	shalt  }
0x3e: {  	_ =	shalt  }
0x3f: {  	_ =	shalt  }
0x40: {  	_ =	shalt  }
0x41: {  	_ =	shalt  }
0x42: {  	_ =	shalt  }
0x43: {  	_ =	shalt  }
0x44: {  	_ =	shalt  }
0x45: {  	_ =	shalt  }
0x46: {  	_ =	shalt  }
0x47: {  	_ =	shalt  }
0x48: {  	_ =	shalt  }
0x49: {  	_ =	shalt  }
0x4a: {  	_ =	shalt  }
0x4b: {  	_ =	shalt  }
0x4c: {  	_ =	shalt  }
0x4d: {  	_ =	shalt  }
0x4e: {  	_ =	shalt  }
0x4f: {  	_ =	shalt  }
0x50: {  	_ =	shalt  }
0x51: {  	_ =	shalt  }
0x52: {  	_ =	shalt  }
0x53: {  	_ =	shalt  }
0x54: {  	_ =	shalt  }
0x55: {  	_ =	shalt  }
0x56: {  	_ =	shalt  }
0x57: {  	_ =	shalt  }
0x58: {  	_ =	shalt  }
0x59: {  	_ =	shalt  }
0x5a: {  	_ =	shalt  }
0x5b: {  	_ =	shalt  }
0x5c: {  	_ =	shalt  }
0x5d: {  	_ =	shalt  }
0x5e: {  	_ =	shalt  }
0x5f: {  	_ =	shalt  }
0x60: {  	_ =	shalt  }
0x61: {  	_ =	shalt  }
0x62: {  	_ =	shalt  }
0x63: {  	_ =	shalt  }
0x64: {  	_ =	shalt  }
0x65: {  	_ =	shalt  }
0x66: {  	_ =	shalt  }
0x67: {  	_ =	shalt  }
0x68: {  	_ =	shalt  }
0x69: {  	_ =	shalt  }
0x6a: {  	_ =	shalt  }
0x6b: {  	_ =	shalt  }
0x6c: {  	_ =	shalt  }
0x6d: {  	_ =	shalt  }
0x6e: {  	_ =	shalt  }
0x6f: {  	_ =	shalt  }
0x70: {  	_ =	shalt  }
0x71: {  	_ =	shalt  }
0x72: {  	_ =	shalt  }
0x73: {  	_ =	shalt  }
0x74: {  	_ =	shalt  }
0x75: {  	_ =	shalt  }
0x76: {  	_ =	shalt  }
0x77: {  	_ =	shalt  }
0x78: {  	_ =	shalt  }
0x79: {  	_ =	shalt  }
0x7a: {  	_ =	shalt  }
0x7b: {  	_ =	shalt  }
0x7c: {  	_ =	shalt  }
0x7d: {  	_ =	shalt  }
0x7e: {  	_ =	shalt  }
0x7f: {  	_ =	shalt  }
0x80: {  	_ =	shalt  }
0x81: {  	_ =	shalt  }
0x82: {  	_ =	shalt  }
0x83: {  	_ =	shalt  }
0x84: {  	_ =	shalt  }
0x85: {  	_ =	shalt  }
0x86: {  	_ =	shalt  }
0x87: {  	_ =	shalt  }
.Lfunc_end0:
.L_simem_size_0:
called_computation.1_lowered:
.L_overlay_start_0:
0x88: {  	s2 =	sld [smem:$0x3FD9]  }
0x89: {  	s3 =	sld [smem:$0x3FFE];
	_ =	sdelay $0x1  }
0x8a: {  	s1 =	srdreg.scid  }
0x8b: {  	s0 =	sand.u32 $0x1, s1  }
0x8c: {  	s16 =	sshll.u32 s0, $0xA;
	s2 =	sadd.s32 s3, s2  }
0x8d: {  	s2 =	sadd.s32 s2, s16  }
0x8e: {  	[smem:$0x3FB2] =	sst s2  }
0x8f: {  	_ = 	snop  }
0x90: {  	(tm) =	ssettm $0x1  }
0x91: {  	s17 =	sld [smem:$0x3FFB];
	_ =	sdelay $0x3  }
0x92: {  	_ =	strace s17  }
0x93: {  	s2 =	sld [smem:$0x3FFC];
	_ =	sdelay $0x3  }
0x94: {  	_ =	strace s2  }
0x95: {  	s2 =	sld [smem:$0x3FFD];
	_ =	sdelay $0x3  }
0x96: {  	_ =	strace s2  }
0x97: {  	_ =	strace $0x8FFFFFFF  }
0x98: {  	s18 =	sld [smem:$0x3FDB];
	_ =	sdelay $0x1  }
0x99: {  	s19 =	simm.s32 $_scs_section_size  }
0x9a: {  	s4 =	simm.s32 $_size__tile_overlayer_lowered;
	s5 =	simm.s32 $_tile_overlayer_lowered  }
0x9b: {  	s22 =	simm.s32 $0x1BFF;
	s21 =	sshll.u32 s5, $0x1;
	s2 =	sadd.s32 s19, s18  }
0x9c: {  	s6 =	simm.s32 $0x0;
	s20 =	sshll.u32 s4, $0x1;
	s4 =	sadd.s32 s21, s2  }
0x9d: {  	[timem:s6], [sflag:s22] =	dma.local [hbm:s4], s20  }
0x9e: {  	_ =	swait.ge [sflag:s22], s20  }
0x9f: {  	s3 =	ssub.s32 $0x0, s20;
	[sflag:s22] =	ssyncset.done $0x0  }
0xa0: {  	[sflag:s22] =	ssyncadd.s32 s3;
	_ =	sdelay $0x1  }
0xa1: {  	s23 =	simm.s32 $0x1B8B  }
0xa2: {  	_ =	swait.ge [sflag:s23], $0x1  }
0xa3: {  	[sflag:s23] =	ssyncset.done $0x0  }
0xa4: {  	s25 =	simm.s32 $0x1B8E;
	s24 =	sld [smem:$0x3FFE];
	[sflag:s23] =	ssyncadd.s32 $0xFFFFFFFF  }
0xa5: {  	s26 =	simm.s32 $execute0_lowered;
	[smem:$0x3FD2] =	sst s25  }
0xa6: {  	s4 =	sshll.u32 s26, $0x1;
	_ =	strace $0x80000049;
	[dreg:$0x1] =	wrdreg $0xFFFFFFFF  }
0xa7: {  	s28 =	simm.s32 $_size_execute0_lowered;
	s2 =	sadd.s32 s2, s4;
	[dreg:$0x0] =	wrdreg $0x0  }
0xa8: {  	s4 =	sshll.u32 s28, $0x1;
	[dreg:$0x2] =	wrdreg s2  }
0xa9: {  	[dreg:$0x3] =	wrdreg s4  }
0xaa: {  	[dreg:$0x4] =	wrdreg $0xC0  }
0xab: {  	_ =	task [dreg:s6], $0x5FFFF  }
0xac: {  	[dreg:$0x1] =	wrdreg $0xFFFFFFFF  }
0xad: {  	[dreg:$0x0] =	wrdreg $0x60  }
0xae: {  	[dreg:$0x2] =	wrdreg s24  }
0xaf: {  	[dreg:$0x3] =	wrdreg $0xC4400  }
0xb0: {  	[dreg:$0x4] =	wrdreg $0x9  }
0xb1: {  	_ =	task.clear_ibuf [dreg:s6], $0x5FFFF;
	_ =	strace $0x90000049  }
0xb2: {  	s29 =	simm.s32 $0x9;
	_ =	strace $0x8000004B  }
0xb3: {  	_ =	swait.ge [sflag:s29], $0x1  }
0xb4: {  	[sflag:s29] =	ssyncadd.s32 $0xFFFFFFFF  }
0xb5: {  	_ =	strace $0x9000004B  }
0xb6: {  	_ =	sfence  }
0xb7: {  	s30 =	sld [smem:$0x0];
	_ =	sdelay $0x2  }
0xb8: {  	s31 =	sshll.u32 s1, $0xD;
	s1 =	sshrl.u32 s1, $0x2  }
0xb9: {  	s3 =	sand.u32 $0x4000, s31;
	s1 =	sadd.s32 s1, s30  }
0xba: {  	s0 =	sor.u32 s3, s0;
	s1 =	sshll.u32 s1, $0x11  }
0xbb: {  	s0 =	sor.u32 s1, s0  }
0xbc: {  	s0 =	sadd.s32 $0x8F2B, s0  }
0xbd: {  	[sflag:s0] =	ssyncadd.remote.s32 $0x1  }
0xbe: {  	_ =	sfence.sel $0xFFFF  }
0xbf: {  	[dreg:$0x0] =	wrdreg $0xFFFFFFFF;
	(pc) =	sbr.abs _section_cstart, $3  }
0xc0: {  	[dreg:$0x1] =	wrdreg $0xFFFFFFFF  }
0xc1: {  	_ =	task.clear_ibuf [dreg:s6], $0x2FFFF;
	_ =	strace $0x9FFFFFFF  }
0xc2: {  	(tm) =	ssettm $0x7FFFFFFF  }
0xc3: {  	_ =	shalt  }
tec
execute0_lowered:
.L_overlay_start_1:
0x0: {  	(tag) =	ssettag $0x1  }
0x1: {  	s4 =	rddreg [dreg:$0x0];
	s0 =	srdreg.scid  }
0x2: {  	s2 =	rddreg [dreg:$0x1];
	s29 =	stileid.u32;
	s3 =	simm.s32 $0x0  }
0x3: {  	s17 =	simm.s32 $0x9C40;
	s18 =	simm.s32 $0x3;
	s19 =	simm.s32 $0x4E20  }
0x4: {  	s20 =	simm.s32 $0x50;
	s21 =	simm.s32 $0xB040;
	s22 =	simm.s32 $0x1  }
0x5: {  	s23 =	simm.s32 $0x2;
	s24 =	simm.s32 $0x4DD0;
	s7 =	smul.u32 $0x9C4, s29  }
0x6: {  	s25 =	simm.s32 $0x9BA0;
	s26 =	simm.s32 $0x9BF0;
	s9 =	smul.u32 $0xA000, s29  }
0x7: {  	s28 =	simm.s32 $0x0;
	s5 =	sand.u32 $0x1, s0;
	s30 =	smul.u32 $0x28000, s29  }
0x8: {  	[smem:$0x7FF] =	sst s3;
	s6 =	smul.u32 $0xA0000, s5;
	s5 =	ssub.s32 $0x2, s5  }
0x9: {  	_ =	strace $0x8000004A;
	s13 =	sadd.s32 s7, s4;
	s31 =	sshrl.u32 s5, $0x1  }
0xa: {  	s8 =	sshrl.u32 s6, $0x3;
	s6 =	sadd.s32 s9, s6;
	s16 =	ssub.s32 s5, s31  }
0xb: {  	s12 =	sadd.s32 $0x3000, s13;
	s13 =	sadd.s32 $0xCE00, s13;
	s14 =	sadd.s32 s8, s4  }
0xc: {  	s6 =	sshrl.u32 s6, $0x3;
	s8 =	sshrl.u32 s30, $0x2;
	s16 =	smax.u32 s16, $0x1  }
0xd: {  	s15 =	sadd.s32 s6, s4;
	s11 =	sadd.s32 s8, s2;
	s4 =	sadd.s32 s9, s2  }
0xe: {  	s14 =	sadd.s32 $0x8EC00, s14;
	s5 =	sadd.s32 $0x1400, s11;
	s6 =	sadd.s32 $0x2800, s11  }
0xf: {  	s7 =	sadd.s32 $0x3C00, s11;
	s8 =	sadd.s32 $0x5000, s11;
	s9 =	sadd.s32 $0x6400, s11  }
0x10: {  	v0 =	vimm.f32 $0.0e+00;
	s10 =	sadd.s32 $0x7800, s11;
	s11 =	sadd.s32 $0x8C00, s11;
	s15 =	sadd.s32 $0xB6C00, s15  }
.LBB2_1:
0x11: {  	s29 =	sand.u32 $0x7F00, s3  }
0x12: {  	s30 =	sand.u32 $0x30, s3;
	s31 =	sshrl.u32 s29, $0x2  }
0x13: {  	s29 =	simm.s32 $0x40;
	s31 =	sor.u32 s30, s31;
	s30 =	simm.s32 $0x0  }
.LBB2_2:
0x14: {  	p0 =	sne.s32 s29, $0x4FC0  }
0x15: {  	[tilespmem:s31+$0x9C40] =	vst v0;
	s30 =	sadd.s32 $0x10, s30;
	s31 =	smov.u32 s29;
	s29 =	sadd.s32 $0x40, s29  }
.Ltmp0:
0x16: {  	(pc) =	sbr.rel @p0 .LBB2_2-.Ltmp0, $4  }
0x17: {  	_ = 	snop  }
0x18: {  	s31 =	sand.u32 $0x7F00, s31  }
0x19: {  	s0 =	sand.u32 $0x30, s30;
	s31 =	sshrl.u32 s31, $0x2  }
0x1a: {  	s31 =	sor.u32 s0, s31  }
0x1b: {  	[tilespmem:s31+$0x9C40] =	vst v0  }
0x1c: {  	[spmem:s4] =	stream.linear.scatter [tilespmem:s17], [sflag:$0x3], $0x1400, $0x38;
	[tilespmem:$0x16440] =	vst v63  }
0x1d: {  	_ =	swait.ge [sflag:s18], $0x1400  }
0x1e: {  	[sflag:s18] =	ssyncset.done $0x0  }
0x1f: {  	[sflag:s18] =	ssyncadd.s32 $0xFFFFEC00  }
0x20: {  	[spmem:s5] =	stream.linear.scatter [tilespmem:s17], [sflag:$0x3], $0x1400, $0x38;
	[tilespmem:$0x16440] =	vst v63  }
0x21: {  	_ =	swait.ge [sflag:s18], $0x1400  }
0x22: {  	[sflag:s18] =	ssyncset.done $0x0  }
0x23: {  	[sflag:s18] =	ssyncadd.s32 $0xFFFFEC00  }
0x24: {  	[spmem:s6] =	stream.linear.scatter [tilespmem:s17], [sflag:$0x3], $0x1400, $0x38;
	[tilespmem:$0x16440] =	vst v63  }
0x25: {  	_ =	swait.ge [sflag:s18], $0x1400  }
0x26: {  	[sflag:s18] =	ssyncset.done $0x0  }
0x27: {  	[sflag:s18] =	ssyncadd.s32 $0xFFFFEC00  }
0x28: {  	[spmem:s7] =	stream.linear.scatter [tilespmem:s17], [sflag:$0x3], $0x1400, $0x38;
	[tilespmem:$0x16440] =	vst v63  }
0x29: {  	_ =	swait.ge [sflag:s18], $0x1400  }
0x2a: {  	[sflag:s18] =	ssyncset.done $0x0  }
0x2b: {  	[sflag:s18] =	ssyncadd.s32 $0xFFFFEC00  }
0x2c: {  	[spmem:s8] =	stream.linear.scatter [tilespmem:s17], [sflag:$0x3], $0x1400, $0x38;
	[tilespmem:$0x16440] =	vst v63  }
0x2d: {  	_ =	swait.ge [sflag:s18], $0x1400  }
0x2e: {  	[sflag:s18] =	ssyncset.done $0x0  }
0x2f: {  	[sflag:s18] =	ssyncadd.s32 $0xFFFFEC00  }
0x30: {  	[spmem:s9] =	stream.linear.scatter [tilespmem:s17], [sflag:$0x3], $0x1400, $0x38;
	[tilespmem:$0x16440] =	vst v63  }
0x31: {  	_ =	swait.ge [sflag:s18], $0x1400  }
0x32: {  	[sflag:s18] =	ssyncset.done $0x0  }
0x33: {  	[sflag:s18] =	ssyncadd.s32 $0xFFFFEC00  }
0x34: {  	[spmem:s10] =	stream.linear.scatter [tilespmem:s17], [sflag:$0x3], $0x1400, $0x38;
	[tilespmem:$0x16440] =	vst v63  }
0x35: {  	_ =	swait.ge [sflag:s18], $0x1400  }
0x36: {  	[sflag:s18] =	ssyncset.done $0x0  }
0x37: {  	[sflag:s18] =	ssyncadd.s32 $0xFFFFEC00  }
0x38: {  	[spmem:s11] =	stream.linear.scatter [tilespmem:s17], [sflag:$0x3], $0x1400, $0x38;
	[tilespmem:$0x16440] =	vst v63  }
0x39: {  	_ =	swait.ge [sflag:s18], $0x1400  }
0x3a: {  	[sflag:s18] =	ssyncset.done $0x0  }
0x3b: {  	s0 =	simm.s32 $0x0;
	[sflag:s18] =	ssyncadd.s32 $0xFFFFEC00  }
0x3c: {  	[tilespmem:s0], [sflag:$0x3] =	stream.linear.gather [hbm4b:s12+s0], $0x4E20, $0x38;
	[tilespmem:$0x16440] =	vst v63  }
0x3d: {  	_ =	swait.ge [sflag:s18], $0x4E20  }
0x3e: {  	[sflag:s18] =	ssyncset.done $0x0  }
0x3f: {  	[sflag:s18] =	ssyncadd.s32 $0xFFFFB1E0  }
0x40: {  	[tilespmem:s19], [sflag:$0x3] =	stream.linear.gather [hbm4b:s13+s0], $0x4E20, $0x38;
	[tilespmem:$0x16440] =	vst v63  }
0x41: {  	_ =	swait.ge [sflag:s18], $0x4E20  }
0x42: {  	[sflag:s18] =	ssyncset.done $0x0  }
0x43: {  	[sflag:s18] =	ssyncadd.s32 $0xFFFFB1E0  }
0x44: {  	[bflag:$0x0] =	sbarrier.arrive $0xFFFF  }
0x45: {  	[tilespmem:s17], [sflag:$0x1] =	stream.indirect.gather [hbm4b:s14+s20], $0x40, s0, s20, $0xb8;
	[tilespmem:$0x16440] =	vst v63  }
0x46: {  	s1 =	simm.s32 $0x50  }
0x47: {  	[tilespmem:s21], [sflag:$0x2] =	stream.indirect.gather [hbm4b:s14+s20], $0x40, s1, s20, $0xb8;
	[tilespmem:$0x16440] =	vst v63  }
0x48: {  	_ =	swait.ge [sflag:s22], $0x1400  }
0x49: {  	[sflag:s22] =	ssyncset.done $0x0  }
0x4a: {  	s31 =	simm.s32 $0x4E20;
	[sflag:s22] =	ssyncadd.s32 $0xFFFFEC00  }
0x4b: {  	[spmem:s2] =	stream.indirect.scatter.add.f32 [tilespmem:s17], [sflag:$0x3], $0x40, s31, s20, $0xb8;
	[tilespmem:$0x16440] =	vst v63  }
0x4c: {  	_ =	swait.ge [sflag:s18], $0x1400  }
0x4d: {  	[sflag:s18] =	ssyncset.done $0x0  }
0x4e: {  	s1 =	simm.s32 $0xA0;
	[sflag:s18] =	ssyncadd.s32 $0xFFFFEC00  }
0x4f: {  	[tilespmem:s17], [sflag:$0x1] =	stream.indirect.gather [hbm4b:s14+s20], $0x40, s1, s20, $0xb8;
	[tilespmem:$0x16440] =	vst v63  }
0x50: {  	_ =	swait.ge [sflag:s23], $0x1400  }
0x51: {  	[sflag:s23] =	ssyncset.done $0x0  }
0x52: {  	s31 =	simm.s32 $0x4E70;
	[sflag:s23] =	ssyncadd.s32 $0xFFFFEC00  }
0x53: {  	[spmem:s2] =	stream.indirect.scatter.add.f32 [tilespmem:s21], [sflag:$0x3], $0x40, s31, s20, $0xb8;
	[tilespmem:$0x16440] =	vst v63  }
0x54: {  	_ =	swait.ge [sflag:s18], $0x1400  }
0x55: {  	s30 =	simm.s32 $0x500;
	s29 =	simm.s32 $0xA0;
	[sflag:s18] =	ssyncset.done $0x0  }
.LBB2_4:
0x56: {  	s0 =	sadd.s32 $0x50, s29  }
0x57: {  	[sflag:s18] =	ssyncadd.s32 $0xFFFFEC00;
	s31 =	smov.u32 s30;
	s1 =	sadd.s32 $0x280, s30  }
0x58: {  	[tilespmem:s21], [sflag:$0x2] =	stream.indirect.gather [hbm4b:s14+s20], $0x40, s0, s20, $0xb8;
	[tilespmem:$0x16440] =	vst v63  }
0x59: {  	p0 =	sne.s32 s30, $0x13380;
	_ =	swait.ge [sflag:s22], $0x1400  }
0x5a: {  	[sflag:s22] =	ssyncset.done $0x0  }
0x5b: {  	s0 =	sadd.s32 $0x4E20, s29;
	[sflag:s22] =	ssyncadd.s32 $0xFFFFEC00  }
0x5c: {  	[spmem:s2] =	stream.indirect.scatter.add.f32 [tilespmem:s17], [sflag:$0x3], $0x40, s0, s20, $0xb8;
	[tilespmem:$0x16440] =	vst v63  }
0x5d: {  	_ =	swait.ge [sflag:s18], $0x1400  }
0x5e: {  	[sflag:s18] =	ssyncset.done $0x0  }
0x5f: {  	s0 =	sadd.s32 $0xA0, s29;
	[sflag:s18] =	ssyncadd.s32 $0xFFFFEC00  }
0x60: {  	[tilespmem:s17], [sflag:$0x1] =	stream.indirect.gather [hbm4b:s14+s20], $0x40, s0, s20, $0xb8;
	[tilespmem:$0x16440] =	vst v63  }
0x61: {  	_ =	swait.ge [sflag:s23], $0x1400  }
.Ltmp1:
0x62: {  	[sflag:s23] =	ssyncset.done $0x0;
	(pc) =	sbr.rel @p0 .LBB2_4-.Ltmp1, $4  }
0x63: {  	s0 =	sadd.s32 $0x4E70, s29;
	[sflag:s23] =	ssyncadd.s32 $0xFFFFEC00  }
0x64: {  	[spmem:s2] =	stream.indirect.scatter.add.f32 [tilespmem:s21], [sflag:$0x3], $0x40, s0, s20, $0xb8;
	[tilespmem:$0x16440] =	vst v63  }
0x65: {  	_ =	swait.ge [sflag:s18], $0x1400  }
0x66: {  	s30 =	smov.u32 s1;
	s29 =	sshra.s32 s31, $0x2;
	[sflag:s18] =	ssyncset.done $0x0  }
0x67: {  	s0 =	sadd.s32 $0x50, s29;
	[sflag:s18] =	ssyncadd.s32 $0xFFFFEC00  }
0x68: {  	[tilespmem:s21], [sflag:$0x2] =	stream.indirect.gather [hbm4b:s14+s20], $0x40, s0, s20, $0xb8;
	[tilespmem:$0x16440] =	vst v63  }
0x69: {  	_ =	swait.ge [sflag:s22], $0x1400  }
0x6a: {  	[sflag:s22] =	ssyncset.done $0x0  }
0x6b: {  	s31 =	sadd.s32 $0x4E20, s29;
	[sflag:s22] =	ssyncadd.s32 $0xFFFFEC00  }
0x6c: {  	[spmem:s2] =	stream.indirect.scatter.add.f32 [tilespmem:s17], [sflag:$0x3], $0x40, s31, s20, $0xb8;
	[tilespmem:$0x16440] =	vst v63  }
0x6d: {  	_ =	swait.ge [sflag:s18], $0x1400  }
0x6e: {  	[sflag:s18] =	ssyncset.done $0x0  }
0x6f: {  	s1 =	sadd.s32 $0xA0, s29;
	[sflag:s18] =	ssyncadd.s32 $0xFFFFEC00  }
0x70: {  	[tilespmem:s17], [sflag:$0x1] =	stream.indirect.gather [hbm4b:s14+s20], $0x40, s1, s20, $0xb8;
	[tilespmem:$0x16440] =	vst v63  }
0x71: {  	_ =	swait.ge [sflag:s23], $0x1400  }
0x72: {  	[sflag:s23] =	ssyncset.done $0x0  }
0x73: {  	s30 =	sadd.s32 $0x4E70, s29;
	[sflag:s23] =	ssyncadd.s32 $0xFFFFEC00  }
0x74: {  	[spmem:s2] =	stream.indirect.scatter.add.f32 [tilespmem:s21], [sflag:$0x3], $0x40, s30, s20, $0xb8;
	[tilespmem:$0x16440] =	vst v63  }
0x75: {  	_ =	swait.ge [sflag:s18], $0x1400  }
0x76: {  	[sflag:s18] =	ssyncset.done $0x0  }
0x77: {  	[sflag:s18] =	ssyncadd.s32 $0xFFFFEC00  }
0x78: {  	[tilespmem:s21], [sflag:$0x2] =	stream.indirect.gather [hbm4b:s14+s20], $0x40, s24, s20, $0xb8;
	[tilespmem:$0x16440] =	vst v63  }
0x79: {  	_ =	swait.ge [sflag:s22], $0x1400  }
0x7a: {  	[sflag:s22] =	ssyncset.done $0x0  }
0x7b: {  	[sflag:s22] =	ssyncadd.s32 $0xFFFFEC00  }
0x7c: {  	[spmem:s2] =	stream.indirect.scatter.add.f32 [tilespmem:s17], [sflag:$0x3], $0x40, s25, s20, $0xb8;
	[tilespmem:$0x16440] =	vst v63  }
0x7d: {  	_ =	swait.ge [sflag:s18], $0x1400  }
0x7e: {  	[sflag:s18] =	ssyncset.done $0x0  }
0x7f: {  	[sflag:s18] =	ssyncadd.s32 $0xFFFFEC00  }
0x80: {  	_ =	swait.ge [sflag:s23], $0x1400  }
0x81: {  	[sflag:s23] =	ssyncset.done $0x0  }
0x82: {  	[sflag:s23] =	ssyncadd.s32 $0xFFFFEC00  }
0x83: {  	[spmem:s2] =	stream.indirect.scatter.add.f32 [tilespmem:s21], [sflag:$0x3], $0x40, s26, s20, $0xb8;
	[tilespmem:$0x16440] =	vst v63  }
0x84: {  	s31 =	stileid.u32;
	_ =	swait.ge [sflag:s18], $0x1400  }
0x85: {  	s28 =	sadd.s32 $0x1, s28;
	s0 =	sshll.u32 s31, $0x6;
	[sflag:s18] =	ssyncset.done $0x0  }
0x86: {  	p0 =	sne.s32 s28, s16;
	s0 =	sor.u32 $0x1C03, s0;
	[sflag:s18] =	ssyncadd.s32 $0xFFFFEC00  }
.Ltmp2:
0x87: {  	s1 =	sshrl.u32 s4, $0x3;
	[bflag:$0x0] =	sbarrier.arrive $0xFFFF;
	(pc) =	sbr.rel @p0 .LBB2_1-.Ltmp2, $4  }
0x88: {  	[hbm:s15], [sflag:s0] =	dma.local [spmem:s1], $0x1400  }
0x89: {  	_ =	swait.ge [sflag:s18], $0x1400  }
0x8a: {  	[sflag:s18] =	ssyncset.done $0x0  }
0x8b: {  	[sflag:s18] =	ssyncadd.s32 $0xFFFFEC00  }
0x8c: {  	_ =	sfence.sel $0x180000  }
0x8d: {  	[bflag:$0x0] =	sbarrier.arrive $0xFFFF  }
0x8e: {  	_ =	strace $0x9000004A  }
0x8f: {  	s0 =	stileid.u32;
	[bflag:$0x2] =	sbarrier.arrive $0xFFFF  }
0x90: {  	p0 =	sne.s32 s0, $0x0;
	s0 =	rddreg [dreg:$0x2]  }
0x91: {  	s0 =	sadd.s32 @!p0 $0x100000, s0  }
0x92: {  	[sflag:s0] =	ssyncadd.tile.s32 @!p0 $0x1;
	_ =	shalt  }
.Lfunc_end2:
_tile_overlayer_lowered:
.L_overlay_start_2:
0x93: {  	(tag) =	ssettag $0x2  }
0x94: {  	s0 =	rddreg [dreg:$0x0];
	s2 =	stileid.u32  }
0x95: {  	s1 =	rddreg [dreg:$0x1];
	p0 =	sne.s32 s2, $0x0  }
0x96: {  	s3 =	rddreg [dreg:$0x2];
	[bflag:$0x3] =	sbarrier.arrive $0xFFFF;
	s2 =	simm.s32 @!p0 $0x1C03  }
0x97: {  	[timem:s3], [sflag:s2] =	dma.local @!p0 [hbm:s0], s1  }
0x98: {  	s0 =	simm.s32 @!p0 $0x3  }
0x99: {  	_ =	swait.ge @!p0 [sflag:s0], s1  }
0x9a: {  	s1 =	ssub.s32 @!p0 $0x0, s1;
	[sflag:s0] =	ssyncset.done @!p0 $0x0  }
0x9b: {  	[sflag:s0] =	ssyncadd.s32 @!p0 s1  }
0x9c: {  	[bflag:$0x3] =	sbarrier.arrive $0xFFFF  }
0x9d: {  	_ =	shalt  }

// kernel: kernel.14.cloned.1.call-start
scs
__scs_entry_jumppad:
0x0: {  	(pc) =	sbr.rel $0x88, $3  }
0x1: {  	(tag) =	ssettag $0x0;
	lr =	simm.s32 $0x1  }
0x2: {  	[smem:$0x3F8B] =	sst lr;
	_ =	strace $0xD0000000  }
0x3: {  	_ = 	snop  }
0x4: {  	_ = 	snop  }
0x5: {  	_ = 	snop  }
0x6: {  	_ = 	snop  }
0x7: {  	_ = 	snop  }
__scs_overlays_trampoline_lowered:
0x8: {  	[smem:$0x3F9A] =	sst s0  }
0x9: {  	[smem:$0x3F9B] =	sst s1  }
0xa: {  	[smem:$0x3F9C] =	sst s2  }
0xb: {  	[smem:$0x3F9D] =	sst s3  }
0xc: {  	[smem:$0x3F9E] =	sst s4  }
0xd: {  	[smem:$0x3F9F] =	sst s5  }
0xe: {  	[smem:$0x3FA0] =	sst s6  }
0xf: {  	[smem:$0x3FA1] =	sst s7  }
0x10: {  	[smem:$0x3FA2] =	sst s8  }
0x11: {  	[smem:$0x3FA3] =	sst s9;
	s0 =	simm.s32 @!p0 $0x0  }
0x12: {  	s1 =	sld [smem:$0x3F89];
	s0 =	simm.s32 @p0 $0x1  }
0x13: {  	[smem:$0x3FA4] =	sst s0;
	s0 =	simm.s32 @!p1 $0x0  }
0x14: {  	s2 =	sld [smem:$0x3F88];
	s0 =	simm.s32 @p1 $0x1  }
0x15: {  	[smem:$0x3FA5] =	sst s0;
	s0 =	simm.s32 @!p2 $0x0  }
0x16: {  	s3 =	sld [smem:$0x3FDB];
	s0 =	simm.s32 @p2 $0x1  }
0x17: {  	s4 =	simm.s32 $0x1BF5;
	[smem:$0x3FA7] =	sst s0  }
0x18: {  	s0 =	sld [smem:$0x3F8A];
	_ =	swait.ge [sflag:s4], $0x0  }
0x19: {  	s7 =	sld [smem:$0x3F8B]  }
0x1a: {  	s8 =	sadd.s32 $0xFFFFE003, lr  }
0x1b: {  	s9 =	sadd.s32 $0xFFFFFEF7, lr;
	s5 =	simm.s32 $0xFFFFFFFF;
	p2 =	slt.u32 s8, $0xFFFFF086  }
0x1c: {  	p1 =	slt.u32 s9, $0xF7A;
	s5 =	simm.s32 @!p2 $0x0  }
0x1d: {  	s5 =	simm.s32 @p1 $0x1;
	p0 =	seq.s32 s7, s2  }
0x1e: {  	s7 =	smul.u32 @!p0 $0xF7A, s2;
	p2 =	seq.s32 @!p0 s5, $0x0  }
0x1f: {  	s9 =	smul.u32 $0xF7A, s1;
	s8 =	simm.s32 @!p0 $0x1BF5;
	p2 =	por !p2, p0  }
0x20: {  	[sflag:s8] =	ssyncset.s32 @!p0 $0xFFFFF086;
	s6 =	sadd.s32 @!p0 s3, s7;
	s7 =	simm.s32 @!p0 $0x108  }
0x21: {  	s3 =	sadd.s32 s3, s9;
	s6 =	sadd.s32 @!p0 $0x88, s6;
	s7 =	simm.s32 @p2 $0x1082  }
0x22: {  	[simem:s7], [sflag:s8] =	dma.local @!p0 [hbm:s6], $0xF7A  }
0x23: {  	s9 =	sor.u32 $0xD0000000, s2;
	s6 =	simm.s32 $0x108;
	_ =	swait.ge @!p0 [sflag:s8], $0x0  }
0x24: {  	s3 =	sadd.s32 $0x88, s3;
	s6 =	simm.s32 @!p1 $0x1082;
	[sflag:s4] =	ssyncset.s32 $0xFFFFF086  }
0x25: {  	[simem:s6], [sflag:s4] =	dma.local [hbm:s3], $0xF7A  }
0x26: {  	[smem:$0x3F8B] =	sst s1;
	(tag) =	ssettag s2;
	_ =	strace s9  }
0x27: {  	s1 =	sld [smem:$0x3F9B]  }
0x28: {  	s2 =	sld [smem:$0x3F9C]  }
0x29: {  	s4 =	sld [smem:$0x3F9E]  }
0x2a: {  	p0 =	seq.s32 s5, $0x0;
	s5 =	sld [smem:$0x3F9F]  }
0x2b: {  	s6 =	sld [smem:$0x3FA0]  }
0x2c: {  	s7 =	sld [smem:$0x3FA1]  }
0x2d: {  	s3 =	simm.s32 $0x108;
	s8 =	sld [smem:$0x3FA2]  }
0x2e: {  	s3 =	simm.s32 @!p0 $0x1082;
	s9 =	sld [smem:$0x3FA3]  }
0x2f: {  	lr =	sadd.s32 s0, s3;
	s0 =	sld [smem:$0x3F9A]  }
0x30: {  	s3 =	sld [smem:$0x3F9D]  }
0x31: {  	[smem:$0x3FA6] =	sst s10  }
0x32: {  	s10 =	sld [smem:$0x3FA4];
	_ =	sdelay $0x3  }
0x33: {  	p0 =	seq.s32 s10, $0x1;
	s10 =	sld [smem:$0x3FA6];
	_ =	sdelay $0x3  }
0x34: {  	[smem:$0x3FA6] =	sst s10  }
0x35: {  	s10 =	sld [smem:$0x3FA5];
	_ =	sdelay $0x3  }
0x36: {  	p1 =	seq.s32 s10, $0x1;
	s10 =	sld [smem:$0x3FA6];
	_ =	sdelay $0x3  }
0x37: {  	[smem:$0x3FA6] =	sst s10  }
0x38: {  	s10 =	sld [smem:$0x3FA7]  }
0x39: {  	_ = 	snop;
	(pc) =	sbr.ind lr, $3  }
0x3a: {  	_ = 	snop  }
0x3b: {  	_ = 	snop  }
0x3c: {  	p2 =	seq.s32 s10, $0x1;
	s10 =	sld [smem:$0x3FA6]  }
0x3d: {  	_ =	shalt  }
0x3e: {  	_ =	shalt  }
0x3f: {  	_ =	shalt  }
0x40: {  	_ =	shalt  }
0x41: {  	_ =	shalt  }
0x42: {  	_ =	shalt  }
0x43: {  	_ =	shalt  }
0x44: {  	_ =	shalt  }
0x45: {  	_ =	shalt  }
0x46: {  	_ =	shalt  }
0x47: {  	_ =	shalt  }
0x48: {  	_ =	shalt  }
0x49: {  	_ =	shalt  }
0x4a: {  	_ =	shalt  }
0x4b: {  	_ =	shalt  }
0x4c: {  	_ =	shalt  }
0x4d: {  	_ =	shalt  }
0x4e: {  	_ =	shalt  }
0x4f: {  	_ =	shalt  }
0x50: {  	_ =	shalt  }
0x51: {  	_ =	shalt  }
0x52: {  	_ =	shalt  }
0x53: {  	_ =	shalt  }
0x54: {  	_ =	shalt  }
0x55: {  	_ =	shalt  }
0x56: {  	_ =	shalt  }
0x57: {  	_ =	shalt  }
0x58: {  	_ =	shalt  }
0x59: {  	_ =	shalt  }
0x5a: {  	_ =	shalt  }
0x5b: {  	_ =	shalt  }
0x5c: {  	_ =	shalt  }
0x5d: {  	_ =	shalt  }
0x5e: {  	_ =	shalt  }
0x5f: {  	_ =	shalt  }
0x60: {  	_ =	shalt  }
0x61: {  	_ =	shalt  }
0x62: {  	_ =	shalt  }
0x63: {  	_ =	shalt  }
0x64: {  	_ =	shalt  }
0x65: {  	_ =	shalt  }
0x66: {  	_ =	shalt  }
0x67: {  	_ =	shalt  }
0x68: {  	_ =	shalt  }
0x69: {  	_ =	shalt  }
0x6a: {  	_ =	shalt  }
0x6b: {  	_ =	shalt  }
0x6c: {  	_ =	shalt  }
0x6d: {  	_ =	shalt  }
0x6e: {  	_ =	shalt  }
0x6f: {  	_ =	shalt  }
0x70: {  	_ =	shalt  }
0x71: {  	_ =	shalt  }
0x72: {  	_ =	shalt  }
0x73: {  	_ =	shalt  }
0x74: {  	_ =	shalt  }
0x75: {  	_ =	shalt  }
0x76: {  	_ =	shalt  }
0x77: {  	_ =	shalt  }
0x78: {  	_ =	shalt  }
0x79: {  	_ =	shalt  }
0x7a: {  	_ =	shalt  }
0x7b: {  	_ =	shalt  }
0x7c: {  	_ =	shalt  }
0x7d: {  	_ =	shalt  }
0x7e: {  	_ =	shalt  }
0x7f: {  	_ =	shalt  }
0x80: {  	_ =	shalt  }
0x81: {  	_ =	shalt  }
0x82: {  	_ =	shalt  }
0x83: {  	_ =	shalt  }
0x84: {  	_ =	shalt  }
0x85: {  	_ =	shalt  }
0x86: {  	_ =	shalt  }
0x87: {  	_ =	shalt  }
.Lfunc_end0:
.L_simem_size_0:
called_computation.2_lowered:
.L_overlay_start_0:
0x88: {  	s2 =	sld [smem:$0x3FD9]  }
0x89: {  	s3 =	sld [smem:$0x3FFE];
	_ =	sdelay $0x1  }
0x8a: {  	s1 =	srdreg.scid  }
0x8b: {  	s0 =	sand.u32 $0x1, s1  }
0x8c: {  	s16 =	sshll.u32 s0, $0xA;
	s2 =	sadd.s32 s3, s2  }
0x8d: {  	s2 =	sadd.s32 s2, s16  }
0x8e: {  	[smem:$0x3FB2] =	sst s2  }
0x8f: {  	_ = 	snop  }
0x90: {  	(tm) =	ssettm $0x1  }
0x91: {  	s17 =	sld [smem:$0x3FFB];
	_ =	sdelay $0x3  }
0x92: {  	_ =	strace s17  }
0x93: {  	s2 =	sld [smem:$0x3FFC];
	_ =	sdelay $0x3  }
0x94: {  	_ =	strace s2  }
0x95: {  	s2 =	sld [smem:$0x3FFD];
	_ =	sdelay $0x3  }
0x96: {  	_ =	strace s2  }
0x97: {  	_ =	strace $0x8FFFFFFF  }
0x98: {  	s18 =	sld [smem:$0x3FDB];
	_ =	sdelay $0x1  }
0x99: {  	s19 =	simm.s32 $_scs_section_size  }
0x9a: {  	s4 =	simm.s32 $_size__tile_overlayer_lowered;
	s5 =	simm.s32 $_tile_overlayer_lowered  }
0x9b: {  	s22 =	simm.s32 $0x1BFF;
	s21 =	sshll.u32 s5, $0x1;
	s2 =	sadd.s32 s19, s18  }
0x9c: {  	s6 =	simm.s32 $0x0;
	s20 =	sshll.u32 s4, $0x1;
	s4 =	sadd.s32 s21, s2  }
0x9d: {  	[timem:s6], [sflag:s22] =	dma.local [hbm:s4], s20  }
0x9e: {  	_ =	swait.ge [sflag:s22], s20  }
0x9f: {  	s3 =	ssub.s32 $0x0, s20;
	[sflag:s22] =	ssyncset.done $0x0  }
0xa0: {  	[sflag:s22] =	ssyncadd.s32 s3;
	_ =	sdelay $0x1  }
0xa1: {  	s23 =	simm.s32 $0x1B8B  }
0xa2: {  	_ =	swait.ge [sflag:s23], $0x1  }
0xa3: {  	[sflag:s23] =	ssyncset.done $0x0  }
0xa4: {  	s25 =	simm.s32 $0x1B8E;
	s24 =	sld [smem:$0x3FFE];
	[sflag:s23] =	ssyncadd.s32 $0xFFFFFFFF  }
0xa5: {  	s26 =	simm.s32 $execute0_lowered;
	[smem:$0x3FD2] =	sst s25  }
0xa6: {  	s4 =	sshll.u32 s26, $0x1;
	_ =	strace $0x8000004C;
	[dreg:$0x1] =	wrdreg $0xFFFFFFFF  }
0xa7: {  	s28 =	simm.s32 $_size_execute0_lowered;
	s2 =	sadd.s32 s2, s4;
	[dreg:$0x0] =	wrdreg $0x0  }
0xa8: {  	s4 =	sshll.u32 s28, $0x1;
	[dreg:$0x2] =	wrdreg s2  }
0xa9: {  	[dreg:$0x3] =	wrdreg s4  }
0xaa: {  	[dreg:$0x4] =	wrdreg $0xC0  }
0xab: {  	_ =	task [dreg:s6], $0x5FFFF  }
0xac: {  	[dreg:$0x1] =	wrdreg $0xFFFFFFFF  }
0xad: {  	[dreg:$0x0] =	wrdreg $0x60  }
0xae: {  	[dreg:$0x2] =	wrdreg s24  }
0xaf: {  	[dreg:$0x3] =	wrdreg $0xC4400  }
0xb0: {  	[dreg:$0x4] =	wrdreg $0x9  }
0xb1: {  	_ =	task.clear_ibuf [dreg:s6], $0x5FFFF;
	_ =	strace $0x9000004C  }
0xb2: {  	s29 =	simm.s32 $0x9;
	_ =	strace $0x8000004E  }
0xb3: {  	_ =	swait.ge [sflag:s29], $0x1  }
0xb4: {  	[sflag:s29] =	ssyncadd.s32 $0xFFFFFFFF  }
0xb5: {  	_ =	strace $0x9000004E  }
0xb6: {  	_ =	sfence  }
0xb7: {  	s30 =	sld [smem:$0x0];
	_ =	sdelay $0x2  }
0xb8: {  	s31 =	sshll.u32 s1, $0xD;
	s1 =	sshrl.u32 s1, $0x2  }
0xb9: {  	s3 =	sand.u32 $0x4000, s31;
	s1 =	sadd.s32 s1, s30  }
0xba: {  	s0 =	sor.u32 s3, s0;
	s1 =	sshll.u32 s1, $0x11  }
0xbb: {  	s0 =	sor.u32 s1, s0  }
0xbc: {  	s0 =	sadd.s32 $0x8F2B, s0  }
0xbd: {  	[sflag:s0] =	ssyncadd.remote.s32 $0x1  }
0xbe: {  	_ =	sfence.sel $0xFFFF  }
0xbf: {  	[dreg:$0x0] =	wrdreg $0xFFFFFFFF;
	(pc) =	sbr.abs _section_cstart, $3  }
0xc0: {  	[dreg:$0x1] =	wrdreg $0xFFFFFFFF  }
0xc1: {  	_ =	task.clear_ibuf [dreg:s6], $0x2FFFF;
	_ =	strace $0x9FFFFFFF  }
0xc2: {  	(tm) =	ssettm $0x7FFFFFFF  }
0xc3: {  	_ =	shalt  }
tec
execute0_lowered:
.L_overlay_start_1:
0x0: {  	(tag) =	ssettag $0x1  }
0x1: {  	s4 =	rddreg [dreg:$0x0];
	s0 =	srdreg.scid  }
0x2: {  	s2 =	rddreg [dreg:$0x1];
	s29 =	stileid.u32;
	s3 =	simm.s32 $0x0  }
0x3: {  	s17 =	simm.s32 $0x9C40;
	s18 =	simm.s32 $0x3;
	s19 =	simm.s32 $0x4E20  }
0x4: {  	s20 =	simm.s32 $0x50;
	s21 =	simm.s32 $0xB040;
	s22 =	simm.s32 $0x1  }
0x5: {  	s23 =	simm.s32 $0x2;
	s24 =	simm.s32 $0x4DD0;
	s7 =	smul.u32 $0x9C4, s29  }
0x6: {  	s25 =	simm.s32 $0x9BA0;
	s26 =	simm.s32 $0x9BF0;
	s9 =	smul.u32 $0xA000, s29  }
0x7: {  	s28 =	simm.s32 $0x0;
	s5 =	sand.u32 $0x1, s0;
	s30 =	smul.u32 $0x28000, s29  }
0x8: {  	[smem:$0x7FF] =	sst s3;
	s6 =	smul.u32 $0xA0000, s5;
	s5 =	ssub.s32 $0x2, s5  }
0x9: {  	_ =	strace $0x8000004D;
	s13 =	sadd.s32 s7, s4;
	s31 =	sshrl.u32 s5, $0x1  }
0xa: {  	s8 =	sshrl.u32 s6, $0x3;
	s6 =	sadd.s32 s9, s6;
	s16 =	ssub.s32 s5, s31  }
0xb: {  	s12 =	sadd.s32 $0x3000, s13;
	s13 =	sadd.s32 $0xCE00, s13;
	s14 =	sadd.s32 s8, s4  }
0xc: {  	s6 =	sshrl.u32 s6, $0x3;
	s8 =	sshrl.u32 s30, $0x2;
	s16 =	smax.u32 s16, $0x1  }
0xd: {  	s15 =	sadd.s32 s6, s4;
	s11 =	sadd.s32 s8, s2;
	s4 =	sadd.s32 s9, s2  }
0xe: {  	s14 =	sadd.s32 $0x8EC00, s14;
	s5 =	sadd.s32 $0x1400, s11;
	s6 =	sadd.s32 $0x2800, s11  }
0xf: {  	s7 =	sadd.s32 $0x3C00, s11;
	s8 =	sadd.s32 $0x5000, s11;
	s9 =	sadd.s32 $0x6400, s11  }
0x10: {  	v0 =	vimm.f32 $0.0e+00;
	s10 =	sadd.s32 $0x7800, s11;
	s11 =	sadd.s32 $0x8C00, s11;
	s15 =	sadd.s32 $0xB6C00, s15  }
.LBB2_1:
0x11: {  	s29 =	sand.u32 $0x7F00, s3  }
0x12: {  	s30 =	sand.u32 $0x30, s3;
	s31 =	sshrl.u32 s29, $0x2  }
0x13: {  	s29 =	simm.s32 $0x40;
	s31 =	sor.u32 s30, s31;
	s30 =	simm.s32 $0x0  }
.LBB2_2:
0x14: {  	p0 =	sne.s32 s29, $0x4FC0  }
0x15: {  	[tilespmem:s31+$0x9C40] =	vst v0;
	s30 =	sadd.s32 $0x10, s30;
	s31 =	smov.u32 s29;
	s29 =	sadd.s32 $0x40, s29  }
.Ltmp0:
0x16: {  	(pc) =	sbr.rel @p0 .LBB2_2-.Ltmp0, $4  }
0x17: {  	_ = 	snop  }
0x18: {  	s31 =	sand.u32 $0x7F00, s31  }
0x19: {  	s0 =	sand.u32 $0x30, s30;
	s31 =	sshrl.u32 s31, $0x2  }
0x1a: {  	s31 =	sor.u32 s0, s31  }
0x1b: {  	[tilespmem:s31+$0x9C40] =	vst v0  }
0x1c: {  	[spmem:s4] =	stream.linear.scatter [tilespmem:s17], [sflag:$0x3], $0x1400, $0x38;
	[tilespmem:$0x16440] =	vst v63  }
0x1d: {  	_ =	swait.ge [sflag:s18], $0x1400  }
0x1e: {  	[sflag:s18] =	ssyncset.done $0x0  }
0x1f: {  	[sflag:s18] =	ssyncadd.s32 $0xFFFFEC00  }
0x20: {  	[spmem:s5] =	stream.linear.scatter [tilespmem:s17], [sflag:$0x3], $0x1400, $0x38;
	[tilespmem:$0x16440] =	vst v63  }
0x21: {  	_ =	swait.ge [sflag:s18], $0x1400  }
0x22: {  	[sflag:s18] =	ssyncset.done $0x0  }
0x23: {  	[sflag:s18] =	ssyncadd.s32 $0xFFFFEC00  }
0x24: {  	[spmem:s6] =	stream.linear.scatter [tilespmem:s17], [sflag:$0x3], $0x1400, $0x38;
	[tilespmem:$0x16440] =	vst v63  }
0x25: {  	_ =	swait.ge [sflag:s18], $0x1400  }
0x26: {  	[sflag:s18] =	ssyncset.done $0x0  }
0x27: {  	[sflag:s18] =	ssyncadd.s32 $0xFFFFEC00  }
0x28: {  	[spmem:s7] =	stream.linear.scatter [tilespmem:s17], [sflag:$0x3], $0x1400, $0x38;
	[tilespmem:$0x16440] =	vst v63  }
0x29: {  	_ =	swait.ge [sflag:s18], $0x1400  }
0x2a: {  	[sflag:s18] =	ssyncset.done $0x0  }
0x2b: {  	[sflag:s18] =	ssyncadd.s32 $0xFFFFEC00  }
0x2c: {  	[spmem:s8] =	stream.linear.scatter [tilespmem:s17], [sflag:$0x3], $0x1400, $0x38;
	[tilespmem:$0x16440] =	vst v63  }
0x2d: {  	_ =	swait.ge [sflag:s18], $0x1400  }
0x2e: {  	[sflag:s18] =	ssyncset.done $0x0  }
0x2f: {  	[sflag:s18] =	ssyncadd.s32 $0xFFFFEC00  }
0x30: {  	[spmem:s9] =	stream.linear.scatter [tilespmem:s17], [sflag:$0x3], $0x1400, $0x38;
	[tilespmem:$0x16440] =	vst v63  }
0x31: {  	_ =	swait.ge [sflag:s18], $0x1400  }
0x32: {  	[sflag:s18] =	ssyncset.done $0x0  }
0x33: {  	[sflag:s18] =	ssyncadd.s32 $0xFFFFEC00  }
0x34: {  	[spmem:s10] =	stream.linear.scatter [tilespmem:s17], [sflag:$0x3], $0x1400, $0x38;
	[tilespmem:$0x16440] =	vst v63  }
0x35: {  	_ =	swait.ge [sflag:s18], $0x1400  }
0x36: {  	[sflag:s18] =	ssyncset.done $0x0  }
0x37: {  	[sflag:s18] =	ssyncadd.s32 $0xFFFFEC00  }
0x38: {  	[spmem:s11] =	stream.linear.scatter [tilespmem:s17], [sflag:$0x3], $0x1400, $0x38;
	[tilespmem:$0x16440] =	vst v63  }
0x39: {  	_ =	swait.ge [sflag:s18], $0x1400  }
0x3a: {  	[sflag:s18] =	ssyncset.done $0x0  }
0x3b: {  	s0 =	simm.s32 $0x0;
	[sflag:s18] =	ssyncadd.s32 $0xFFFFEC00  }
0x3c: {  	[tilespmem:s0], [sflag:$0x3] =	stream.linear.gather [hbm4b:s12+s0], $0x4E20, $0x38;
	[tilespmem:$0x16440] =	vst v63  }
0x3d: {  	_ =	swait.ge [sflag:s18], $0x4E20  }
0x3e: {  	[sflag:s18] =	ssyncset.done $0x0  }
0x3f: {  	[sflag:s18] =	ssyncadd.s32 $0xFFFFB1E0  }
0x40: {  	[tilespmem:s19], [sflag:$0x3] =	stream.linear.gather [hbm4b:s13+s0], $0x4E20, $0x38;
	[tilespmem:$0x16440] =	vst v63  }
0x41: {  	_ =	swait.ge [sflag:s18], $0x4E20  }
0x42: {  	[sflag:s18] =	ssyncset.done $0x0  }
0x43: {  	[sflag:s18] =	ssyncadd.s32 $0xFFFFB1E0  }
0x44: {  	[bflag:$0x0] =	sbarrier.arrive $0xFFFF  }
0x45: {  	[tilespmem:s17], [sflag:$0x1] =	stream.indirect.gather [hbm4b:s14+s20], $0x40, s0, s20, $0xb8;
	[tilespmem:$0x16440] =	vst v63  }
0x46: {  	s1 =	simm.s32 $0x50  }
0x47: {  	[tilespmem:s21], [sflag:$0x2] =	stream.indirect.gather [hbm4b:s14+s20], $0x40, s1, s20, $0xb8;
	[tilespmem:$0x16440] =	vst v63  }
0x48: {  	_ =	swait.ge [sflag:s22], $0x1400  }
0x49: {  	[sflag:s22] =	ssyncset.done $0x0  }
0x4a: {  	s31 =	simm.s32 $0x4E20;
	[sflag:s22] =	ssyncadd.s32 $0xFFFFEC00  }
0x4b: {  	[spmem:s2] =	stream.indirect.scatter.add.f32 [tilespmem:s17], [sflag:$0x3], $0x40, s31, s20, $0xb8;
	[tilespmem:$0x16440] =	vst v63  }
0x4c: {  	_ =	swait.ge [sflag:s18], $0x1400  }
0x4d: {  	[sflag:s18] =	ssyncset.done $0x0  }
0x4e: {  	s1 =	simm.s32 $0xA0;
	[sflag:s18] =	ssyncadd.s32 $0xFFFFEC00  }
0x4f: {  	[tilespmem:s17], [sflag:$0x1] =	stream.indirect.gather [hbm4b:s14+s20], $0x40, s1, s20, $0xb8;
	[tilespmem:$0x16440] =	vst v63  }
0x50: {  	_ =	swait.ge [sflag:s23], $0x1400  }
0x51: {  	[sflag:s23] =	ssyncset.done $0x0  }
0x52: {  	s31 =	simm.s32 $0x4E70;
	[sflag:s23] =	ssyncadd.s32 $0xFFFFEC00  }
0x53: {  	[spmem:s2] =	stream.indirect.scatter.add.f32 [tilespmem:s21], [sflag:$0x3], $0x40, s31, s20, $0xb8;
	[tilespmem:$0x16440] =	vst v63  }
0x54: {  	_ =	swait.ge [sflag:s18], $0x1400  }
0x55: {  	s30 =	simm.s32 $0x500;
	s29 =	simm.s32 $0xA0;
	[sflag:s18] =	ssyncset.done $0x0  }
.LBB2_4:
0x56: {  	s0 =	sadd.s32 $0x50, s29  }
0x57: {  	[sflag:s18] =	ssyncadd.s32 $0xFFFFEC00;
	s31 =	smov.u32 s30;
	s1 =	sadd.s32 $0x280, s30  }
0x58: {  	[tilespmem:s21], [sflag:$0x2] =	stream.indirect.gather [hbm4b:s14+s20], $0x40, s0, s20, $0xb8;
	[tilespmem:$0x16440] =	vst v63  }
0x59: {  	p0 =	sne.s32 s30, $0x13380;
	_ =	swait.ge [sflag:s22], $0x1400  }
0x5a: {  	[sflag:s22] =	ssyncset.done $0x0  }
0x5b: {  	s0 =	sadd.s32 $0x4E20, s29;
	[sflag:s22] =	ssyncadd.s32 $0xFFFFEC00  }
0x5c: {  	[spmem:s2] =	stream.indirect.scatter.add.f32 [tilespmem:s17], [sflag:$0x3], $0x40, s0, s20, $0xb8;
	[tilespmem:$0x16440] =	vst v63  }
0x5d: {  	_ =	swait.ge [sflag:s18], $0x1400  }
0x5e: {  	[sflag:s18] =	ssyncset.done $0x0  }
0x5f: {  	s0 =	sadd.s32 $0xA0, s29;
	[sflag:s18] =	ssyncadd.s32 $0xFFFFEC00  }
0x60: {  	[tilespmem:s17], [sflag:$0x1] =	stream.indirect.gather [hbm4b:s14+s20], $0x40, s0, s20, $0xb8;
	[tilespmem:$0x16440] =	vst v63  }
0x61: {  	_ =	swait.ge [sflag:s23], $0x1400  }
.Ltmp1:
0x62: {  	[sflag:s23] =	ssyncset.done $0x0;
	(pc) =	sbr.rel @p0 .LBB2_4-.Ltmp1, $4  }
0x63: {  	s0 =	sadd.s32 $0x4E70, s29;
	[sflag:s23] =	ssyncadd.s32 $0xFFFFEC00  }
0x64: {  	[spmem:s2] =	stream.indirect.scatter.add.f32 [tilespmem:s21], [sflag:$0x3], $0x40, s0, s20, $0xb8;
	[tilespmem:$0x16440] =	vst v63  }
0x65: {  	_ =	swait.ge [sflag:s18], $0x1400  }
0x66: {  	s30 =	smov.u32 s1;
	s29 =	sshra.s32 s31, $0x2;
	[sflag:s18] =	ssyncset.done $0x0  }
0x67: {  	s0 =	sadd.s32 $0x50, s29;
	[sflag:s18] =	ssyncadd.s32 $0xFFFFEC00  }
0x68: {  	[tilespmem:s21], [sflag:$0x2] =	stream.indirect.gather [hbm4b:s14+s20], $0x40, s0, s20, $0xb8;
	[tilespmem:$0x16440] =	vst v63  }
0x69: {  	_ =	swait.ge [sflag:s22], $0x1400  }
0x6a: {  	[sflag:s22] =	ssyncset.done $0x0  }
0x6b: {  	s31 =	sadd.s32 $0x4E20, s29;
	[sflag:s22] =	ssyncadd.s32 $0xFFFFEC00  }
0x6c: {  	[spmem:s2] =	stream.indirect.scatter.add.f32 [tilespmem:s17], [sflag:$0x3], $0x40, s31, s20, $0xb8;
	[tilespmem:$0x16440] =	vst v63  }
0x6d: {  	_ =	swait.ge [sflag:s18], $0x1400  }
0x6e: {  	[sflag:s18] =	ssyncset.done $0x0  }
0x6f: {  	s1 =	sadd.s32 $0xA0, s29;
	[sflag:s18] =	ssyncadd.s32 $0xFFFFEC00  }
0x70: {  	[tilespmem:s17], [sflag:$0x1] =	stream.indirect.gather [hbm4b:s14+s20], $0x40, s1, s20, $0xb8;
	[tilespmem:$0x16440] =	vst v63  }
0x71: {  	_ =	swait.ge [sflag:s23], $0x1400  }
0x72: {  	[sflag:s23] =	ssyncset.done $0x0  }
0x73: {  	s30 =	sadd.s32 $0x4E70, s29;
	[sflag:s23] =	ssyncadd.s32 $0xFFFFEC00  }
0x74: {  	[spmem:s2] =	stream.indirect.scatter.add.f32 [tilespmem:s21], [sflag:$0x3], $0x40, s30, s20, $0xb8;
	[tilespmem:$0x16440] =	vst v63  }
0x75: {  	_ =	swait.ge [sflag:s18], $0x1400  }
0x76: {  	[sflag:s18] =	ssyncset.done $0x0  }
0x77: {  	[sflag:s18] =	ssyncadd.s32 $0xFFFFEC00  }
0x78: {  	[tilespmem:s21], [sflag:$0x2] =	stream.indirect.gather [hbm4b:s14+s20], $0x40, s24, s20, $0xb8;
	[tilespmem:$0x16440] =	vst v63  }
0x79: {  	_ =	swait.ge [sflag:s22], $0x1400  }
0x7a: {  	[sflag:s22] =	ssyncset.done $0x0  }
0x7b: {  	[sflag:s22] =	ssyncadd.s32 $0xFFFFEC00  }
0x7c: {  	[spmem:s2] =	stream.indirect.scatter.add.f32 [tilespmem:s17], [sflag:$0x3], $0x40, s25, s20, $0xb8;
	[tilespmem:$0x16440] =	vst v63  }
0x7d: {  	_ =	swait.ge [sflag:s18], $0x1400  }
0x7e: {  	[sflag:s18] =	ssyncset.done $0x0  }
0x7f: {  	[sflag:s18] =	ssyncadd.s32 $0xFFFFEC00  }
0x80: {  	_ =	swait.ge [sflag:s23], $0x1400  }
0x81: {  	[sflag:s23] =	ssyncset.done $0x0  }
0x82: {  	[sflag:s23] =	ssyncadd.s32 $0xFFFFEC00  }
0x83: {  	[spmem:s2] =	stream.indirect.scatter.add.f32 [tilespmem:s21], [sflag:$0x3], $0x40, s26, s20, $0xb8;
	[tilespmem:$0x16440] =	vst v63  }
0x84: {  	s31 =	stileid.u32;
	_ =	swait.ge [sflag:s18], $0x1400  }
0x85: {  	s28 =	sadd.s32 $0x1, s28;
	s0 =	sshll.u32 s31, $0x6;
	[sflag:s18] =	ssyncset.done $0x0  }
0x86: {  	p0 =	sne.s32 s28, s16;
	s0 =	sor.u32 $0x1C03, s0;
	[sflag:s18] =	ssyncadd.s32 $0xFFFFEC00  }
.Ltmp2:
0x87: {  	s1 =	sshrl.u32 s4, $0x3;
	[bflag:$0x0] =	sbarrier.arrive $0xFFFF;
	(pc) =	sbr.rel @p0 .LBB2_1-.Ltmp2, $4  }
0x88: {  	[hbm:s15], [sflag:s0] =	dma.local [spmem:s1], $0x1400  }
0x89: {  	_ =	swait.ge [sflag:s18], $0x1400  }
0x8a: {  	[sflag:s18] =	ssyncset.done $0x0  }
0x8b: {  	[sflag:s18] =	ssyncadd.s32 $0xFFFFEC00  }
0x8c: {  	_ =	sfence.sel $0x180000  }
0x8d: {  	[bflag:$0x0] =	sbarrier.arrive $0xFFFF  }
0x8e: {  	_ =	strace $0x9000004D  }
0x8f: {  	s0 =	stileid.u32;
	[bflag:$0x2] =	sbarrier.arrive $0xFFFF  }
0x90: {  	p0 =	sne.s32 s0, $0x0;
	s0 =	rddreg [dreg:$0x2]  }
0x91: {  	s0 =	sadd.s32 @!p0 $0x100000, s0  }
0x92: {  	[sflag:s0] =	ssyncadd.tile.s32 @!p0 $0x1;
	_ =	shalt  }
.Lfunc_end2:
_tile_overlayer_lowered:
.L_overlay_start_2:
0x93: {  	(tag) =	ssettag $0x2  }
0x94: {  	s0 =	rddreg [dreg:$0x0];
	s2 =	stileid.u32  }
0x95: {  	s1 =	rddreg [dreg:$0x1];
	p0 =	sne.s32 s2, $0x0  }
0x96: {  	s3 =	rddreg [dreg:$0x2];
	[bflag:$0x3] =	sbarrier.arrive $0xFFFF;
	s2 =	simm.s32 @!p0 $0x1C03  }
0x97: {  	[timem:s3], [sflag:s2] =	dma.local @!p0 [hbm:s0], s1  }
0x98: {  	s0 =	simm.s32 @!p0 $0x3  }
0x99: {  	_ =	swait.ge @!p0 [sflag:s0], s1  }
0x9a: {  	s1 =	ssub.s32 @!p0 $0x0, s1;
	[sflag:s0] =	ssyncset.done @!p0 $0x0  }
0x9b: {  	[sflag:s0] =	ssyncadd.s32 @!p0 s1  }
0x9c: {  	[bflag:$0x3] =	sbarrier.arrive $0xFFFF  }
0x9d: {  	_ =	shalt  }

// kernel: kernel.8.cloned.1.call-start
scs
__scs_entry_jumppad:
0x0: {  	(pc) =	sbr.rel $0x88, $3  }
0x1: {  	(tag) =	ssettag $0x0;
	lr =	simm.s32 $0x1  }
0x2: {  	[smem:$0x3F8B] =	sst lr;
	_ =	strace $0xD0000000  }
0x3: {  	_ = 	snop  }
0x4: {  	_ = 	snop  }
0x5: {  	_ = 	snop  }
0x6: {  	_ = 	snop  }
0x7: {  	_ = 	snop  }
__scs_overlays_trampoline_lowered:
0x8: {  	[smem:$0x3F9A] =	sst s0  }
0x9: {  	[smem:$0x3F9B] =	sst s1  }
0xa: {  	[smem:$0x3F9C] =	sst s2  }
0xb: {  	[smem:$0x3F9D] =	sst s3  }
0xc: {  	[smem:$0x3F9E] =	sst s4  }
0xd: {  	[smem:$0x3F9F] =	sst s5  }
0xe: {  	[smem:$0x3FA0] =	sst s6  }
0xf: {  	[smem:$0x3FA1] =	sst s7  }
0x10: {  	[smem:$0x3FA2] =	sst s8  }
0x11: {  	[smem:$0x3FA3] =	sst s9;
	s0 =	simm.s32 @!p0 $0x0  }
0x12: {  	s1 =	sld [smem:$0x3F89];
	s0 =	simm.s32 @p0 $0x1  }
0x13: {  	[smem:$0x3FA4] =	sst s0;
	s0 =	simm.s32 @!p1 $0x0  }
0x14: {  	s2 =	sld [smem:$0x3F88];
	s0 =	simm.s32 @p1 $0x1  }
0x15: {  	[smem:$0x3FA5] =	sst s0;
	s0 =	simm.s32 @!p2 $0x0  }
0x16: {  	s3 =	sld [smem:$0x3FDB];
	s0 =	simm.s32 @p2 $0x1  }
0x17: {  	s4 =	simm.s32 $0x1BF5;
	[smem:$0x3FA7] =	sst s0  }
0x18: {  	s0 =	sld [smem:$0x3F8A];
	_ =	swait.ge [sflag:s4], $0x0  }
0x19: {  	s7 =	sld [smem:$0x3F8B]  }
0x1a: {  	s8 =	sadd.s32 $0xFFFFE003, lr  }
0x1b: {  	s9 =	sadd.s32 $0xFFFFFEF7, lr;
	s5 =	simm.s32 $0xFFFFFFFF;
	p2 =	slt.u32 s8, $0xFFFFF086  }
0x1c: {  	p1 =	slt.u32 s9, $0xF7A;
	s5 =	simm.s32 @!p2 $0x0  }
0x1d: {  	s5 =	simm.s32 @p1 $0x1;
	p0 =	seq.s32 s7, s2  }
0x1e: {  	s7 =	smul.u32 @!p0 $0xF7A, s2;
	p2 =	seq.s32 @!p0 s5, $0x0  }
0x1f: {  	s9 =	smul.u32 $0xF7A, s1;
	s8 =	simm.s32 @!p0 $0x1BF5;
	p2 =	por !p2, p0  }
0x20: {  	[sflag:s8] =	ssyncset.s32 @!p0 $0xFFFFF086;
	s6 =	sadd.s32 @!p0 s3, s7;
	s7 =	simm.s32 @!p0 $0x108  }
0x21: {  	s3 =	sadd.s32 s3, s9;
	s6 =	sadd.s32 @!p0 $0x88, s6;
	s7 =	simm.s32 @p2 $0x1082  }
0x22: {  	[simem:s7], [sflag:s8] =	dma.local @!p0 [hbm:s6], $0xF7A  }
0x23: {  	s9 =	sor.u32 $0xD0000000, s2;
	s6 =	simm.s32 $0x108;
	_ =	swait.ge @!p0 [sflag:s8], $0x0  }
0x24: {  	s3 =	sadd.s32 $0x88, s3;
	s6 =	simm.s32 @!p1 $0x1082;
	[sflag:s4] =	ssyncset.s32 $0xFFFFF086  }
0x25: {  	[simem:s6], [sflag:s4] =	dma.local [hbm:s3], $0xF7A  }
0x26: {  	[smem:$0x3F8B] =	sst s1;
	(tag) =	ssettag s2;
	_ =	strace s9  }
0x27: {  	s1 =	sld [smem:$0x3F9B]  }
0x28: {  	s2 =	sld [smem:$0x3F9C]  }
0x29: {  	s4 =	sld [smem:$0x3F9E]  }
0x2a: {  	p0 =	seq.s32 s5, $0x0;
	s5 =	sld [smem:$0x3F9F]  }
0x2b: {  	s6 =	sld [smem:$0x3FA0]  }
0x2c: {  	s7 =	sld [smem:$0x3FA1]  }
0x2d: {  	s3 =	simm.s32 $0x108;
	s8 =	sld [smem:$0x3FA2]  }
0x2e: {  	s3 =	simm.s32 @!p0 $0x1082;
	s9 =	sld [smem:$0x3FA3]  }
0x2f: {  	lr =	sadd.s32 s0, s3;
	s0 =	sld [smem:$0x3F9A]  }
0x30: {  	s3 =	sld [smem:$0x3F9D]  }
0x31: {  	[smem:$0x3FA6] =	sst s10  }
0x32: {  	s10 =	sld [smem:$0x3FA4];
	_ =	sdelay $0x3  }
0x33: {  	p0 =	seq.s32 s10, $0x1;
	s10 =	sld [smem:$0x3FA6];
	_ =	sdelay $0x3  }
0x34: {  	[smem:$0x3FA6] =	sst s10  }
0x35: {  	s10 =	sld [smem:$0x3FA5];
	_ =	sdelay $0x3  }
0x36: {  	p1 =	seq.s32 s10, $0x1;
	s10 =	sld [smem:$0x3FA6];
	_ =	sdelay $0x3  }
0x37: {  	[smem:$0x3FA6] =	sst s10  }
0x38: {  	s10 =	sld [smem:$0x3FA7]  }
0x39: {  	_ = 	snop;
	(pc) =	sbr.ind lr, $3  }
0x3a: {  	_ = 	snop  }
0x3b: {  	_ = 	snop  }
0x3c: {  	p2 =	seq.s32 s10, $0x1;
	s10 =	sld [smem:$0x3FA6]  }
0x3d: {  	_ =	shalt  }
0x3e: {  	_ =	shalt  }
0x3f: {  	_ =	shalt  }
0x40: {  	_ =	shalt  }
0x41: {  	_ =	shalt  }
0x42: {  	_ =	shalt  }
0x43: {  	_ =	shalt  }
0x44: {  	_ =	shalt  }
0x45: {  	_ =	shalt  }
0x46: {  	_ =	shalt  }
0x47: {  	_ =	shalt  }
0x48: {  	_ =	shalt  }
0x49: {  	_ =	shalt  }
0x4a: {  	_ =	shalt  }
0x4b: {  	_ =	shalt  }
0x4c: {  	_ =	shalt  }
0x4d: {  	_ =	shalt  }
0x4e: {  	_ =	shalt  }
0x4f: {  	_ =	shalt  }
0x50: {  	_ =	shalt  }
0x51: {  	_ =	shalt  }
0x52: {  	_ =	shalt  }
0x53: {  	_ =	shalt  }
0x54: {  	_ =	shalt  }
0x55: {  	_ =	shalt  }
0x56: {  	_ =	shalt  }
0x57: {  	_ =	shalt  }
0x58: {  	_ =	shalt  }
0x59: {  	_ =	shalt  }
0x5a: {  	_ =	shalt  }
0x5b: {  	_ =	shalt  }
0x5c: {  	_ =	shalt  }
0x5d: {  	_ =	shalt  }
0x5e: {  	_ =	shalt  }
0x5f: {  	_ =	shalt  }
0x60: {  	_ =	shalt  }
0x61: {  	_ =	shalt  }
0x62: {  	_ =	shalt  }
0x63: {  	_ =	shalt  }
0x64: {  	_ =	shalt  }
0x65: {  	_ =	shalt  }
0x66: {  	_ =	shalt  }
0x67: {  	_ =	shalt  }
0x68: {  	_ =	shalt  }
0x69: {  	_ =	shalt  }
0x6a: {  	_ =	shalt  }
0x6b: {  	_ =	shalt  }
0x6c: {  	_ =	shalt  }
0x6d: {  	_ =	shalt  }
0x6e: {  	_ =	shalt  }
0x6f: {  	_ =	shalt  }
0x70: {  	_ =	shalt  }
0x71: {  	_ =	shalt  }
0x72: {  	_ =	shalt  }
0x73: {  	_ =	shalt  }
0x74: {  	_ =	shalt  }
0x75: {  	_ =	shalt  }
0x76: {  	_ =	shalt  }
0x77: {  	_ =	shalt  }
0x78: {  	_ =	shalt  }
0x79: {  	_ =	shalt  }
0x7a: {  	_ =	shalt  }
0x7b: {  	_ =	shalt  }
0x7c: {  	_ =	shalt  }
0x7d: {  	_ =	shalt  }
0x7e: {  	_ =	shalt  }
0x7f: {  	_ =	shalt  }
0x80: {  	_ =	shalt  }
0x81: {  	_ =	shalt  }
0x82: {  	_ =	shalt  }
0x83: {  	_ =	shalt  }
0x84: {  	_ =	shalt  }
0x85: {  	_ =	shalt  }
0x86: {  	_ =	shalt  }
0x87: {  	_ =	shalt  }
.Lfunc_end0:
.L_simem_size_0:
called_computation_lowered:
.L_overlay_start_0:
0x88: {  	s2 =	sld [smem:$0x3FD9]  }
0x89: {  	s3 =	sld [smem:$0x3FFE];
	_ =	sdelay $0x1  }
0x8a: {  	s1 =	srdreg.scid  }
0x8b: {  	s0 =	sand.u32 $0x1, s1  }
0x8c: {  	s16 =	sshll.u32 s0, $0xA;
	s2 =	sadd.s32 s3, s2  }
0x8d: {  	s2 =	sadd.s32 s2, s16  }
0x8e: {  	[smem:$0x3FB2] =	sst s2  }
0x8f: {  	_ = 	snop  }
0x90: {  	(tm) =	ssettm $0x1  }
0x91: {  	s17 =	sld [smem:$0x3FFB];
	_ =	sdelay $0x3  }
0x92: {  	_ =	strace s17  }
0x93: {  	s2 =	sld [smem:$0x3FFC];
	_ =	sdelay $0x3  }
0x94: {  	_ =	strace s2  }
0x95: {  	s2 =	sld [smem:$0x3FFD];
	_ =	sdelay $0x3  }
0x96: {  	_ =	strace s2  }
0x97: {  	_ =	strace $0x8FFFFFFF  }
0x98: {  	s18 =	sld [smem:$0x3FDB];
	_ =	sdelay $0x1  }
0x99: {  	s19 =	simm.s32 $_scs_section_size  }
0x9a: {  	s4 =	simm.s32 $_size__tile_overlayer_lowered;
	s5 =	simm.s32 $_tile_overlayer_lowered  }
0x9b: {  	s22 =	simm.s32 $0x1BFF;
	s21 =	sshll.u32 s5, $0x1;
	s2 =	sadd.s32 s19, s18  }
0x9c: {  	s6 =	simm.s32 $0x0;
	s20 =	sshll.u32 s4, $0x1;
	s4 =	sadd.s32 s21, s2  }
0x9d: {  	[timem:s6], [sflag:s22] =	dma.local [hbm:s4], s20  }
0x9e: {  	_ =	swait.ge [sflag:s22], s20  }
0x9f: {  	s3 =	ssub.s32 $0x0, s20;
	[sflag:s22] =	ssyncset.done $0x0  }
0xa0: {  	[sflag:s22] =	ssyncadd.s32 s3;
	_ =	sdelay $0x1  }
0xa1: {  	s23 =	simm.s32 $0x1B8B  }
0xa2: {  	_ =	swait.ge [sflag:s23], $0x1  }
0xa3: {  	[sflag:s23] =	ssyncset.done $0x0  }
0xa4: {  	s25 =	simm.s32 $0x1B8E;
	s24 =	sld [smem:$0x3FFE];
	[sflag:s23] =	ssyncadd.s32 $0xFFFFFFFF  }
0xa5: {  	s26 =	simm.s32 $execute0_lowered;
	[smem:$0x3FD2] =	sst s25  }
0xa6: {  	s4 =	sshll.u32 s26, $0x1;
	_ =	strace $0x80000046;
	[dreg:$0x1] =	wrdreg $0xFFFFFFFF  }
0xa7: {  	s28 =	simm.s32 $_size_execute0_lowered;
	s2 =	sadd.s32 s2, s4;
	[dreg:$0x0] =	wrdreg $0x0  }
0xa8: {  	s4 =	sshll.u32 s28, $0x1;
	[dreg:$0x2] =	wrdreg s2  }
0xa9: {  	[dreg:$0x3] =	wrdreg s4  }
0xaa: {  	[dreg:$0x4] =	wrdreg $0xC0  }
0xab: {  	_ =	task [dreg:s6], $0x5FFFF  }
0xac: {  	[dreg:$0x1] =	wrdreg $0xFFFFFFFF  }
0xad: {  	[dreg:$0x0] =	wrdreg $0x60  }
0xae: {  	[dreg:$0x2] =	wrdreg s24  }
0xaf: {  	[dreg:$0x3] =	wrdreg $0x9  }
0xb0: {  	_ =	task.clear_ibuf [dreg:s6], $0x4FFFF;
	_ =	strace $0x90000046  }
0xb1: {  	s29 =	simm.s32 $0x9;
	_ =	strace $0x80000048  }
0xb2: {  	_ =	swait.ge [sflag:s29], $0x1  }
0xb3: {  	[sflag:s29] =	ssyncadd.s32 $0xFFFFFFFF  }
0xb4: {  	_ =	strace $0x90000048  }
0xb5: {  	_ =	sfence  }
0xb6: {  	s30 =	sld [smem:$0x0];
	_ =	sdelay $0x2  }
0xb7: {  	s31 =	sshll.u32 s1, $0xD;
	s1 =	sshrl.u32 s1, $0x2  }
0xb8: {  	s3 =	sand.u32 $0x4000, s31;
	s1 =	sadd.s32 s1, s30  }
0xb9: {  	s0 =	sor.u32 s3, s0;
	s1 =	sshll.u32 s1, $0x11  }
0xba: {  	s0 =	sor.u32 s1, s0  }
0xbb: {  	s0 =	sadd.s32 $0x8F2B, s0  }
0xbc: {  	[sflag:s0] =	ssyncadd.remote.s32 $0x1  }
0xbd: {  	_ =	sfence.sel $0xFFFF  }
0xbe: {  	[dreg:$0x0] =	wrdreg $0xFFFFFFFF;
	(pc) =	sbr.abs _section_cstart, $3  }
0xbf: {  	[dreg:$0x1] =	wrdreg $0xFFFFFFFF  }
0xc0: {  	_ =	task.clear_ibuf [dreg:s6], $0x2FFFF;
	_ =	strace $0x9FFFFFFF  }
0xc1: {  	(tm) =	ssettm $0x7FFFFFFF  }
tec
execute0_lowered:
.L_overlay_start_1:
0x0: {  	(tag) =	ssettag $0x1  }
0x1: {  	s0 =	srdreg.scid  }
0x2: {  	s4 =	rddreg [dreg:$0x0];
	s3 =	sand.u32 $0x1, s0  }
0x3: {  	s2 =	simm.s32 $0x0;
	s0 =	stileid.u32;
	s1 =	sshll.u32 s3, $0x4  }
0x4: {  	s8 =	simm.s32 $0x80;
	s9 =	simm.s32 $0x400;
	s5 =	sor.u32 s0, s1  }
0x5: {  	s10 =	simm.s32 $0x0;
	[smem:$0x7FF] =	sst s2;
	s6 =	sshrl.u32 s5, $0x3  }
0x6: {  	s7 =	sshll.u32 s0, $0x7;
	s3 =	ssub.s32 $0x2, s3;
	s6 =	smul.u32 $0x14000, s6  }
0x7: {  	s1 =	rddreg [dreg:$0x1];
	s7 =	sand.u32 $0x380, s7;
	_ =	strace $0x80000047  }
0x8: {  	s31 =	sshrl.u32 s3, $0x1;
	s5 =	sshll.u32 s5, $0xB;
	s6 =	sor.u32 s7, s6  }
0x9: {  	s5 =	sadd.s32 s5, s4;
	s7 =	simm.s32 $0x4000;
	s6 =	sshrl.u32 s6, $0x3  }
0xa: {  	s4 =	sadd.s32 s6, s4;
	s6 =	ssub.s32 s3, s31;
	s3 =	sadd.s32 $0x16C00, s5  }
0xb: {  	v0 =	vimm.f32 $0.0e+00;
	v1 =	vimm.f32 $1.000000000e+00;
	s4 =	sadd.s32 $0x26C00, s4;
	s5 =	smax.u32 s6, $0x1;
	s6 =	simm.s32 $0x1  }
.LBB2_1:
0xc: {  	[tilespmem:s2], [sflag:$0x1] =	stream.linear.gather [hbm4b:s3+s2], $0x3E80, $0x38;
	[tilespmem:$0x6800] =	vst v63  }
0xd: {  	_ =	swait.ge [sflag:s6], $0x3E80  }
0xe: {  	[sflag:s6] =	ssyncset.done $0x0  }
0xf: {  	s11 =	simm.s32 $0x0;
	[sflag:s6] =	ssyncadd.s32 $0xFFFFC180  }
.LBB2_2:
0x10: {  	p0 =	sne.s32 s11, $0x9FC0  }
.Ltmp0:
0x11: {  	_ = 	snop;
	(pc) =	sbr.rel @p0 .LBB2_2-.Ltmp0, $3  }
0x12: {  	_ =	sdelay $0x1  }
0x13: {  	s12 =	sshra.s32 s11, $0x2  }
0x14: {  	s11 =	sadd.s32 $0x40, s11;
	[tilespmem:s12+$0x4000] =	vst v0  }
0x15: {  	s11 =	simm.s32 $0x100  }
.LBB2_4:
0x16: {  	s12 =	sshra.s32 s11, $0x2  }
0x17: {  	v2 =	vld [tilespmem:s12+$0xFFFFFFC0];
	_ =	sdelay $0x7  }
0x18: {  	[tilespmem:v2+s7+$0x0] =	vst.idx.add.f32.msk $0xffff, v1  }
0x19: {  	v2 =	vld [tilespmem:s12+$0xFFFFFFD0];
	_ =	sdelay $0x7  }
0x1a: {  	[tilespmem:v2+s7+$0x0] =	vst.idx.add.f32.msk $0xffff, v1  }
0x1b: {  	v2 =	vld [tilespmem:s12+$0xFFFFFFE0];
	_ =	sdelay $0x7  }
0x1c: {  	[tilespmem:v2+s7+$0x0] =	vst.idx.add.f32.msk $0xffff, v1  }
0x1d: {  	v2 =	vld [tilespmem:s12+$0xFFFFFFF0];
	_ =	sdelay $0x7  }
0x1e: {  	[tilespmem:v2+s7+$0x0] =	vst.idx.add.f32.msk $0xffff, v1  }
0x1f: {  	v2 =	vld [tilespmem:s12+$0x0];
	_ =	sdelay $0x2  }
0x20: {  	p0 =	sne.s32 s11, $0xF900  }
.Ltmp1:
0x21: {  	_ = 	snop;
	(pc) =	sbr.rel @p0 .LBB2_4-.Ltmp1, $2  }
0x22: {  	_ =	sdelay $0x2  }
0x23: {  	s11 =	sadd.s32 $0x200, s11;
	[tilespmem:v2+s7+$0x0] =	vst.idx.add.f32.msk $0xffff, v1  }
0x24: {  	s10 =	sadd.s32 $0x1, s10  }
0x25: {  	p0 =	sne.s32 s10, s5  }
.Ltmp2:
0x26: {  	_ = 	snop;
	(pc) =	sbr.rel @p0 .LBB2_1-.Ltmp2, $4  }
0x27: {  	[hbm4b:s4+s8] =	stream.strided.scatter [tilespmem:s7], [sflag:$0x1], $0x2800, s9, s8, $0x38;
	[tilespmem:$0x6800] =	vst v63  }
0x28: {  	_ =	swait.ge [sflag:s6], $0x2800  }
0x29: {  	[sflag:s6] =	ssyncset.done $0x0  }
0x2a: {  	[sflag:s6] =	ssyncadd.s32 $0xFFFFD800  }
0x2b: {  	_ =	sfence.sel $0x180000  }
0x2c: {  	[bflag:$0x0] =	sbarrier.arrive $0xFFFF  }
0x2d: {  	p0 =	sne.s32 s0, $0x0;
	_ =	strace $0x90000047  }
0x2e: {  	s0 =	sadd.s32 @!p0 $0x100000, s1;
	[bflag:$0x2] =	sbarrier.arrive $0xFFFF  }
0x2f: {  	[sflag:s0] =	ssyncadd.tile.s32 @!p0 $0x1;
	_ =	shalt  }
.Lfunc_end2:
_tile_overlayer_lowered:
.L_overlay_start_2:
0x30: {  	(tag) =	ssettag $0x2  }
0x31: {  	s0 =	rddreg [dreg:$0x0];
	s2 =	stileid.u32  }
0x32: {  	s1 =	rddreg [dreg:$0x1];
	p0 =	sne.s32 s2, $0x0  }
0x33: {  	s3 =	rddreg [dreg:$0x2];
	[bflag:$0x3] =	sbarrier.arrive $0xFFFF;
	s2 =	simm.s32 @!p0 $0x1C01  }
0x34: {  	[timem:s3], [sflag:s2] =	dma.local @!p0 [hbm:s0], s1  }
0x35: {  	s0 =	simm.s32 @!p0 $0x1  }
0x36: {  	_ =	swait.ge @!p0 [sflag:s0], s1  }
0x37: {  	s1 =	ssub.s32 @!p0 $0x0, s1;
	[sflag:s0] =	ssyncset.done @!p0 $0x0  }
0x38: {  	[sflag:s0] =	ssyncadd.s32 @!p0 s1  }
0x39: {  	[bflag:$0x3] =	sbarrier.arrive $0xFFFF  }
0x3a: {  	_ =	shalt  }

</sc_bundles>
